<compile_context>
chip_gen: v7x
topology: tpu7x:2x2x1
jax: 0.10.2.dev20260603
libtpu: 0.0.44.dev20260713+nightly
codegen_flags: <defaults>
</compile_context>

<pallas_src>
import functools

import numpy as np
import jax
import jax.numpy as jnp
from jax import lax
from jax.experimental import pallas as pl
from jax.experimental.pallas import tpu as pltpu
from jax.experimental.pallas import tpu_sc as plsc

_BINS = 64
_SIGMA = 100.0
_DELTA = 1.0 / _BINS
_NF = 8192
_NFP = 8320
_W = 384
_ROWS_PER_PLANE = 384
_NROWS = 6 * _ROWS_PER_PLANE
_PLANE = _ROWS_PER_PLANE * _W
_NPLANES = 6
_NTILES = 32
_TROWS = _NROWS // 16
_RVECS = _W // 16
_HSIZE = 2 * _NFP


def _weights() -> np.ndarray:
    q = np.arange(_NF + 1, dtype=np.float64) / _NF
    edges = _DELTA * np.arange(_BINS, dtype=np.float64)
    a = _SIGMA * (q[:, None] - edges[None, :])
    w = 1.0 / (1.0 + np.exp(-a)) - 1.0 / (1.0 + np.exp(-(a - _SIGMA * _DELTA)))
    out = np.zeros((_NFP, _BINS), dtype=np.float32)
    out[: _NF + 1] = w.astype(np.float32)
    return out


def _fold_matrix() -> np.ndarray:
    a = np.zeros((_NPLANES, 2 * _NTILES), dtype=np.float32)
    for wid in range(_NTILES):
        sign = 1.0 if wid < 16 else -1.0
        tid = wid % 16
        r = tid * _TROWS
        p0 = r // _ROWS_PER_PLANE
        a[p0, 2 * wid] = sign
        if (r + _TROWS - 1) // _ROWS_PER_PLANE > p0:
            a[p0 + 1, 2 * wid + 1] = sign
    return a


_W_NP = _weights()
_A_NP = _fold_matrix()


def _sc_hist_body(out_arr, tgt_arr, part, pix, hist, sem):
    c = lax.axis_index("c")
    s = lax.axis_index("s")
    wid = s * 2 + c
    aid = wid // 16
    tid = wid % 16
    row0 = tid * _TROWS
    p0 = row0 // _ROWS_PER_PLANE
    brow = jnp.minimum((p0 + 1) * _ROWS_PER_PLANE, row0 + _TROWS) - row0

    @pl.when(aid == 0)
    def _():
        pltpu.async_copy(out_arr.at[pl.ds(row0, _TROWS), :], pix, sem)

    @pl.when(aid == 1)
    def _():
        pltpu.async_copy(tgt_arr.at[pl.ds(row0, _TROWS), :], pix, sem)

    zero = jnp.zeros((16,), jnp.float32)

    @plsc.parallel_loop(0, _HSIZE // 16, unroll=8)
    def _(k):
        hist[pl.ds(k * 16, 16)] = zero

    pltpu.make_async_copy(out_arr.at[pl.ds(row0, _TROWS), :], pix, sem).wait()

    ones = jnp.full((16,), 1.0, jnp.float32)

    def _scatter_rows(nrows, rbase, off):
        @plsc.parallel_loop(0, nrows, unroll=2)
        def _(r):
            row = rbase + r
            for k in range(_RVECS):
                v = pix[row, pl.ds(k * 16, 16)]
                u = v * float(_NF) + 0.5
                i = u.astype(jnp.int32)
                plsc.addupdate_scatter(hist, [i + off if off else i], ones)

    _scatter_rows(brow, 0, 0)
    _scatter_rows(_TROWS - brow, brow, _NFP)

    sync = pltpu.sync_copy
    sync(hist.at[pl.ds(0, _NFP)], part.at[2 * wid])
    sync(hist.at[pl.ds(_NFP, _NFP)], part.at[2 * wid + 1])


@functools.cache
def _sc_hist():
    return pl.kernel(
        _sc_hist_body,
        out_type=jax.ShapeDtypeStruct((2 * _NTILES, _NFP), jnp.float32),
        mesh=plsc.VectorSubcoreMesh(core_axis_name="c", subcore_axis_name="s"),
        scratch_types=[
            pltpu.VMEM((_TROWS, _W), jnp.float32),
            pltpu.VMEM((_HSIZE,), jnp.float32),
            pltpu.SemaphoreType.DMA,
        ],
        compiler_params=pltpu.CompilerParams(needs_layout_passes=False),
    )


def _tc_loss_body(part_ref, w_ref, a_ref, out_ref):
    d = jnp.dot(a_ref[...], part_ref[...], preferred_element_type=jnp.float32)
    h = jnp.dot(d, w_ref[...], preferred_element_type=jnp.float32)
    loss = jnp.sum(jnp.abs(h)) * (1.0 / (_NPLANES * _BINS * _PLANE))
    out_ref[...] = jnp.reshape(loss, (1, 1))


def kernel(output, target):
    o2 = output.reshape(_NROWS, _W)
    t2 = target.reshape(_NROWS, _W)
    part = _sc_hist()(o2, t2)
    loss = pl.pallas_call(
        _tc_loss_body,
        out_shape=jax.ShapeDtypeStruct((1, 1), jnp.float32),
    )(part, jnp.asarray(_W_NP), jnp.asarray(_A_NP))
    return loss[0, 0]

# --- scband reference (transcript-rebuilt; emitter-appended) ---
"""Pipeline reference for scband-histogram-loss-26079041421745 (READ-ONLY COPY).

The authoritative reference and input builder live on the scoring server;
editing this copy changes nothing except your own understanding.
"""

import jax, jax.numpy as jnp
import numpy as np

BINS = 64
MIN_V = 0.0
MAX_V = 1.0
SIGMA = 100.0


def soft_histogram(x, bins, min_value, max_value, sigma):
    # x: [N, H, W] -> hist: [N, bins]
    delta = (max_value - min_value) / bins
    centers = min_value + delta * (jnp.arange(bins, dtype=x.dtype) + 0.5)  # [bins]
    xf = x.reshape(x.shape[0], 1, -1)  # [N, 1, HW]
    diff = xf - centers[None, :, None]  # [N, bins, HW]
    hist = jax.nn.sigmoid(sigma * (diff + delta / 2)) - jax.nn.sigmoid(sigma * (diff - delta / 2))
    return hist.sum(axis=-1)  # [N, bins]


def setup_inputs(seed: int = 0) -> dict:
    key = jax.random.key(seed)
    k1, k2 = jax.random.split(key)
    output = jax.random.uniform(k1, (2, 3, 384, 384), dtype=jnp.float32)
    target = jax.random.uniform(k2, (2, 3, 384, 384), dtype=jnp.float32)
    return {"output": output, "target": target}


def reference(output, target):
    B, C, H, W = output.shape
    o = output.reshape(B * C, H, W)
    t = target.reshape(B * C, H, W)
    output_hist = soft_histogram(o, BINS, MIN_V, MAX_V, SIGMA).reshape(B, C, BINS)
    target_hist = soft_histogram(t, BINS, MIN_V, MAX_V, SIGMA).reshape(B, C, BINS)
    # normalize is True -> factor = max(1, H*W)
    factor = max(1, H * W)
    output_hist = output_hist / factor
    target_hist = target_hist / factor
    # l1 loss with default mean reduction
    return jnp.mean(jnp.abs(output_hist - target_hist))

if __name__ == "__main__":
    import jax
    _d = setup_inputs()
    print(jax.jit(kernel)(*tuple(_d.values())))

</pallas_src>

<mosaic_0001>
#map = affine_map<(d0, d1) -> (0, 0)>
module attributes {stable_mosaic.version = 14 : i64} {
  func.func @_sc_hist_body(%arg0: i32, %arg1: i32, %arg2: memref<2304x384xf32, #tpu.memory_space<hbm>>, %arg3: memref<2304x384xf32, #tpu.memory_space<hbm>>, %arg4: memref<64x8320xf32, #tpu.memory_space<hbm>>, %arg5: memref<144x384xf32, #tpu.memory_space<vmem>>, %arg6: memref<16640xf32, #tpu.memory_space<vmem>>, %arg7: memref<!tpu.dma_semaphore, #tpu.memory_space<semaphore_mem>>) attributes {dimension_semantics = [#tpu.dimension_semantics<core_parallel>, #tpu.dimension_semantics<subcore_parallel>], iteration_bounds = array<i64: 2, 16>, scalar_prefetch = 0 : i64, scratch_operands = 3 : i64, tpu.core_type = #tpu.core_type<sc_vector_subcore>, window_params = [{transform_indices = #map}, {transform_indices = #map}, {transform_indices = #map}]} {
    %mul3A = arith.constant 2 : i32
    %mul3A_0 = arith.muli %arg1, %mul3A : i32
    %add3A = arith.addi %mul3A_0, %arg0 : i32
    %jit3A = arith.constant 16 : i32
    %div3A = arith.divsi %add3A, %jit3A : i32
    %sign3A = arith.constant 0 : i32
    %sign3A_1 = arith.cmpi sgt, %add3A, %sign3A : i32
    %sign3A_2 = arith.extui %sign3A_1 : i1 to i32
    %sign3A_3 = arith.constant 0 : i32
    %sign3A_4 = arith.cmpi slt, %add3A, %sign3A_3 : i32
    %sign3A_5 = arith.extui %sign3A_4 : i1 to i32
    %sign3A_6 = arith.subi %sign3A_2, %sign3A_5 : i32
    %sign3A_7 = arith.constant 0 : i32
    %sign3A_8 = arith.cmpi sgt, %jit3A, %sign3A_7 : i32
    %sign3A_9 = arith.extui %sign3A_8 : i1 to i32
    %sign3A_10 = arith.constant 0 : i32
    %sign3A_11 = arith.cmpi slt, %jit3A, %sign3A_10 : i32
    %sign3A_12 = arith.extui %sign3A_11 : i1 to i32
    %sign3A_13 = arith.subi %sign3A_9, %sign3A_12 : i32
    %ne3A = arith.cmpi ne, %sign3A_6, %sign3A_13 : i32
    %rem3A = arith.remsi %add3A, %jit3A : i32
    %ne3A_14 = arith.constant 0 : i32
    %ne3A_15 = arith.cmpi ne, %rem3A, %ne3A_14 : i32
    %and3A = arith.andi %ne3A, %ne3A_15 : i1
    %sub3A = arith.constant 1 : i32
    %sub3A_16 = arith.subi %div3A, %sub3A : i32
    %select_n3A = arith.select %and3A, %sub3A_16, %div3A : i32
    %jit3A_17 = arith.constant 16 : i32
    %eq3A = arith.constant 0 : i32
    %eq3A_18 = arith.cmpi eq, %jit3A_17, %eq3A : i32
    %jit3A_19 = arith.constant 1 : i32
    %select_n3A_20 = arith.select %eq3A_18, %jit3A_19, %jit3A_17 : i32
    %rem3A_21 = arith.remsi %add3A, %select_n3A_20 : i32
    %ne3A_22 = arith.constant 0 : i32
    %ne3A_23 = arith.cmpi ne, %rem3A_21, %ne3A_22 : i32
    %lt3A = arith.constant 0 : i32
    %lt3A_24 = arith.cmpi slt, %rem3A_21, %lt3A : i32
    %lt3A_25 = arith.constant 0 : i32
    %lt3A_26 = arith.cmpi slt, %select_n3A_20, %lt3A_25 : i32
    %ne3A_27 = arith.xori %lt3A_24, %lt3A_26 : i1
    %and3A_28 = arith.andi %ne3A_27, %ne3A_23 : i1
    %add3A_29 = arith.addi %rem3A_21, %select_n3A_20 : i32
    %select_n3A_30 = arith.select %and3A_28, %add3A_29, %rem3A_21 : i32
    %mul3A_31 = arith.constant 144 : i32
    %mul3A_32 = arith.muli %select_n3A_30, %mul3A_31 : i32
    %jit3A_33 = arith.constant 384 : i32
    %div3A_34 = arith.divsi %mul3A_32, %jit3A_33 : i32
    %sign3A_35 = arith.constant 0 : i32
    %sign3A_36 = arith.cmpi sgt, %mul3A_32, %sign3A_35 : i32
    %sign3A_37 = arith.extui %sign3A_36 : i1 to i32
    %sign3A_38 = arith.constant 0 : i32
    %sign3A_39 = arith.cmpi slt, %mul3A_32, %sign3A_38 : i32
    %sign3A_40 = arith.extui %sign3A_39 : i1 to i32
    %sign3A_41 = arith.subi %sign3A_37, %sign3A_40 : i32
    %sign3A_42 = arith.constant 0 : i32
    %sign3A_43 = arith.cmpi sgt, %jit3A_33, %sign3A_42 : i32
    %sign3A_44 = arith.extui %sign3A_43 : i1 to i32
    %sign3A_45 = arith.constant 0 : i32
    %sign3A_46 = arith.cmpi slt, %jit3A_33, %sign3A_45 : i32
    %sign3A_47 = arith.extui %sign3A_46 : i1 to i32
    %sign3A_48 = arith.subi %sign3A_44, %sign3A_47 : i32
    %ne3A_49 = arith.cmpi ne, %sign3A_41, %sign3A_48 : i32
    %rem3A_50 = arith.remsi %mul3A_32, %jit3A_33 : i32
    %ne3A_51 = arith.constant 0 : i32
    %ne3A_52 = arith.cmpi ne, %rem3A_50, %ne3A_51 : i32
    %and3A_53 = arith.andi %ne3A_49, %ne3A_52 : i1
    %sub3A_54 = arith.constant 1 : i32
    %sub3A_55 = arith.subi %div3A_34, %sub3A_54 : i32
    %select_n3A_56 = arith.select %and3A_53, %sub3A_55, %div3A_34 : i32
    %add3A_57 = arith.constant 1 : i32
    %add3A_58 = arith.addi %select_n3A_56, %add3A_57 : i32
    %mul3A_59 = arith.constant 384 : i32
    %mul3A_60 = arith.muli %add3A_58, %mul3A_59 : i32
    %add3A_61 = arith.constant 144 : i32
    %add3A_62 = arith.addi %mul3A_32, %add3A_61 : i32
    %min3A = arith.minsi %mul3A_60, %add3A_62 : i32
    %sub3A_63 = arith.subi %min3A, %mul3A_32 : i32
    %eq3A_64 = arith.constant 0 : i32
    %eq3A_65 = arith.cmpi eq, %select_n3A, %eq3A_64 : i32
    %convert_element_type3A = arith.extui %eq3A_65 : i1 to i32
    %cond3A = arith.constant 0 : i32
    %cond3A_66 = arith.cmpi ne, %convert_element_type3A, %cond3A : i32
    scf.if %cond3A_66 {
      %dma_start3A = arith.constant 0 : i32
      %dma_start3A_92 = tpu.memref_slice %arg2[%mul3A_32, %dma_start3A] : memref<2304x384xf32, #tpu.memory_space<hbm>> -> memref<144x384xf32, #tpu.memory_space<hbm>>
      %dma_start3A_93 = arith.constant 0 : i32
      %dma_start3A_94 = tpu.memref_slice %arg2[%mul3A_32, %dma_start3A_93] : memref<2304x384xf32, #tpu.memory_space<hbm>> -> memref<144x384xf32, #tpu.memory_space<hbm>>
      tpu.enqueue_dma source(%dma_start3A_94 : memref<144x384xf32, #tpu.memory_space<hbm>>) target(%arg5 : memref<144x384xf32, #tpu.memory_space<vmem>>) target_semaphore(%arg7 : memref<!tpu.dma_semaphore, #tpu.memory_space<semaphore_mem>>)
    } else {
    }
    %eq3A_67 = arith.constant 1 : i32
    %eq3A_68 = arith.cmpi eq, %select_n3A, %eq3A_67 : i32
    %convert_element_type3A_69 = arith.extui %eq3A_68 : i1 to i32
    %cond3A_70 = arith.constant 0 : i32
    %cond3A_71 = arith.cmpi ne, %convert_element_type3A_69, %cond3A_70 : i32
    scf.if %cond3A_71 {
      %dma_start3A = arith.constant 0 : i32
      %dma_start3A_92 = tpu.memref_slice %arg3[%mul3A_32, %dma_start3A] : memref<2304x384xf32, #tpu.memory_space<hbm>> -> memref<144x384xf32, #tpu.memory_space<hbm>>
      %dma_start3A_93 = arith.constant 0 : i32
      %dma_start3A_94 = tpu.memref_slice %arg3[%mul3A_32, %dma_start3A_93] : memref<2304x384xf32, #tpu.memory_space<hbm>> -> memref<144x384xf32, #tpu.memory_space<hbm>>
      tpu.enqueue_dma source(%dma_start3A_94 : memref<144x384xf32, #tpu.memory_space<hbm>>) target(%arg5 : memref<144x384xf32, #tpu.memory_space<vmem>>) target_semaphore(%arg7 : memref<!tpu.dma_semaphore, #tpu.memory_space<semaphore_mem>>)
    } else {
    }
    %broadcast_in_dim3A = arith.constant 0.000000e+00 : f32
    %broadcast_in_dim3A_72 = vector.broadcast %broadcast_in_dim3A : f32 to vector<16xf32>
    %parallel_loop3A = arith.constant 0 : i32
    %parallel_loop3A_73 = arith.constant 1040 : i32
    %parallel_loop3A_74 = arith.constant 1 : i32
    scf.for %parallel_loop3A_92 = %parallel_loop3A to %parallel_loop3A_73 step %parallel_loop3A_74  : i32 {
      %parallel_loop3A_93 = arith.constant 16 : i32
      %parallel_loop3A_94 = arith.muli %parallel_loop3A_92, %parallel_loop3A_93 : i32
      %parallel_loop3A_95 = arith.index_cast %parallel_loop3A_94 : i32 to index
      %parallel_loop3A_96 = tpu.vector_load %arg6[%parallel_loop3A_95] {strides = array<i32>} : memref<16640xf32, #tpu.memory_space<vmem>>, vector<16xf32>,
      tpu.vector_store %arg6[%parallel_loop3A_95], %broadcast_in_dim3A_72 {strides = array<i32>} : memref<16640xf32, #tpu.memory_space<vmem>>, vector<16xf32>,
    } {sc.loop_unroll_factor = 8 : i64, sc.parallel_access}
    %dma_wait3A = arith.constant 0 : i32
    %dma_wait3A_75 = tpu.memref_slice %arg2[%mul3A_32, %dma_wait3A] : memref<2304x384xf32, #tpu.memory_space<hbm>> -> memref<144x384xf32, #tpu.memory_space<hbm>>
    %dma_wait3A_76 = arith.constant 0 : i32
    %dma_wait3A_77 = tpu.memref_slice %arg2[%mul3A_32, %dma_wait3A_76] : memref<2304x384xf32, #tpu.memory_space<hbm>> -> memref<144x384xf32, #tpu.memory_space<hbm>>
    tpu.wait_dma2 semaphore(%arg7 : memref<!tpu.dma_semaphore, #tpu.memory_space<semaphore_mem>>) src(%dma_wait3A_77 : memref<144x384xf32, #tpu.memory_space<hbm>>) dst(%arg5 : memref<144x384xf32, #tpu.memory_space<vmem>>)
    %broadcast_in_dim3A_78 = arith.constant 1.000000e+00 : f32
    %broadcast_in_dim3A_79 = vector.broadcast %broadcast_in_dim3A_78 : f32 to vector<16xf32>
    %parallel_loop3A_80 = arith.constant 0 : i32
    %parallel_loop3A_81 = arith.constant 1 : i32
    scf.for %parallel_loop3A_92 = %parallel_loop3A_80 to %sub3A_63 step %parallel_loop3A_81  : i32 {
      %parallel_loop3A_93 = arith.constant 0 : i32
      %parallel_loop3A_94 = arith.addi %parallel_loop3A_93, %parallel_loop3A_92 : i32
      %parallel_loop3A_95 = arith.index_cast %parallel_loop3A_94 : i32 to index
      %parallel_loop3A_96 = arith.constant 0 : index
      %parallel_loop3A_97 = tpu.vector_load %arg5[%parallel_loop3A_95, %parallel_loop3A_96] {strides = array<i32>} : memref<144x384xf32, #tpu.memory_space<vmem>>, vector<16xf32>,
      %parallel_loop3A_98 = arith.constant 8.192000e+03 : f32
      %parallel_loop3A_99 = vector.broadcast %parallel_loop3A_98 : f32 to vector<16xf32>
      %parallel_loop3A_100 = arith.mulf %parallel_loop3A_97, %parallel_loop3A_99 : vector<16xf32>
      %parallel_loop3A_101 = arith.constant 5.000000e-01 : f32
      %parallel_loop3A_102 = vector.broadcast %parallel_loop3A_101 : f32 to vector<16xf32>
      %parallel_loop3A_103 = arith.addf %parallel_loop3A_100, %parallel_loop3A_102 : vector<16xf32>
      %parallel_loop3A_104 = arith.fptosi %parallel_loop3A_103 : vector<16xf32> to vector<16xi32>
      tpu.vector_store_idx %arg6[%parallel_loop3A_104], %broadcast_in_dim3A_79 {add = true} : memref<16640xf32, #tpu.memory_space<vmem>>[vector<16xi32>], vector<16xf32>,
      %parallel_loop3A_105 = arith.index_cast %parallel_loop3A_94 : i32 to index
      %parallel_loop3A_106 = arith.constant 16 : index
      %parallel_loop3A_107 = tpu.vector_load %arg5[%parallel_loop3A_105, %parallel_loop3A_106] {strides = array<i32>} : memref<144x384xf32, #tpu.memory_space<vmem>>, vector<16xf32>,
      %parallel_loop3A_108 = arith.constant 8.192000e+03 : f32
      %parallel_loop3A_109 = vector.broadcast %parallel_loop3A_108 : f32 to vector<16xf32>
      %parallel_loop3A_110 = arith.mulf %parallel_loop3A_107, %parallel_loop3A_109 : vector<16xf32>
      %parallel_loop3A_111 = arith.constant 5.000000e-01 : f32
      %parallel_loop3A_112 = vector.broadcast %parallel_loop3A_111 : f32 to vector<16xf32>
      %parallel_loop3A_113 = arith.addf %parallel_loop3A_110, %parallel_loop3A_112 : vector<16xf32>
      %parallel_loop3A_114 = arith.fptosi %parallel_loop3A_113 : vector<16xf32> to vector<16xi32>
      tpu.vector_store_idx %arg6[%parallel_loop3A_114], %broadcast_in_dim3A_79 {add = true} : memref<16640xf32, #tpu.memory_space<vmem>>[vector<16xi32>], vector<16xf32>,
      %parallel_loop3A_115 = arith.index_cast %parallel_loop3A_94 : i32 to index
      %parallel_loop3A_116 = arith.constant 32 : index
      %parallel_loop3A_117 = tpu.vector_load %arg5[%parallel_loop3A_115, %parallel_loop3A_116] {strides = array<i32>} : memref<144x384xf32, #tpu.memory_space<vmem>>, vector<16xf32>,
      %parallel_loop3A_118 = arith.constant 8.192000e+03 : f32
      %parallel_loop3A_119 = vector.broadcast %parallel_loop3A_118 : f32 to vector<16xf32>
      %parallel_loop3A_120 = arith.mulf %parallel_loop3A_117, %parallel_loop3A_119 : vector<16xf32>
      %parallel_loop3A_121 = arith.constant 5.000000e-01 : f32
      %parallel_loop3A_122 = vector.broadcast %parallel_loop3A_121 : f32 to vector<16xf32>
      %parallel_loop3A_123 = arith.addf %parallel_loop3A_120, %parallel_loop3A_122 : vector<16xf32>
      %parallel_loop3A_124 = arith.fptosi %parallel_loop3A_123 : vector<16xf32> to vector<16xi32>
      tpu.vector_store_idx %arg6[%parallel_loop3A_124], %broadcast_in_dim3A_79 {add = true} : memref<16640xf32, #tpu.memory_space<vmem>>[vector<16xi32>], vector<16xf32>,
      %parallel_loop3A_125 = arith.index_cast %parallel_loop3A_94 : i32 to index
      %parallel_loop3A_126 = arith.constant 48 : index
      %parallel_loop3A_127 = tpu.vector_load %arg5[%parallel_loop3A_125, %parallel_loop3A_126] {strides = array<i32>} : memref<144x384xf32, #tpu.memory_space<vmem>>, vector<16xf32>,
      %parallel_loop3A_128 = arith.constant 8.192000e+03 : f32
      %parallel_loop3A_129 = vector.broadcast %parallel_loop3A_128 : f32 to vector<16xf32>
      %parallel_loop3A_130 = arith.mulf %parallel_loop3A_127, %parallel_loop3A_129 : vector<16xf32>
      %parallel_loop3A_131 = arith.constant 5.000000e-01 : f32
      %parallel_loop3A_132 = vector.broadcast %parallel_loop3A_131 : f32 to vector<16xf32>
      %parallel_loop3A_133 = arith.addf %parallel_loop3A_130, %parallel_loop3A_132 : vector<16xf32>
      %parallel_loop3A_134 = arith.fptosi %parallel_loop3A_133 : vector<16xf32> to vector<16xi32>
      tpu.vector_store_idx %arg6[%parallel_loop3A_134], %broadcast_in_dim3A_79 {add = true} : memref<16640xf32, #tpu.memory_space<vmem>>[vector<16xi32>], vector<16xf32>,
      %parallel_loop3A_135 = arith.index_cast %parallel_loop3A_94 : i32 to index
      %parallel_loop3A_136 = arith.constant 64 : index
      %parallel_loop3A_137 = tpu.vector_load %arg5[%parallel_loop3A_135, %parallel_loop3A_136] {strides = array<i32>} : memref<144x384xf32, #tpu.memory_space<vmem>>, vector<16xf32>,
      %parallel_loop3A_138 = arith.constant 8.192000e+03 : f32
      %parallel_loop3A_139 = vector.broadcast %parallel_loop3A_138 : f32 to vector<16xf32>
      %parallel_loop3A_140 = arith.mulf %parallel_loop3A_137, %parallel_loop3A_139 : vector<16xf32>
      %parallel_loop3A_141 = arith.constant 5.000000e-01 : f32
      %parallel_loop3A_142 = vector.broadcast %parallel_loop3A_141 : f32 to vector<16xf32>
      %parallel_loop3A_143 = arith.addf %parallel_loop3A_140, %parallel_loop3A_142 : vector<16xf32>
      %parallel_loop3A_144 = arith.fptosi %parallel_loop3A_143 : vector<16xf32> to vector<16xi32>
      tpu.vector_store_idx %arg6[%parallel_loop3A_144], %broadcast_in_dim3A_79 {add = true} : memref<16640xf32, #tpu.memory_space<vmem>>[vector<16xi32>], vector<16xf32>,
      %parallel_loop3A_145 = arith.index_cast %parallel_loop3A_94 : i32 to index
      %parallel_loop3A_146 = arith.constant 80 : index
      %parallel_loop3A_147 = tpu.vector_load %arg5[%parallel_loop3A_145, %parallel_loop3A_146] {strides = array<i32>} : memref<144x384xf32, #tpu.memory_space<vmem>>, vector<16xf32>,
      %parallel_loop3A_148 = arith.constant 8.192000e+03 : f32
      %parallel_loop3A_149 = vector.broadcast %parallel_loop3A_148 : f32 to vector<16xf32>
      %parallel_loop3A_150 = arith.mulf %parallel_loop3A_147, %parallel_loop3A_149 : vector<16xf32>
      %parallel_loop3A_151 = arith.constant 5.000000e-01 : f32
      %parallel_loop3A_152 = vector.broadcast %parallel_loop3A_151 : f32 to vector<16xf32>
      %parallel_loop3A_153 = arith.addf %parallel_loop3A_150, %parallel_loop3A_152 : vector<16xf32>
      %parallel_loop3A_154 = arith.fptosi %parallel_loop3A_153 : vector<16xf32> to vector<16xi32>
      tpu.vector_store_idx %arg6[%parallel_loop3A_154], %broadcast_in_dim3A_79 {add = true} : memref<16640xf32, #tpu.memory_space<vmem>>[vector<16xi32>], vector<16xf32>,
      %parallel_loop3A_155 = arith.index_cast %parallel_loop3A_94 : i32 to index
      %parallel_loop3A_156 = arith.constant 96 : index
      %parallel_loop3A_157 = tpu.vector_load %arg5[%parallel_loop3A_155, %parallel_loop3A_156] {strides = array<i32>} : memref<144x384xf32, #tpu.memory_space<vmem>>, vector<16xf32>,
      %parallel_loop3A_158 = arith.constant 8.192000e+03 : f32
      %parallel_loop3A_159 = vector.broadcast %parallel_loop3A_158 : f32 to vector<16xf32>
      %parallel_loop3A_160 = arith.mulf %parallel_loop3A_157, %parallel_loop3A_159 : vector<16xf32>
      %parallel_loop3A_161 = arith.constant 5.000000e-01 : f32
      %parallel_loop3A_162 = vector.broadcast %parallel_loop3A_161 : f32 to vector<16xf32>
      %parallel_loop3A_163 = arith.addf %parallel_loop3A_160, %parallel_loop3A_162 : vector<16xf32>
      %parallel_loop3A_164 = arith.fptosi %parallel_loop3A_163 : vector<16xf32> to vector<16xi32>
      tpu.vector_store_idx %arg6[%parallel_loop3A_164], %broadcast_in_dim3A_79 {add = true} : memref<16640xf32, #tpu.memory_space<vmem>>[vector<16xi32>], vector<16xf32>,
      %parallel_loop3A_165 = arith.index_cast %parallel_loop3A_94 : i32 to index
      %parallel_loop3A_166 = arith.constant 112 : index
      %parallel_loop3A_167 = tpu.vector_load %arg5[%parallel_loop3A_165, %parallel_loop3A_166] {strides = array<i32>} : memref<144x384xf32, #tpu.memory_space<vmem>>, vector<16xf32>,
      %parallel_loop3A_168 = arith.constant 8.192000e+03 : f32
      %parallel_loop3A_169 = vector.broadcast %parallel_loop3A_168 : f32 to vector<16xf32>
      %parallel_loop3A_170 = arith.mulf %parallel_loop3A_167, %parallel_loop3A_169 : vector<16xf32>
      %parallel_loop3A_171 = arith.constant 5.000000e-01 : f32
      %parallel_loop3A_172 = vector.broadcast %parallel_loop3A_171 : f32 to vector<16xf32>
      %parallel_loop3A_173 = arith.addf %parallel_loop3A_170, %parallel_loop3A_172 : vector<16xf32>
      %parallel_loop3A_174 = arith.fptosi %parallel_loop3A_173 : vector<16xf32> to vector<16xi32>
      tpu.vector_store_idx %arg6[%parallel_loop3A_174], %broadcast_in_dim3A_79 {add = true} : memref<16640xf32, #tpu.memory_space<vmem>>[vector<16xi32>], vector<16xf32>,
      %parallel_loop3A_175 = arith.index_cast %parallel_loop3A_94 : i32 to index
      %parallel_loop3A_176 = arith.constant 128 : index
      %parallel_loop3A_177 = tpu.vector_load %arg5[%parallel_loop3A_175, %parallel_loop3A_176] {strides = array<i32>} : memref<144x384xf32, #tpu.memory_space<vmem>>, vector<16xf32>,
      %parallel_loop3A_178 = arith.constant 8.192000e+03 : f32
      %parallel_loop3A_179 = vector.broadcast %parallel_loop3A_178 : f32 to vector<16xf32>
      %parallel_loop3A_180 = arith.mulf %parallel_loop3A_177, %parallel_loop3A_179 : vector<16xf32>
      %parallel_loop3A_181 = arith.constant 5.000000e-01 : f32
      %parallel_loop3A_182 = vector.broadcast %parallel_loop3A_181 : f32 to vector<16xf32>
      %parallel_loop3A_183 = arith.addf %parallel_loop3A_180, %parallel_loop3A_182 : vector<16xf32>
      %parallel_loop3A_184 = arith.fptosi %parallel_loop3A_183 : vector<16xf32> to vector<16xi32>
      tpu.vector_store_idx %arg6[%parallel_loop3A_184], %broadcast_in_dim3A_79 {add = true} : memref<16640xf32, #tpu.memory_space<vmem>>[vector<16xi32>], vector<16xf32>,
      %parallel_loop3A_185 = arith.index_cast %parallel_loop3A_94 : i32 to index
      %parallel_loop3A_186 = arith.constant 144 : index
      %parallel_loop3A_187 = tpu.vector_load %arg5[%parallel_loop3A_185, %parallel_loop3A_186] {strides = array<i32>} : memref<144x384xf32, #tpu.memory_space<vmem>>, vector<16xf32>,
      %parallel_loop3A_188 = arith.constant 8.192000e+03 : f32
      %parallel_loop3A_189 = vector.broadcast %parallel_loop3A_188 : f32 to vector<16xf32>
      %parallel_loop3A_190 = arith.mulf %parallel_loop3A_187, %parallel_loop3A_189 : vector<16xf32>
      %parallel_loop3A_191 = arith.constant 5.000000e-01 : f32
      %parallel_loop3A_192 = vector.broadcast %parallel_loop3A_191 : f32 to vector<16xf32>
      %parallel_loop3A_193 = arith.addf %parallel_loop3A_190, %parallel_loop3A_192 : vector<16xf32>
      %parallel_loop3A_194 = arith.fptosi %parallel_loop3A_193 : vector<16xf32> to vector<16xi32>
      tpu.vector_store_idx %arg6[%parallel_loop3A_194], %broadcast_in_dim3A_79 {add = true} : memref<16640xf32, #tpu.memory_space<vmem>>[vector<16xi32>], vector<16xf32>,
      %parallel_loop3A_195 = arith.index_cast %parallel_loop3A_94 : i32 to index
      %parallel_loop3A_196 = arith.constant 160 : index
      %parallel_loop3A_197 = tpu.vector_load %arg5[%parallel_loop3A_195, %parallel_loop3A_196] {strides = array<i32>} : memref<144x384xf32, #tpu.memory_space<vmem>>, vector<16xf32>,
      %parallel_loop3A_198 = arith.constant 8.192000e+03 : f32
      %parallel_loop3A_199 = vector.broadcast %parallel_loop3A_198 : f32 to vector<16xf32>
      %parallel_loop3A_200 = arith.mulf %parallel_loop3A_197, %parallel_loop3A_199 : vector<16xf32>
      %parallel_loop3A_201 = arith.constant 5.000000e-01 : f32
      %parallel_loop3A_202 = vector.broadcast %parallel_loop3A_201 : f32 to vector<16xf32>
      %parallel_loop3A_203 = arith.addf %parallel_loop3A_200, %parallel_loop3A_202 : vector<16xf32>
      %parallel_loop3A_204 = arith.fptosi %parallel_loop3A_203 : vector<16xf32> to vector<16xi32>
      tpu.vector_store_idx %arg6[%parallel_loop3A_204], %broadcast_in_dim3A_79 {add = true} : memref<16640xf32, #tpu.memory_space<vmem>>[vector<16xi32>], vector<16xf32>,
      %parallel_loop3A_205 = arith.index_cast %parallel_loop3A_94 : i32 to index
      %parallel_loop3A_206 = arith.constant 176 : index
      %parallel_loop3A_207 = tpu.vector_load %arg5[%parallel_loop3A_205, %parallel_loop3A_206] {strides = array<i32>} : memref<144x384xf32, #tpu.memory_space<vmem>>, vector<16xf32>,
      %parallel_loop3A_208 = arith.constant 8.192000e+03 : f32
      %parallel_loop3A_209 = vector.broadcast %parallel_loop3A_208 : f32 to vector<16xf32>
      %parallel_loop3A_210 = arith.mulf %parallel_loop3A_207, %parallel_loop3A_209 : vector<16xf32>
      %parallel_loop3A_211 = arith.constant 5.000000e-01 : f32
      %parallel_loop3A_212 = vector.broadcast %parallel_loop3A_211 : f32 to vector<16xf32>
      %parallel_loop3A_213 = arith.addf %parallel_loop3A_210, %parallel_loop3A_212 : vector<16xf32>
      %parallel_loop3A_214 = arith.fptosi %parallel_loop3A_213 : vector<16xf32> to vector<16xi32>
      tpu.vector_store_idx %arg6[%parallel_loop3A_214], %broadcast_in_dim3A_79 {add = true} : memref<16640xf32, #tpu.memory_space<vmem>>[vector<16xi32>], vector<16xf32>,
      %parallel_loop3A_215 = arith.index_cast %parallel_loop3A_94 : i32 to index
      %parallel_loop3A_216 = arith.constant 192 : index
      %parallel_loop3A_217 = tpu.vector_load %arg5[%parallel_loop3A_215, %parallel_loop3A_216] {strides = array<i32>} : memref<144x384xf32, #tpu.memory_space<vmem>>, vector<16xf32>,
      %parallel_loop3A_218 = arith.constant 8.192000e+03 : f32
      %parallel_loop3A_219 = vector.broadcast %parallel_loop3A_218 : f32 to vector<16xf32>
      %parallel_loop3A_220 = arith.mulf %parallel_loop3A_217, %parallel_loop3A_219 : vector<16xf32>
      %parallel_loop3A_221 = arith.constant 5.000000e-01 : f32
      %parallel_loop3A_222 = vector.broadcast %parallel_loop3A_221 : f32 to vector<16xf32>
      %parallel_loop3A_223 = arith.addf %parallel_loop3A_220, %parallel_loop3A_222 : vector<16xf32>
      %parallel_loop3A_224 = arith.fptosi %parallel_loop3A_223 : vector<16xf32> to vector<16xi32>
      tpu.vector_store_idx %arg6[%parallel_loop3A_224], %broadcast_in_dim3A_79 {add = true} : memref<16640xf32, #tpu.memory_space<vmem>>[vector<16xi32>], vector<16xf32>,
      %parallel_loop3A_225 = arith.index_cast %parallel_loop3A_94 : i32 to index
      %parallel_loop3A_226 = arith.constant 208 : index
      %parallel_loop3A_227 = tpu.vector_load %arg5[%parallel_loop3A_225, %parallel_loop3A_226] {strides = array<i32>} : memref<144x384xf32, #tpu.memory_space<vmem>>, vector<16xf32>,
      %parallel_loop3A_228 = arith.constant 8.192000e+03 : f32
      %parallel_loop3A_229 = vector.broadcast %parallel_loop3A_228 : f32 to vector<16xf32>
      %parallel_loop3A_230 = arith.mulf %parallel_loop3A_227, %parallel_loop3A_229 : vector<16xf32>
      %parallel_loop3A_231 = arith.constant 5.000000e-01 : f32
      %parallel_loop3A_232 = vector.broadcast %parallel_loop3A_231 : f32 to vector<16xf32>
      %parallel_loop3A_233 = arith.addf %parallel_loop3A_230, %parallel_loop3A_232 : vector<16xf32>
      %parallel_loop3A_234 = arith.fptosi %parallel_loop3A_233 : vector<16xf32> to vector<16xi32>
      tpu.vector_store_idx %arg6[%parallel_loop3A_234], %broadcast_in_dim3A_79 {add = true} : memref<16640xf32, #tpu.memory_space<vmem>>[vector<16xi32>], vector<16xf32>,
      %parallel_loop3A_235 = arith.index_cast %parallel_loop3A_94 : i32 to index
      %parallel_loop3A_236 = arith.constant 224 : index
      %parallel_loop3A_237 = tpu.vector_load %arg5[%parallel_loop3A_235, %parallel_loop3A_236] {strides = array<i32>} : memref<144x384xf32, #tpu.memory_space<vmem>>, vector<16xf32>,
      %parallel_loop3A_238 = arith.constant 8.192000e+03 : f32
      %parallel_loop3A_239 = vector.broadcast %parallel_loop3A_238 : f32 to vector<16xf32>
      %parallel_loop3A_240 = arith.mulf %parallel_loop3A_237, %parallel_loop3A_239 : vector<16xf32>
      %parallel_loop3A_241 = arith.constant 5.000000e-01 : f32
      %parallel_loop3A_242 = vector.broadcast %parallel_loop3A_241 : f32 to vector<16xf32>
      %parallel_loop3A_243 = arith.addf %parallel_loop3A_240, %parallel_loop3A_242 : vector<16xf32>
      %parallel_loop3A_244 = arith.fptosi %parallel_loop3A_243 : vector<16xf32> to vector<16xi32>
      tpu.vector_store_idx %arg6[%parallel_loop3A_244], %broadcast_in_dim3A_79 {add = true} : memref<16640xf32, #tpu.memory_space<vmem>>[vector<16xi32>], vector<16xf32>,
      %parallel_loop3A_245 = arith.index_cast %parallel_loop3A_94 : i32 to index
      %parallel_loop3A_246 = arith.constant 240 : index
      %parallel_loop3A_247 = tpu.vector_load %arg5[%parallel_loop3A_245, %parallel_loop3A_246] {strides = array<i32>} : memref<144x384xf32, #tpu.memory_space<vmem>>, vector<16xf32>,
      %parallel_loop3A_248 = arith.constant 8.192000e+03 : f32
      %parallel_loop3A_249 = vector.broadcast %parallel_loop3A_248 : f32 to vector<16xf32>
      %parallel_loop3A_250 = arith.mulf %parallel_loop3A_247, %parallel_loop3A_249 : vector<16xf32>
      %parallel_loop3A_251 = arith.constant 5.000000e-01 : f32
      %parallel_loop3A_252 = vector.broadcast %parallel_loop3A_251 : f32 to vector<16xf32>
      %parallel_loop3A_253 = arith.addf %parallel_loop3A_250, %parallel_loop3A_252 : vector<16xf32>
      %parallel_loop3A_254 = arith.fptosi %parallel_loop3A_253 : vector<16xf32> to vector<16xi32>
      tpu.vector_store_idx %arg6[%parallel_loop3A_254], %broadcast_in_dim3A_79 {add = true} : memref<16640xf32, #tpu.memory_space<vmem>>[vector<16xi32>], vector<16xf32>,
      %parallel_loop3A_255 = arith.index_cast %parallel_loop3A_94 : i32 to index
      %parallel_loop3A_256 = arith.constant 256 : index
      %parallel_loop3A_257 = tpu.vector_load %arg5[%parallel_loop3A_255, %parallel_loop3A_256] {strides = array<i32>} : memref<144x384xf32, #tpu.memory_space<vmem>>, vector<16xf32>,
      %parallel_loop3A_258 = arith.constant 8.192000e+03 : f32
      %parallel_loop3A_259 = vector.broadcast %parallel_loop3A_258 : f32 to vector<16xf32>
      %parallel_loop3A_260 = arith.mulf %parallel_loop3A_257, %parallel_loop3A_259 : vector<16xf32>
      %parallel_loop3A_261 = arith.constant 5.000000e-01 : f32
      %parallel_loop3A_262 = vector.broadcast %parallel_loop3A_261 : f32 to vector<16xf32>
      %parallel_loop3A_263 = arith.addf %parallel_loop3A_260, %parallel_loop3A_262 : vector<16xf32>
      %parallel_loop3A_264 = arith.fptosi %parallel_loop3A_263 : vector<16xf32> to vector<16xi32>
      tpu.vector_store_idx %arg6[%parallel_loop3A_264], %broadcast_in_dim3A_79 {add = true} : memref<16640xf32, #tpu.memory_space<vmem>>[vector<16xi32>], vector<16xf32>,
      %parallel_loop3A_265 = arith.index_cast %parallel_loop3A_94 : i32 to index
      %parallel_loop3A_266 = arith.constant 272 : index
      %parallel_loop3A_267 = tpu.vector_load %arg5[%parallel_loop3A_265, %parallel_loop3A_266] {strides = array<i32>} : memref<144x384xf32, #tpu.memory_space<vmem>>, vector<16xf32>,
      %parallel_loop3A_268 = arith.constant 8.192000e+03 : f32
      %parallel_loop3A_269 = vector.broadcast %parallel_loop3A_268 : f32 to vector<16xf32>
      %parallel_loop3A_270 = arith.mulf %parallel_loop3A_267, %parallel_loop3A_269 : vector<16xf32>
      %parallel_loop3A_271 = arith.constant 5.000000e-01 : f32
      %parallel_loop3A_272 = vector.broadcast %parallel_loop3A_271 : f32 to vector<16xf32>
      %parallel_loop3A_273 = arith.addf %parallel_loop3A_270, %parallel_loop3A_272 : vector<16xf32>
      %parallel_loop3A_274 = arith.fptosi %parallel_loop3A_273 : vector<16xf32> to vector<16xi32>
      tpu.vector_store_idx %arg6[%parallel_loop3A_274], %broadcast_in_dim3A_79 {add = true} : memref<16640xf32, #tpu.memory_space<vmem>>[vector<16xi32>], vector<16xf32>,
      %parallel_loop3A_275 = arith.index_cast %parallel_loop3A_94 : i32 to index
      %parallel_loop3A_276 = arith.constant 288 : index
      %parallel_loop3A_277 = tpu.vector_load %arg5[%parallel_loop3A_275, %parallel_loop3A_276] {strides = array<i32>} : memref<144x384xf32, #tpu.memory_space<vmem>>, vector<16xf32>,
      %parallel_loop3A_278 = arith.constant 8.192000e+03 : f32
      %parallel_loop3A_279 = vector.broadcast %parallel_loop3A_278 : f32 to vector<16xf32>
      %parallel_loop3A_280 = arith.mulf %parallel_loop3A_277, %parallel_loop3A_279 : vector<16xf32>
      %parallel_loop3A_281 = arith.constant 5.000000e-01 : f32
      %parallel_loop3A_282 = vector.broadcast %parallel_loop3A_281 : f32 to vector<16xf32>
      %parallel_loop3A_283 = arith.addf %parallel_loop3A_280, %parallel_loop3A_282 : vector<16xf32>
      %parallel_loop3A_284 = arith.fptosi %parallel_loop3A_283 : vector<16xf32> to vector<16xi32>
      tpu.vector_store_idx %arg6[%parallel_loop3A_284], %broadcast_in_dim3A_79 {add = true} : memref<16640xf32, #tpu.memory_space<vmem>>[vector<16xi32>], vector<16xf32>,
      %parallel_loop3A_285 = arith.index_cast %parallel_loop3A_94 : i32 to index
      %parallel_loop3A_286 = arith.constant 304 : index
      %parallel_loop3A_287 = tpu.vector_load %arg5[%parallel_loop3A_285, %parallel_loop3A_286] {strides = array<i32>} : memref<144x384xf32, #tpu.memory_space<vmem>>, vector<16xf32>,
      %parallel_loop3A_288 = arith.constant 8.192000e+03 : f32
      %parallel_loop3A_289 = vector.broadcast %parallel_loop3A_288 : f32 to vector<16xf32>
      %parallel_loop3A_290 = arith.mulf %parallel_loop3A_287, %parallel_loop3A_289 : vector<16xf32>
      %parallel_loop3A_291 = arith.constant 5.000000e-01 : f32
      %parallel_loop3A_292 = vector.broadcast %parallel_loop3A_291 : f32 to vector<16xf32>
      %parallel_loop3A_293 = arith.addf %parallel_loop3A_290, %parallel_loop3A_292 : vector<16xf32>
      %parallel_loop3A_294 = arith.fptosi %parallel_loop3A_293 : vector<16xf32> to vector<16xi32>
      tpu.vector_store_idx %arg6[%parallel_loop3A_294], %broadcast_in_dim3A_79 {add = true} : memref<16640xf32, #tpu.memory_space<vmem>>[vector<16xi32>], vector<16xf32>,
      %parallel_loop3A_295 = arith.index_cast %parallel_loop3A_94 : i32 to index
      %parallel_loop3A_296 = arith.constant 320 : index
      %parallel_loop3A_297 = tpu.vector_load %arg5[%parallel_loop3A_295, %parallel_loop3A_296] {strides = array<i32>} : memref<144x384xf32, #tpu.memory_space<vmem>>, vector<16xf32>,
      %parallel_loop3A_298 = arith.constant 8.192000e+03 : f32
      %parallel_loop3A_299 = vector.broadcast %parallel_loop3A_298 : f32 to vector<16xf32>
      %parallel_loop3A_300 = arith.mulf %parallel_loop3A_297, %parallel_loop3A_299 : vector<16xf32>
      %parallel_loop3A_301 = arith.constant 5.000000e-01 : f32
      %parallel_loop3A_302 = vector.broadcast %parallel_loop3A_301 : f32 to vector<16xf32>
      %parallel_loop3A_303 = arith.addf %parallel_loop3A_300, %parallel_loop3A_302 : vector<16xf32>
      %parallel_loop3A_304 = arith.fptosi %parallel_loop3A_303 : vector<16xf32> to vector<16xi32>
      tpu.vector_store_idx %arg6[%parallel_loop3A_304], %broadcast_in_dim3A_79 {add = true} : memref<16640xf32, #tpu.memory_space<vmem>>[vector<16xi32>], vector<16xf32>,
      %parallel_loop3A_305 = arith.index_cast %parallel_loop3A_94 : i32 to index
      %parallel_loop3A_306 = arith.constant 336 : index
      %parallel_loop3A_307 = tpu.vector_load %arg5[%parallel_loop3A_305, %parallel_loop3A_306] {strides = array<i32>} : memref<144x384xf32, #tpu.memory_space<vmem>>, vector<16xf32>,
      %parallel_loop3A_308 = arith.constant 8.192000e+03 : f32
      %parallel_loop3A_309 = vector.broadcast %parallel_loop3A_308 : f32 to vector<16xf32>
      %parallel_loop3A_310 = arith.mulf %parallel_loop3A_307, %parallel_loop3A_309 : vector<16xf32>
      %parallel_loop3A_311 = arith.constant 5.000000e-01 : f32
      %parallel_loop3A_312 = vector.broadcast %parallel_loop3A_311 : f32 to vector<16xf32>
      %parallel_loop3A_313 = arith.addf %parallel_loop3A_310, %parallel_loop3A_312 : vector<16xf32>
      %parallel_loop3A_314 = arith.fptosi %parallel_loop3A_313 : vector<16xf32> to vector<16xi32>
      tpu.vector_store_idx %arg6[%parallel_loop3A_314], %broadcast_in_dim3A_79 {add = true} : memref<16640xf32, #tpu.memory_space<vmem>>[vector<16xi32>], vector<16xf32>,
      %parallel_loop3A_315 = arith.index_cast %parallel_loop3A_94 : i32 to index
      %parallel_loop3A_316 = arith.constant 352 : index
      %parallel_loop3A_317 = tpu.vector_load %arg5[%parallel_loop3A_315, %parallel_loop3A_316] {strides = array<i32>} : memref<144x384xf32, #tpu.memory_space<vmem>>, vector<16xf32>,
      %parallel_loop3A_318 = arith.constant 8.192000e+03 : f32
      %parallel_loop3A_319 = vector.broadcast %parallel_loop3A_318 : f32 to vector<16xf32>
      %parallel_loop3A_320 = arith.mulf %parallel_loop3A_317, %parallel_loop3A_319 : vector<16xf32>
      %parallel_loop3A_321 = arith.constant 5.000000e-01 : f32
      %parallel_loop3A_322 = vector.broadcast %parallel_loop3A_321 : f32 to vector<16xf32>
      %parallel_loop3A_323 = arith.addf %parallel_loop3A_320, %parallel_loop3A_322 : vector<16xf32>
      %parallel_loop3A_324 = arith.fptosi %parallel_loop3A_323 : vector<16xf32> to vector<16xi32>
      tpu.vector_store_idx %arg6[%parallel_loop3A_324], %broadcast_in_dim3A_79 {add = true} : memref<16640xf32, #tpu.memory_space<vmem>>[vector<16xi32>], vector<16xf32>,
      %parallel_loop3A_325 = arith.index_cast %parallel_loop3A_94 : i32 to index
      %parallel_loop3A_326 = arith.constant 368 : index
      %parallel_loop3A_327 = tpu.vector_load %arg5[%parallel_loop3A_325, %parallel_loop3A_326] {strides = array<i32>} : memref<144x384xf32, #tpu.memory_space<vmem>>, vector<16xf32>,
      %parallel_loop3A_328 = arith.constant 8.192000e+03 : f32
      %parallel_loop3A_329 = vector.broadcast %parallel_loop3A_328 : f32 to vector<16xf32>
      %parallel_loop3A_330 = arith.mulf %parallel_loop3A_327, %parallel_loop3A_329 : vector<16xf32>
      %parallel_loop3A_331 = arith.constant 5.000000e-01 : f32
      %parallel_loop3A_332 = vector.broadcast %parallel_loop3A_331 : f32 to vector<16xf32>
      %parallel_loop3A_333 = arith.addf %parallel_loop3A_330, %parallel_loop3A_332 : vector<16xf32>
      %parallel_loop3A_334 = arith.fptosi %parallel_loop3A_333 : vector<16xf32> to vector<16xi32>
      tpu.vector_store_idx %arg6[%parallel_loop3A_334], %broadcast_in_dim3A_79 {add = true} : memref<16640xf32, #tpu.memory_space<vmem>>[vector<16xi32>], vector<16xf32>,
    } {sc.loop_unroll_factor = 2 : i64, sc.parallel_access}
    %sub3A_82 = arith.constant 144 : i32
    %sub3A_83 = arith.subi %sub3A_82, %sub3A_63 : i32
    %parallel_loop3A_84 = arith.constant 0 : i32
    %parallel_loop3A_85 = arith.constant 1 : i32
    scf.for %parallel_loop3A_92 = %parallel_loop3A_84 to %sub3A_83 step %parallel_loop3A_85  : i32 {
      %parallel_loop3A_93 = arith.addi %sub3A_63, %parallel_loop3A_92 : i32
      %parallel_loop3A_94 = arith.index_cast %parallel_loop3A_93 : i32 to index
      %parallel_loop3A_95 = arith.constant 0 : index
      %parallel_loop3A_96 = tpu.vector_load %arg5[%parallel_loop3A_94, %parallel_loop3A_95] {strides = array<i32>} : memref<144x384xf32, #tpu.memory_space<vmem>>, vector<16xf32>,
      %parallel_loop3A_97 = arith.constant 8.192000e+03 : f32
      %parallel_loop3A_98 = vector.broadcast %parallel_loop3A_97 : f32 to vector<16xf32>
      %parallel_loop3A_99 = arith.mulf %parallel_loop3A_96, %parallel_loop3A_98 : vector<16xf32>
      %parallel_loop3A_100 = arith.constant 5.000000e-01 : f32
      %parallel_loop3A_101 = vector.broadcast %parallel_loop3A_100 : f32 to vector<16xf32>
      %parallel_loop3A_102 = arith.addf %parallel_loop3A_99, %parallel_loop3A_101 : vector<16xf32>
      %parallel_loop3A_103 = arith.fptosi %parallel_loop3A_102 : vector<16xf32> to vector<16xi32>
      %parallel_loop3A_104 = arith.constant 8320 : i32
      %parallel_loop3A_105 = vector.broadcast %parallel_loop3A_104 : i32 to vector<16xi32>
      %parallel_loop3A_106 = arith.addi %parallel_loop3A_103, %parallel_loop3A_105 : vector<16xi32>
      tpu.vector_store_idx %arg6[%parallel_loop3A_106], %broadcast_in_dim3A_79 {add = true} : memref<16640xf32, #tpu.memory_space<vmem>>[vector<16xi32>], vector<16xf32>,
      %parallel_loop3A_107 = arith.index_cast %parallel_loop3A_93 : i32 to index
      %parallel_loop3A_108 = arith.constant 16 : index
      %parallel_loop3A_109 = tpu.vector_load %arg5[%parallel_loop3A_107, %parallel_loop3A_108] {strides = array<i32>} : memref<144x384xf32, #tpu.memory_space<vmem>>, vector<16xf32>,
      %parallel_loop3A_110 = arith.constant 8.192000e+03 : f32
      %parallel_loop3A_111 = vector.broadcast %parallel_loop3A_110 : f32 to vector<16xf32>
      %parallel_loop3A_112 = arith.mulf %parallel_loop3A_109, %parallel_loop3A_111 : vector<16xf32>
      %parallel_loop3A_113 = arith.constant 5.000000e-01 : f32
      %parallel_loop3A_114 = vector.broadcast %parallel_loop3A_113 : f32 to vector<16xf32>
      %parallel_loop3A_115 = arith.addf %parallel_loop3A_112, %parallel_loop3A_114 : vector<16xf32>
      %parallel_loop3A_116 = arith.fptosi %parallel_loop3A_115 : vector<16xf32> to vector<16xi32>
      %parallel_loop3A_117 = arith.constant 8320 : i32
      %parallel_loop3A_118 = vector.broadcast %parallel_loop3A_117 : i32 to vector<16xi32>
      %parallel_loop3A_119 = arith.addi %parallel_loop3A_116, %parallel_loop3A_118 : vector<16xi32>
      tpu.vector_store_idx %arg6[%parallel_loop3A_119], %broadcast_in_dim3A_79 {add = true} : memref<16640xf32, #tpu.memory_space<vmem>>[vector<16xi32>], vector<16xf32>,
      %parallel_loop3A_120 = arith.index_cast %parallel_loop3A_93 : i32 to index
      %parallel_loop3A_121 = arith.constant 32 : index
      %parallel_loop3A_122 = tpu.vector_load %arg5[%parallel_loop3A_120, %parallel_loop3A_121] {strides = array<i32>} : memref<144x384xf32, #tpu.memory_space<vmem>>, vector<16xf32>,
      %parallel_loop3A_123 = arith.constant 8.192000e+03 : f32
      %parallel_loop3A_124 = vector.broadcast %parallel_loop3A_123 : f32 to vector<16xf32>
      %parallel_loop3A_125 = arith.mulf %parallel_loop3A_122, %parallel_loop3A_124 : vector<16xf32>
      %parallel_loop3A_126 = arith.constant 5.000000e-01 : f32
      %parallel_loop3A_127 = vector.broadcast %parallel_loop3A_126 : f32 to vector<16xf32>
      %parallel_loop3A_128 = arith.addf %parallel_loop3A_125, %parallel_loop3A_127 : vector<16xf32>
      %parallel_loop3A_129 = arith.fptosi %parallel_loop3A_128 : vector<16xf32> to vector<16xi32>
      %parallel_loop3A_130 = arith.constant 8320 : i32
      %parallel_loop3A_131 = vector.broadcast %parallel_loop3A_130 : i32 to vector<16xi32>
      %parallel_loop3A_132 = arith.addi %parallel_loop3A_129, %parallel_loop3A_131 : vector<16xi32>
      tpu.vector_store_idx %arg6[%parallel_loop3A_132], %broadcast_in_dim3A_79 {add = true} : memref<16640xf32, #tpu.memory_space<vmem>>[vector<16xi32>], vector<16xf32>,
      %parallel_loop3A_133 = arith.index_cast %parallel_loop3A_93 : i32 to index
      %parallel_loop3A_134 = arith.constant 48 : index
      %parallel_loop3A_135 = tpu.vector_load %arg5[%parallel_loop3A_133, %parallel_loop3A_134] {strides = array<i32>} : memref<144x384xf32, #tpu.memory_space<vmem>>, vector<16xf32>,
      %parallel_loop3A_136 = arith.constant 8.192000e+03 : f32
      %parallel_loop3A_137 = vector.broadcast %parallel_loop3A_136 : f32 to vector<16xf32>
      %parallel_loop3A_138 = arith.mulf %parallel_loop3A_135, %parallel_loop3A_137 : vector<16xf32>
      %parallel_loop3A_139 = arith.constant 5.000000e-01 : f32
      %parallel_loop3A_140 = vector.broadcast %parallel_loop3A_139 : f32 to vector<16xf32>
      %parallel_loop3A_141 = arith.addf %parallel_loop3A_138, %parallel_loop3A_140 : vector<16xf32>
      %parallel_loop3A_142 = arith.fptosi %parallel_loop3A_141 : vector<16xf32> to vector<16xi32>
      %parallel_loop3A_143 = arith.constant 8320 : i32
      %parallel_loop3A_144 = vector.broadcast %parallel_loop3A_143 : i32 to vector<16xi32>
      %parallel_loop3A_145 = arith.addi %parallel_loop3A_142, %parallel_loop3A_144 : vector<16xi32>
      tpu.vector_store_idx %arg6[%parallel_loop3A_145], %broadcast_in_dim3A_79 {add = true} : memref<16640xf32, #tpu.memory_space<vmem>>[vector<16xi32>], vector<16xf32>,
      %parallel_loop3A_146 = arith.index_cast %parallel_loop3A_93 : i32 to index
      %parallel_loop3A_147 = arith.constant 64 : index
      %parallel_loop3A_148 = tpu.vector_load %arg5[%parallel_loop3A_146, %parallel_loop3A_147] {strides = array<i32>} : memref<144x384xf32, #tpu.memory_space<vmem>>, vector<16xf32>,
      %parallel_loop3A_149 = arith.constant 8.192000e+03 : f32
      %parallel_loop3A_150 = vector.broadcast %parallel_loop3A_149 : f32 to vector<16xf32>
      %parallel_loop3A_151 = arith.mulf %parallel_loop3A_148, %parallel_loop3A_150 : vector<16xf32>
      %parallel_loop3A_152 = arith.constant 5.000000e-01 : f32
      %parallel_loop3A_153 = vector.broadcast %parallel_loop3A_152 : f32 to vector<16xf32>
      %parallel_loop3A_154 = arith.addf %parallel_loop3A_151, %parallel_loop3A_153 : vector<16xf32>
      %parallel_loop3A_155 = arith.fptosi %parallel_loop3A_154 : vector<16xf32> to vector<16xi32>
      %parallel_loop3A_156 = arith.constant 8320 : i32
      %parallel_loop3A_157 = vector.broadcast %parallel_loop3A_156 : i32 to vector<16xi32>
      %parallel_loop3A_158 = arith.addi %parallel_loop3A_155, %parallel_loop3A_157 : vector<16xi32>
      tpu.vector_store_idx %arg6[%parallel_loop3A_158], %broadcast_in_dim3A_79 {add = true} : memref<16640xf32, #tpu.memory_space<vmem>>[vector<16xi32>], vector<16xf32>,
      %parallel_loop3A_159 = arith.index_cast %parallel_loop3A_93 : i32 to index
      %parallel_loop3A_160 = arith.constant 80 : index
      %parallel_loop3A_161 = tpu.vector_load %arg5[%parallel_loop3A_159, %parallel_loop3A_160] {strides = array<i32>} : memref<144x384xf32, #tpu.memory_space<vmem>>, vector<16xf32>,
      %parallel_loop3A_162 = arith.constant 8.192000e+03 : f32
      %parallel_loop3A_163 = vector.broadcast %parallel_loop3A_162 : f32 to vector<16xf32>
      %parallel_loop3A_164 = arith.mulf %parallel_loop3A_161, %parallel_loop3A_163 : vector<16xf32>
      %parallel_loop3A_165 = arith.constant 5.000000e-01 : f32
      %parallel_loop3A_166 = vector.broadcast %parallel_loop3A_165 : f32 to vector<16xf32>
      %parallel_loop3A_167 = arith.addf %parallel_loop3A_164, %parallel_loop3A_166 : vector<16xf32>
      %parallel_loop3A_168 = arith.fptosi %parallel_loop3A_167 : vector<16xf32> to vector<16xi32>
      %parallel_loop3A_169 = arith.constant 8320 : i32
      %parallel_loop3A_170 = vector.broadcast %parallel_loop3A_169 : i32 to vector<16xi32>
      %parallel_loop3A_171 = arith.addi %parallel_loop3A_168, %parallel_loop3A_170 : vector<16xi32>
      tpu.vector_store_idx %arg6[%parallel_loop3A_171], %broadcast_in_dim3A_79 {add = true} : memref<16640xf32, #tpu.memory_space<vmem>>[vector<16xi32>], vector<16xf32>,
      %parallel_loop3A_172 = arith.index_cast %parallel_loop3A_93 : i32 to index
      %parallel_loop3A_173 = arith.constant 96 : index
      %parallel_loop3A_174 = tpu.vector_load %arg5[%parallel_loop3A_172, %parallel_loop3A_173] {strides = array<i32>} : memref<144x384xf32, #tpu.memory_space<vmem>>, vector<16xf32>,
      %parallel_loop3A_175 = arith.constant 8.192000e+03 : f32
      %parallel_loop3A_176 = vector.broadcast %parallel_loop3A_175 : f32 to vector<16xf32>
      %parallel_loop3A_177 = arith.mulf %parallel_loop3A_174, %parallel_loop3A_176 : vector<16xf32>
      %parallel_loop3A_178 = arith.constant 5.000000e-01 : f32
      %parallel_loop3A_179 = vector.broadcast %parallel_loop3A_178 : f32 to vector<16xf32>
      %parallel_loop3A_180 = arith.addf %parallel_loop3A_177, %parallel_loop3A_179 : vector<16xf32>
      %parallel_loop3A_181 = arith.fptosi %parallel_loop3A_180 : vector<16xf32> to vector<16xi32>
      %parallel_loop3A_182 = arith.constant 8320 : i32
      %parallel_loop3A_183 = vector.broadcast %parallel_loop3A_182 : i32 to vector<16xi32>
      %parallel_loop3A_184 = arith.addi %parallel_loop3A_181, %parallel_loop3A_183 : vector<16xi32>
      tpu.vector_store_idx %arg6[%parallel_loop3A_184], %broadcast_in_dim3A_79 {add = true} : memref<16640xf32, #tpu.memory_space<vmem>>[vector<16xi32>], vector<16xf32>,
      %parallel_loop3A_185 = arith.index_cast %parallel_loop3A_93 : i32 to index
      %parallel_loop3A_186 = arith.constant 112 : index
      %parallel_loop3A_187 = tpu.vector_load %arg5[%parallel_loop3A_185, %parallel_loop3A_186] {strides = array<i32>} : memref<144x384xf32, #tpu.memory_space<vmem>>, vector<16xf32>,
      %parallel_loop3A_188 = arith.constant 8.192000e+03 : f32
      %parallel_loop3A_189 = vector.broadcast %parallel_loop3A_188 : f32 to vector<16xf32>
      %parallel_loop3A_190 = arith.mulf %parallel_loop3A_187, %parallel_loop3A_189 : vector<16xf32>
      %parallel_loop3A_191 = arith.constant 5.000000e-01 : f32
      %parallel_loop3A_192 = vector.broadcast %parallel_loop3A_191 : f32 to vector<16xf32>
      %parallel_loop3A_193 = arith.addf %parallel_loop3A_190, %parallel_loop3A_192 : vector<16xf32>
      %parallel_loop3A_194 = arith.fptosi %parallel_loop3A_193 : vector<16xf32> to vector<16xi32>
      %parallel_loop3A_195 = arith.constant 8320 : i32
      %parallel_loop3A_196 = vector.broadcast %parallel_loop3A_195 : i32 to vector<16xi32>
      %parallel_loop3A_197 = arith.addi %parallel_loop3A_194, %parallel_loop3A_196 : vector<16xi32>
      tpu.vector_store_idx %arg6[%parallel_loop3A_197], %broadcast_in_dim3A_79 {add = true} : memref<16640xf32, #tpu.memory_space<vmem>>[vector<16xi32>], vector<16xf32>,
      %parallel_loop3A_198 = arith.index_cast %parallel_loop3A_93 : i32 to index
      %parallel_loop3A_199 = arith.constant 128 : index
      %parallel_loop3A_200 = tpu.vector_load %arg5[%parallel_loop3A_198, %parallel_loop3A_199] {strides = array<i32>} : memref<144x384xf32, #tpu.memory_space<vmem>>, vector<16xf32>,
      %parallel_loop3A_201 = arith.constant 8.192000e+03 : f32
      %parallel_loop3A_202 = vector.broadcast %parallel_loop3A_201 : f32 to vector<16xf32>
      %parallel_loop3A_203 = arith.mulf %parallel_loop3A_200, %parallel_loop3A_202 : vector<16xf32>
      %parallel_loop3A_204 = arith.constant 5.000000e-01 : f32
      %parallel_loop3A_205 = vector.broadcast %parallel_loop3A_204 : f32 to vector<16xf32>
      %parallel_loop3A_206 = arith.addf %parallel_loop3A_203, %parallel_loop3A_205 : vector<16xf32>
      %parallel_loop3A_207 = arith.fptosi %parallel_loop3A_206 : vector<16xf32> to vector<16xi32>
      %parallel_loop3A_208 = arith.constant 8320 : i32
      %parallel_loop3A_209 = vector.broadcast %parallel_loop3A_208 : i32 to vector<16xi32>
      %parallel_loop3A_210 = arith.addi %parallel_loop3A_207, %parallel_loop3A_209 : vector<16xi32>
      tpu.vector_store_idx %arg6[%parallel_loop3A_210], %broadcast_in_dim3A_79 {add = true} : memref<16640xf32, #tpu.memory_space<vmem>>[vector<16xi32>], vector<16xf32>,
      %parallel_loop3A_211 = arith.index_cast %parallel_loop3A_93 : i32 to index
      %parallel_loop3A_212 = arith.constant 144 : index
      %parallel_loop3A_213 = tpu.vector_load %arg5[%parallel_loop3A_211, %parallel_loop3A_212] {strides = array<i32>} : memref<144x384xf32, #tpu.memory_space<vmem>>, vector<16xf32>,
      %parallel_loop3A_214 = arith.constant 8.192000e+03 : f32
      %parallel_loop3A_215 = vector.broadcast %parallel_loop3A_214 : f32 to vector<16xf32>
      %parallel_loop3A_216 = arith.mulf %parallel_loop3A_213, %parallel_loop3A_215 : vector<16xf32>
      %parallel_loop3A_217 = arith.constant 5.000000e-01 : f32
      %parallel_loop3A_218 = vector.broadcast %parallel_loop3A_217 : f32 to vector<16xf32>
      %parallel_loop3A_219 = arith.addf %parallel_loop3A_216, %parallel_loop3A_218 : vector<16xf32>
      %parallel_loop3A_220 = arith.fptosi %parallel_loop3A_219 : vector<16xf32> to vector<16xi32>
      %parallel_loop3A_221 = arith.constant 8320 : i32
      %parallel_loop3A_222 = vector.broadcast %parallel_loop3A_221 : i32 to vector<16xi32>
      %parallel_loop3A_223 = arith.addi %parallel_loop3A_220, %parallel_loop3A_222 : vector<16xi32>
      tpu.vector_store_idx %arg6[%parallel_loop3A_223], %broadcast_in_dim3A_79 {add = true} : memref<16640xf32, #tpu.memory_space<vmem>>[vector<16xi32>], vector<16xf32>,
      %parallel_loop3A_224 = arith.index_cast %parallel_loop3A_93 : i32 to index
      %parallel_loop3A_225 = arith.constant 160 : index
      %parallel_loop3A_226 = tpu.vector_load %arg5[%parallel_loop3A_224, %parallel_loop3A_225] {strides = array<i32>} : memref<144x384xf32, #tpu.memory_space<vmem>>, vector<16xf32>,
      %parallel_loop3A_227 = arith.constant 8.192000e+03 : f32
      %parallel_loop3A_228 = vector.broadcast %parallel_loop3A_227 : f32 to vector<16xf32>
      %parallel_loop3A_229 = arith.mulf %parallel_loop3A_226, %parallel_loop3A_228 : vector<16xf32>
      %parallel_loop3A_230 = arith.constant 5.000000e-01 : f32
      %parallel_loop3A_231 = vector.broadcast %parallel_loop3A_230 : f32 to vector<16xf32>
      %parallel_loop3A_232 = arith.addf %parallel_loop3A_229, %parallel_loop3A_231 : vector<16xf32>
      %parallel_loop3A_233 = arith.fptosi %parallel_loop3A_232 : vector<16xf32> to vector<16xi32>
      %parallel_loop3A_234 = arith.constant 8320 : i32
      %parallel_loop3A_235 = vector.broadcast %parallel_loop3A_234 : i32 to vector<16xi32>
      %parallel_loop3A_236 = arith.addi %parallel_loop3A_233, %parallel_loop3A_235 : vector<16xi32>
      tpu.vector_store_idx %arg6[%parallel_loop3A_236], %broadcast_in_dim3A_79 {add = true} : memref<16640xf32, #tpu.memory_space<vmem>>[vector<16xi32>], vector<16xf32>,
      %parallel_loop3A_237 = arith.index_cast %parallel_loop3A_93 : i32 to index
      %parallel_loop3A_238 = arith.constant 176 : index
      %parallel_loop3A_239 = tpu.vector_load %arg5[%parallel_loop3A_237, %parallel_loop3A_238] {strides = array<i32>} : memref<144x384xf32, #tpu.memory_space<vmem>>, vector<16xf32>,
      %parallel_loop3A_240 = arith.constant 8.192000e+03 : f32
      %parallel_loop3A_241 = vector.broadcast %parallel_loop3A_240 : f32 to vector<16xf32>
      %parallel_loop3A_242 = arith.mulf %parallel_loop3A_239, %parallel_loop3A_241 : vector<16xf32>
      %parallel_loop3A_243 = arith.constant 5.000000e-01 : f32
      %parallel_loop3A_244 = vector.broadcast %parallel_loop3A_243 : f32 to vector<16xf32>
      %parallel_loop3A_245 = arith.addf %parallel_loop3A_242, %parallel_loop3A_244 : vector<16xf32>
      %parallel_loop3A_246 = arith.fptosi %parallel_loop3A_245 : vector<16xf32> to vector<16xi32>
      %parallel_loop3A_247 = arith.constant 8320 : i32
      %parallel_loop3A_248 = vector.broadcast %parallel_loop3A_247 : i32 to vector<16xi32>
      %parallel_loop3A_249 = arith.addi %parallel_loop3A_246, %parallel_loop3A_248 : vector<16xi32>
      tpu.vector_store_idx %arg6[%parallel_loop3A_249], %broadcast_in_dim3A_79 {add = true} : memref<16640xf32, #tpu.memory_space<vmem>>[vector<16xi32>], vector<16xf32>,
      %parallel_loop3A_250 = arith.index_cast %parallel_loop3A_93 : i32 to index
      %parallel_loop3A_251 = arith.constant 192 : index
      %parallel_loop3A_252 = tpu.vector_load %arg5[%parallel_loop3A_250, %parallel_loop3A_251] {strides = array<i32>} : memref<144x384xf32, #tpu.memory_space<vmem>>, vector<16xf32>,
      %parallel_loop3A_253 = arith.constant 8.192000e+03 : f32
      %parallel_loop3A_254 = vector.broadcast %parallel_loop3A_253 : f32 to vector<16xf32>
      %parallel_loop3A_255 = arith.mulf %parallel_loop3A_252, %parallel_loop3A_254 : vector<16xf32>
      %parallel_loop3A_256 = arith.constant 5.000000e-01 : f32
      %parallel_loop3A_257 = vector.broadcast %parallel_loop3A_256 : f32 to vector<16xf32>
      %parallel_loop3A_258 = arith.addf %parallel_loop3A_255, %parallel_loop3A_257 : vector<16xf32>
      %parallel_loop3A_259 = arith.fptosi %parallel_loop3A_258 : vector<16xf32> to vector<16xi32>
      %parallel_loop3A_260 = arith.constant 8320 : i32
      %parallel_loop3A_261 = vector.broadcast %parallel_loop3A_260 : i32 to vector<16xi32>
      %parallel_loop3A_262 = arith.addi %parallel_loop3A_259, %parallel_loop3A_261 : vector<16xi32>
      tpu.vector_store_idx %arg6[%parallel_loop3A_262], %broadcast_in_dim3A_79 {add = true} : memref<16640xf32, #tpu.memory_space<vmem>>[vector<16xi32>], vector<16xf32>,
      %parallel_loop3A_263 = arith.index_cast %parallel_loop3A_93 : i32 to index
      %parallel_loop3A_264 = arith.constant 208 : index
      %parallel_loop3A_265 = tpu.vector_load %arg5[%parallel_loop3A_263, %parallel_loop3A_264] {strides = array<i32>} : memref<144x384xf32, #tpu.memory_space<vmem>>, vector<16xf32>,
      %parallel_loop3A_266 = arith.constant 8.192000e+03 : f32
      %parallel_loop3A_267 = vector.broadcast %parallel_loop3A_266 : f32 to vector<16xf32>
      %parallel_loop3A_268 = arith.mulf %parallel_loop3A_265, %parallel_loop3A_267 : vector<16xf32>
      %parallel_loop3A_269 = arith.constant 5.000000e-01 : f32
      %parallel_loop3A_270 = vector.broadcast %parallel_loop3A_269 : f32 to vector<16xf32>
      %parallel_loop3A_271 = arith.addf %parallel_loop3A_268, %parallel_loop3A_270 : vector<16xf32>
      %parallel_loop3A_272 = arith.fptosi %parallel_loop3A_271 : vector<16xf32> to vector<16xi32>
      %parallel_loop3A_273 = arith.constant 8320 : i32
      %parallel_loop3A_274 = vector.broadcast %parallel_loop3A_273 : i32 to vector<16xi32>
      %parallel_loop3A_275 = arith.addi %parallel_loop3A_272, %parallel_loop3A_274 : vector<16xi32>
      tpu.vector_store_idx %arg6[%parallel_loop3A_275], %broadcast_in_dim3A_79 {add = true} : memref<16640xf32, #tpu.memory_space<vmem>>[vector<16xi32>], vector<16xf32>,
      %parallel_loop3A_276 = arith.index_cast %parallel_loop3A_93 : i32 to index
      %parallel_loop3A_277 = arith.constant 224 : index
      %parallel_loop3A_278 = tpu.vector_load %arg5[%parallel_loop3A_276, %parallel_loop3A_277] {strides = array<i32>} : memref<144x384xf32, #tpu.memory_space<vmem>>, vector<16xf32>,
      %parallel_loop3A_279 = arith.constant 8.192000e+03 : f32
      %parallel_loop3A_280 = vector.broadcast %parallel_loop3A_279 : f32 to vector<16xf32>
      %parallel_loop3A_281 = arith.mulf %parallel_loop3A_278, %parallel_loop3A_280 : vector<16xf32>
      %parallel_loop3A_282 = arith.constant 5.000000e-01 : f32
      %parallel_loop3A_283 = vector.broadcast %parallel_loop3A_282 : f32 to vector<16xf32>
      %parallel_loop3A_284 = arith.addf %parallel_loop3A_281, %parallel_loop3A_283 : vector<16xf32>
      %parallel_loop3A_285 = arith.fptosi %parallel_loop3A_284 : vector<16xf32> to vector<16xi32>
      %parallel_loop3A_286 = arith.constant 8320 : i32
      %parallel_loop3A_287 = vector.broadcast %parallel_loop3A_286 : i32 to vector<16xi32>
      %parallel_loop3A_288 = arith.addi %parallel_loop3A_285, %parallel_loop3A_287 : vector<16xi32>
      tpu.vector_store_idx %arg6[%parallel_loop3A_288], %broadcast_in_dim3A_79 {add = true} : memref<16640xf32, #tpu.memory_space<vmem>>[vector<16xi32>], vector<16xf32>,
      %parallel_loop3A_289 = arith.index_cast %parallel_loop3A_93 : i32 to index
      %parallel_loop3A_290 = arith.constant 240 : index
      %parallel_loop3A_291 = tpu.vector_load %arg5[%parallel_loop3A_289, %parallel_loop3A_290] {strides = array<i32>} : memref<144x384xf32, #tpu.memory_space<vmem>>, vector<16xf32>,
      %parallel_loop3A_292 = arith.constant 8.192000e+03 : f32
      %parallel_loop3A_293 = vector.broadcast %parallel_loop3A_292 : f32 to vector<16xf32>
      %parallel_loop3A_294 = arith.mulf %parallel_loop3A_291, %parallel_loop3A_293 : vector<16xf32>
      %parallel_loop3A_295 = arith.constant 5.000000e-01 : f32
      %parallel_loop3A_296 = vector.broadcast %parallel_loop3A_295 : f32 to vector<16xf32>
      %parallel_loop3A_297 = arith.addf %parallel_loop3A_294, %parallel_loop3A_296 : vector<16xf32>
      %parallel_loop3A_298 = arith.fptosi %parallel_loop3A_297 : vector<16xf32> to vector<16xi32>
      %parallel_loop3A_299 = arith.constant 8320 : i32
      %parallel_loop3A_300 = vector.broadcast %parallel_loop3A_299 : i32 to vector<16xi32>
      %parallel_loop3A_301 = arith.addi %parallel_loop3A_298, %parallel_loop3A_300 : vector<16xi32>
      tpu.vector_store_idx %arg6[%parallel_loop3A_301], %broadcast_in_dim3A_79 {add = true} : memref<16640xf32, #tpu.memory_space<vmem>>[vector<16xi32>], vector<16xf32>,
      %parallel_loop3A_302 = arith.index_cast %parallel_loop3A_93 : i32 to index
      %parallel_loop3A_303 = arith.constant 256 : index
      %parallel_loop3A_304 = tpu.vector_load %arg5[%parallel_loop3A_302, %parallel_loop3A_303] {strides = array<i32>} : memref<144x384xf32, #tpu.memory_space<vmem>>, vector<16xf32>,
      %parallel_loop3A_305 = arith.constant 8.192000e+03 : f32
      %parallel_loop3A_306 = vector.broadcast %parallel_loop3A_305 : f32 to vector<16xf32>
      %parallel_loop3A_307 = arith.mulf %parallel_loop3A_304, %parallel_loop3A_306 : vector<16xf32>
      %parallel_loop3A_308 = arith.constant 5.000000e-01 : f32
      %parallel_loop3A_309 = vector.broadcast %parallel_loop3A_308 : f32 to vector<16xf32>
      %parallel_loop3A_310 = arith.addf %parallel_loop3A_307, %parallel_loop3A_309 : vector<16xf32>
      %parallel_loop3A_311 = arith.fptosi %parallel_loop3A_310 : vector<16xf32> to vector<16xi32>
      %parallel_loop3A_312 = arith.constant 8320 : i32
      %parallel_loop3A_313 = vector.broadcast %parallel_loop3A_312 : i32 to vector<16xi32>
      %parallel_loop3A_314 = arith.addi %parallel_loop3A_311, %parallel_loop3A_313 : vector<16xi32>
      tpu.vector_store_idx %arg6[%parallel_loop3A_314], %broadcast_in_dim3A_79 {add = true} : memref<16640xf32, #tpu.memory_space<vmem>>[vector<16xi32>], vector<16xf32>,
      %parallel_loop3A_315 = arith.index_cast %parallel_loop3A_93 : i32 to index
      %parallel_loop3A_316 = arith.constant 272 : index
      %parallel_loop3A_317 = tpu.vector_load %arg5[%parallel_loop3A_315, %parallel_loop3A_316] {strides = array<i32>} : memref<144x384xf32, #tpu.memory_space<vmem>>, vector<16xf32>,
      %parallel_loop3A_318 = arith.constant 8.192000e+03 : f32
      %parallel_loop3A_319 = vector.broadcast %parallel_loop3A_318 : f32 to vector<16xf32>
      %parallel_loop3A_320 = arith.mulf %parallel_loop3A_317, %parallel_loop3A_319 : vector<16xf32>
      %parallel_loop3A_321 = arith.constant 5.000000e-01 : f32
      %parallel_loop3A_322 = vector.broadcast %parallel_loop3A_321 : f32 to vector<16xf32>
      %parallel_loop3A_323 = arith.addf %parallel_loop3A_320, %parallel_loop3A_322 : vector<16xf32>
      %parallel_loop3A_324 = arith.fptosi %parallel_loop3A_323 : vector<16xf32> to vector<16xi32>
      %parallel_loop3A_325 = arith.constant 8320 : i32
      %parallel_loop3A_326 = vector.broadcast %parallel_loop3A_325 : i32 to vector<16xi32>
      %parallel_loop3A_327 = arith.addi %parallel_loop3A_324, %parallel_loop3A_326 : vector<16xi32>
      tpu.vector_store_idx %arg6[%parallel_loop3A_327], %broadcast_in_dim3A_79 {add = true} : memref<16640xf32, #tpu.memory_space<vmem>>[vector<16xi32>], vector<16xf32>,
      %parallel_loop3A_328 = arith.index_cast %parallel_loop3A_93 : i32 to index
      %parallel_loop3A_329 = arith.constant 288 : index
      %parallel_loop3A_330 = tpu.vector_load %arg5[%parallel_loop3A_328, %parallel_loop3A_329] {strides = array<i32>} : memref<144x384xf32, #tpu.memory_space<vmem>>, vector<16xf32>,
      %parallel_loop3A_331 = arith.constant 8.192000e+03 : f32
      %parallel_loop3A_332 = vector.broadcast %parallel_loop3A_331 : f32 to vector<16xf32>
      %parallel_loop3A_333 = arith.mulf %parallel_loop3A_330, %parallel_loop3A_332 : vector<16xf32>
      %parallel_loop3A_334 = arith.constant 5.000000e-01 : f32
      %parallel_loop3A_335 = vector.broadcast %parallel_loop3A_334 : f32 to vector<16xf32>
      %parallel_loop3A_336 = arith.addf %parallel_loop3A_333, %parallel_loop3A_335 : vector<16xf32>
      %parallel_loop3A_337 = arith.fptosi %parallel_loop3A_336 : vector<16xf32> to vector<16xi32>
      %parallel_loop3A_338 = arith.constant 8320 : i32
      %parallel_loop3A_339 = vector.broadcast %parallel_loop3A_338 : i32 to vector<16xi32>
      %parallel_loop3A_340 = arith.addi %parallel_loop3A_337, %parallel_loop3A_339 : vector<16xi32>
      tpu.vector_store_idx %arg6[%parallel_loop3A_340], %broadcast_in_dim3A_79 {add = true} : memref<16640xf32, #tpu.memory_space<vmem>>[vector<16xi32>], vector<16xf32>,
      %parallel_loop3A_341 = arith.index_cast %parallel_loop3A_93 : i32 to index
      %parallel_loop3A_342 = arith.constant 304 : index
      %parallel_loop3A_343 = tpu.vector_load %arg5[%parallel_loop3A_341, %parallel_loop3A_342] {strides = array<i32>} : memref<144x384xf32, #tpu.memory_space<vmem>>, vector<16xf32>,
      %parallel_loop3A_344 = arith.constant 8.192000e+03 : f32
      %parallel_loop3A_345 = vector.broadcast %parallel_loop3A_344 : f32 to vector<16xf32>
      %parallel_loop3A_346 = arith.mulf %parallel_loop3A_343, %parallel_loop3A_345 : vector<16xf32>
      %parallel_loop3A_347 = arith.constant 5.000000e-01 : f32
      %parallel_loop3A_348 = vector.broadcast %parallel_loop3A_347 : f32 to vector<16xf32>
      %parallel_loop3A_349 = arith.addf %parallel_loop3A_346, %parallel_loop3A_348 : vector<16xf32>
      %parallel_loop3A_350 = arith.fptosi %parallel_loop3A_349 : vector<16xf32> to vector<16xi32>
      %parallel_loop3A_351 = arith.constant 8320 : i32
      %parallel_loop3A_352 = vector.broadcast %parallel_loop3A_351 : i32 to vector<16xi32>
      %parallel_loop3A_353 = arith.addi %parallel_loop3A_350, %parallel_loop3A_352 : vector<16xi32>
      tpu.vector_store_idx %arg6[%parallel_loop3A_353], %broadcast_in_dim3A_79 {add = true} : memref<16640xf32, #tpu.memory_space<vmem>>[vector<16xi32>], vector<16xf32>,
      %parallel_loop3A_354 = arith.index_cast %parallel_loop3A_93 : i32 to index
      %parallel_loop3A_355 = arith.constant 320 : index
      %parallel_loop3A_356 = tpu.vector_load %arg5[%parallel_loop3A_354, %parallel_loop3A_355] {strides = array<i32>} : memref<144x384xf32, #tpu.memory_space<vmem>>, vector<16xf32>,
      %parallel_loop3A_357 = arith.constant 8.192000e+03 : f32
      %parallel_loop3A_358 = vector.broadcast %parallel_loop3A_357 : f32 to vector<16xf32>
      %parallel_loop3A_359 = arith.mulf %parallel_loop3A_356, %parallel_loop3A_358 : vector<16xf32>
      %parallel_loop3A_360 = arith.constant 5.000000e-01 : f32
      %parallel_loop3A_361 = vector.broadcast %parallel_loop3A_360 : f32 to vector<16xf32>
      %parallel_loop3A_362 = arith.addf %parallel_loop3A_359, %parallel_loop3A_361 : vector<16xf32>
      %parallel_loop3A_363 = arith.fptosi %parallel_loop3A_362 : vector<16xf32> to vector<16xi32>
      %parallel_loop3A_364 = arith.constant 8320 : i32
      %parallel_loop3A_365 = vector.broadcast %parallel_loop3A_364 : i32 to vector<16xi32>
      %parallel_loop3A_366 = arith.addi %parallel_loop3A_363, %parallel_loop3A_365 : vector<16xi32>
      tpu.vector_store_idx %arg6[%parallel_loop3A_366], %broadcast_in_dim3A_79 {add = true} : memref<16640xf32, #tpu.memory_space<vmem>>[vector<16xi32>], vector<16xf32>,
      %parallel_loop3A_367 = arith.index_cast %parallel_loop3A_93 : i32 to index
      %parallel_loop3A_368 = arith.constant 336 : index
      %parallel_loop3A_369 = tpu.vector_load %arg5[%parallel_loop3A_367, %parallel_loop3A_368] {strides = array<i32>} : memref<144x384xf32, #tpu.memory_space<vmem>>, vector<16xf32>,
      %parallel_loop3A_370 = arith.constant 8.192000e+03 : f32
      %parallel_loop3A_371 = vector.broadcast %parallel_loop3A_370 : f32 to vector<16xf32>
      %parallel_loop3A_372 = arith.mulf %parallel_loop3A_369, %parallel_loop3A_371 : vector<16xf32>
      %parallel_loop3A_373 = arith.constant 5.000000e-01 : f32
      %parallel_loop3A_374 = vector.broadcast %parallel_loop3A_373 : f32 to vector<16xf32>
      %parallel_loop3A_375 = arith.addf %parallel_loop3A_372, %parallel_loop3A_374 : vector<16xf32>
      %parallel_loop3A_376 = arith.fptosi %parallel_loop3A_375 : vector<16xf32> to vector<16xi32>
      %parallel_loop3A_377 = arith.constant 8320 : i32
      %parallel_loop3A_378 = vector.broadcast %parallel_loop3A_377 : i32 to vector<16xi32>
      %parallel_loop3A_379 = arith.addi %parallel_loop3A_376, %parallel_loop3A_378 : vector<16xi32>
      tpu.vector_store_idx %arg6[%parallel_loop3A_379], %broadcast_in_dim3A_79 {add = true} : memref<16640xf32, #tpu.memory_space<vmem>>[vector<16xi32>], vector<16xf32>,
      %parallel_loop3A_380 = arith.index_cast %parallel_loop3A_93 : i32 to index
      %parallel_loop3A_381 = arith.constant 352 : index
      %parallel_loop3A_382 = tpu.vector_load %arg5[%parallel_loop3A_380, %parallel_loop3A_381] {strides = array<i32>} : memref<144x384xf32, #tpu.memory_space<vmem>>, vector<16xf32>,
      %parallel_loop3A_383 = arith.constant 8.192000e+03 : f32
      %parallel_loop3A_384 = vector.broadcast %parallel_loop3A_383 : f32 to vector<16xf32>
      %parallel_loop3A_385 = arith.mulf %parallel_loop3A_382, %parallel_loop3A_384 : vector<16xf32>
      %parallel_loop3A_386 = arith.constant 5.000000e-01 : f32
      %parallel_loop3A_387 = vector.broadcast %parallel_loop3A_386 : f32 to vector<16xf32>
      %parallel_loop3A_388 = arith.addf %parallel_loop3A_385, %parallel_loop3A_387 : vector<16xf32>
      %parallel_loop3A_389 = arith.fptosi %parallel_loop3A_388 : vector<16xf32> to vector<16xi32>
      %parallel_loop3A_390 = arith.constant 8320 : i32
      %parallel_loop3A_391 = vector.broadcast %parallel_loop3A_390 : i32 to vector<16xi32>
      %parallel_loop3A_392 = arith.addi %parallel_loop3A_389, %parallel_loop3A_391 : vector<16xi32>
      tpu.vector_store_idx %arg6[%parallel_loop3A_392], %broadcast_in_dim3A_79 {add = true} : memref<16640xf32, #tpu.memory_space<vmem>>[vector<16xi32>], vector<16xf32>,
      %parallel_loop3A_393 = arith.index_cast %parallel_loop3A_93 : i32 to index
      %parallel_loop3A_394 = arith.constant 368 : index
      %parallel_loop3A_395 = tpu.vector_load %arg5[%parallel_loop3A_393, %parallel_loop3A_394] {strides = array<i32>} : memref<144x384xf32, #tpu.memory_space<vmem>>, vector<16xf32>,
      %parallel_loop3A_396 = arith.constant 8.192000e+03 : f32
      %parallel_loop3A_397 = vector.broadcast %parallel_loop3A_396 : f32 to vector<16xf32>
      %parallel_loop3A_398 = arith.mulf %parallel_loop3A_395, %parallel_loop3A_397 : vector<16xf32>
      %parallel_loop3A_399 = arith.constant 5.000000e-01 : f32
      %parallel_loop3A_400 = vector.broadcast %parallel_loop3A_399 : f32 to vector<16xf32>
      %parallel_loop3A_401 = arith.addf %parallel_loop3A_398, %parallel_loop3A_400 : vector<16xf32>
      %parallel_loop3A_402 = arith.fptosi %parallel_loop3A_401 : vector<16xf32> to vector<16xi32>
      %parallel_loop3A_403 = arith.constant 8320 : i32
      %parallel_loop3A_404 = vector.broadcast %parallel_loop3A_403 : i32 to vector<16xi32>
      %parallel_loop3A_405 = arith.addi %parallel_loop3A_402, %parallel_loop3A_404 : vector<16xi32>
      tpu.vector_store_idx %arg6[%parallel_loop3A_405], %broadcast_in_dim3A_79 {add = true} : memref<16640xf32, #tpu.memory_space<vmem>>[vector<16xi32>], vector<16xf32>,
    } {sc.loop_unroll_factor = 2 : i64, sc.parallel_access}
    %mul3A_86 = arith.constant 2 : i32
    %mul3A_87 = arith.muli %mul3A_86, %add3A : i32
    "tpu.region"() ({
      %run_scoped3A = tpu.sem_alloc : memref<!tpu.dma_semaphore, #tpu.memory_space<semaphore_mem>>
      %dma_start3A = arith.constant 0 : i32
      %dma_start3A_92 = tpu.memref_slice %arg6[%dma_start3A] : memref<16640xf32, #tpu.memory_space<vmem>> -> memref<8320xf32, #tpu.memory_space<vmem>>
      %dma_start3A_93 = arith.constant 0 : i32
      %dma_start3A_94 = tpu.memref_slice %arg4[%mul3A_87, %dma_start3A_93] : memref<64x8320xf32, #tpu.memory_space<hbm>> -> memref<1x8320xf32, #tpu.memory_space<hbm>>
      %dma_start3A_95 = tpu.memref_squeeze %dma_start3A_94 : memref<1x8320xf32, #tpu.memory_space<hbm>> -> memref<8320xf32, #tpu.memory_space<hbm>>
      %dma_start3A_96 = arith.constant 0 : i32
      %dma_start3A_97 = tpu.memref_slice %arg4[%mul3A_87, %dma_start3A_96] : memref<64x8320xf32, #tpu.memory_space<hbm>> -> memref<1x8320xf32, #tpu.memory_space<hbm>>
      %dma_start3A_98 = tpu.memref_squeeze %dma_start3A_97 : memref<1x8320xf32, #tpu.memory_space<hbm>> -> memref<8320xf32, #tpu.memory_space<hbm>>
      %dma_start3A_99 = arith.constant 0 : i32
      %dma_start3A_100 = tpu.memref_slice %arg6[%dma_start3A_99] : memref<16640xf32, #tpu.memory_space<vmem>> -> memref<8320xf32, #tpu.memory_space<vmem>>
      tpu.enqueue_dma source(%dma_start3A_100 : memref<8320xf32, #tpu.memory_space<vmem>>) target(%dma_start3A_98 : memref<8320xf32, #tpu.memory_space<hbm>>) target_semaphore(%run_scoped3A : memref<!tpu.dma_semaphore, #tpu.memory_space<semaphore_mem>>)
      %dma_wait3A_101 = arith.constant 0 : i32
      %dma_wait3A_102 = tpu.memref_slice %arg6[%dma_wait3A_101] : memref<16640xf32, #tpu.memory_space<vmem>> -> memref<8320xf32, #tpu.memory_space<vmem>>
      %dma_wait3A_103 = arith.constant 0 : i32
      %dma_wait3A_104 = tpu.memref_slice %arg4[%mul3A_87, %dma_wait3A_103] : memref<64x8320xf32, #tpu.memory_space<hbm>> -> memref<1x8320xf32, #tpu.memory_space<hbm>>
      %dma_wait3A_105 = tpu.memref_squeeze %dma_wait3A_104 : memref<1x8320xf32, #tpu.memory_space<hbm>> -> memref<8320xf32, #tpu.memory_space<hbm>>
      %dma_wait3A_106 = arith.constant 0 : i32
      %dma_wait3A_107 = tpu.memref_slice %arg4[%mul3A_87, %dma_wait3A_106] : memref<64x8320xf32, #tpu.memory_space<hbm>> -> memref<1x8320xf32, #tpu.memory_space<hbm>>
      %dma_wait3A_108 = tpu.memref_squeeze %dma_wait3A_107 : memref<1x8320xf32, #tpu.memory_space<hbm>> -> memref<8320xf32, #tpu.memory_space<hbm>>
      %dma_wait3A_109 = arith.constant 0 : i32
      %dma_wait3A_110 = tpu.memref_slice %arg6[%dma_wait3A_109] : memref<16640xf32, #tpu.memory_space<vmem>> -> memref<8320xf32, #tpu.memory_space<vmem>>
      tpu.wait_dma2 semaphore(%run_scoped3A : memref<!tpu.dma_semaphore, #tpu.memory_space<semaphore_mem>>) src(%dma_wait3A_110 : memref<8320xf32, #tpu.memory_space<vmem>>) dst(%dma_wait3A_108 : memref<8320xf32, #tpu.memory_space<hbm>>)
      tpu.yield
    }) : () -> ()
    %mul3A_88 = arith.constant 2 : i32
    %mul3A_89 = arith.muli %mul3A_88, %add3A : i32
    %add3A_90 = arith.constant 1 : i32
    %add3A_91 = arith.addi %mul3A_89, %add3A_90 : i32
    "tpu.region"() ({
      %run_scoped3A = tpu.sem_alloc : memref<!tpu.dma_semaphore, #tpu.memory_space<semaphore_mem>>
      %dma_start3A = arith.constant 8320 : i32
      %dma_start3A_92 = tpu.memref_slice %arg6[%dma_start3A] : memref<16640xf32, #tpu.memory_space<vmem>> -> memref<8320xf32, #tpu.memory_space<vmem>>
      %dma_start3A_93 = arith.constant 0 : i32
      %dma_start3A_94 = tpu.memref_slice %arg4[%add3A_91, %dma_start3A_93] : memref<64x8320xf32, #tpu.memory_space<hbm>> -> memref<1x8320xf32, #tpu.memory_space<hbm>>
      %dma_start3A_95 = tpu.memref_squeeze %dma_start3A_94 : memref<1x8320xf32, #tpu.memory_space<hbm>> -> memref<8320xf32, #tpu.memory_space<hbm>>
      %dma_start3A_96 = arith.constant 0 : i32
      %dma_start3A_97 = tpu.memref_slice %arg4[%add3A_91, %dma_start3A_96] : memref<64x8320xf32, #tpu.memory_space<hbm>> -> memref<1x8320xf32, #tpu.memory_space<hbm>>
      %dma_start3A_98 = tpu.memref_squeeze %dma_start3A_97 : memref<1x8320xf32, #tpu.memory_space<hbm>> -> memref<8320xf32, #tpu.memory_space<hbm>>
      %dma_start3A_99 = arith.constant 8320 : i32
      %dma_start3A_100 = tpu.memref_slice %arg6[%dma_start3A_99] : memref<16640xf32, #tpu.memory_space<vmem>> -> memref<8320xf32, #tpu.memory_space<vmem>>
      tpu.enqueue_dma source(%dma_start3A_100 : memref<8320xf32, #tpu.memory_space<vmem>>) target(%dma_start3A_98 : memref<8320xf32, #tpu.memory_space<hbm>>) target_semaphore(%run_scoped3A : memref<!tpu.dma_semaphore, #tpu.memory_space<semaphore_mem>>)
      %dma_wait3A_101 = arith.constant 8320 : i32
      %dma_wait3A_102 = tpu.memref_slice %arg6[%dma_wait3A_101] : memref<16640xf32, #tpu.memory_space<vmem>> -> memref<8320xf32, #tpu.memory_space<vmem>>
      %dma_wait3A_103 = arith.constant 0 : i32
      %dma_wait3A_104 = tpu.memref_slice %arg4[%add3A_91, %dma_wait3A_103] : memref<64x8320xf32, #tpu.memory_space<hbm>> -> memref<1x8320xf32, #tpu.memory_space<hbm>>
      %dma_wait3A_105 = tpu.memref_squeeze %dma_wait3A_104 : memref<1x8320xf32, #tpu.memory_space<hbm>> -> memref<8320xf32, #tpu.memory_space<hbm>>
      %dma_wait3A_106 = arith.constant 0 : i32
      %dma_wait3A_107 = tpu.memref_slice %arg4[%add3A_91, %dma_wait3A_106] : memref<64x8320xf32, #tpu.memory_space<hbm>> -> memref<1x8320xf32, #tpu.memory_space<hbm>>
      %dma_wait3A_108 = tpu.memref_squeeze %dma_wait3A_107 : memref<1x8320xf32, #tpu.memory_space<hbm>> -> memref<8320xf32, #tpu.memory_space<hbm>>
      %dma_wait3A_109 = arith.constant 8320 : i32
      %dma_wait3A_110 = tpu.memref_slice %arg6[%dma_wait3A_109] : memref<16640xf32, #tpu.memory_space<vmem>> -> memref<8320xf32, #tpu.memory_space<vmem>>
      tpu.wait_dma2 semaphore(%run_scoped3A : memref<!tpu.dma_semaphore, #tpu.memory_space<semaphore_mem>>) src(%dma_wait3A_110 : memref<8320xf32, #tpu.memory_space<vmem>>) dst(%dma_wait3A_108 : memref<8320xf32, #tpu.memory_space<hbm>>)
      tpu.yield
    }) : () -> ()
    return
  }
}

module attributes {stable_mosaic.version = 14 : i64} {
  func.func @_tc_loss_body(%arg0: memref<64x8320xf32, #tpu.memory_space<vmem>>, %arg1: memref<8320x64xf32, #tpu.memory_space<vmem>>, %arg2: memref<6x64xf32, #tpu.memory_space<vmem>>, %arg3: memref<1x1xf32, #tpu.memory_space<vmem>>) attributes {dimension_semantics = [], scalar_prefetch = 0 : i64, scratch_operands = 0 : i64, tpu.core_type = #tpu.core_type<tc>} {
    %get3A = arith.constant 0 : index
    %get3A_0 = arith.constant 0 : index
    %get3A_1 = vector.load %arg2[%get3A, %get3A_0] : memref<6x64xf32, #tpu.memory_space<vmem>>, vector<6x64xf32>
    %get3A_2 = arith.constant 0 : index
    %get3A_3 = arith.constant 0 : index
    %get3A_4 = vector.load %arg0[%get3A_2, %get3A_3] : memref<64x8320xf32, #tpu.memory_space<vmem>>, vector<64x8320xf32>
    %dot_general3A = arith.constant dense<0.000000e+00> : vector<6x8320xf32>
    %dot_general3A_5 = tpu.matmul %get3A_1, %get3A_4, %dot_general3A {dimension_numbers = #tpu.dot_dimension_numbers<[1], [0], [0], [1], [0, 0, 1, 1], [], []>, transpose_lhs_hint = false} : vector<6x64xf32>, vector<64x8320xf32>, vector<6x8320xf32> -> vector<6x8320xf32>
    %get3A_6 = arith.constant 0 : index
    %get3A_7 = arith.constant 0 : index
    %get3A_8 = vector.load %arg1[%get3A_6, %get3A_7] : memref<8320x64xf32, #tpu.memory_space<vmem>>, vector<8320x64xf32>
    %dot_general3A_9 = arith.constant dense<0.000000e+00> : vector<6x64xf32>
    %dot_general3A_10 = tpu.matmul %dot_general3A_5, %get3A_8, %dot_general3A_9 {dimension_numbers = #tpu.dot_dimension_numbers<[1], [0], [0], [1], [0, 0, 1, 1], [], []>, transpose_lhs_hint = false} : vector<6x8320xf32>, vector<8320x64xf32>, vector<6x64xf32> -> vector<6x64xf32>
    %abs3A = math.absf %dot_general3A_10 : vector<6x64xf32>
    %reduce_sum3A = vector.shape_cast %abs3A : vector<6x64xf32> to vector<1x6x64xf32>
    %reduce_sum3A_11 = arith.constant dense<0.000000e+00> : vector<1xf32>
    %reduce_sum3A_12 = vector.multi_reduction <add>, %reduce_sum3A, %reduce_sum3A_11 [1, 2] : vector<1x6x64xf32> to vector<1xf32>
    %reduce_sum3A_13 = vector.shape_cast %reduce_sum3A_12 : vector<1xf32> to vector<1x1x1xf32>
    %reduce_sum3A_14 = vector.extract %reduce_sum3A_13[0, 0, 0] : f32 from vector<1x1x1xf32>
    %mul3A = arith.constant 1.76606356E-8 : f32
    %mul3A_15 = arith.mulf %reduce_sum3A_14, %mul3A : f32
    %reshape3A = vector.broadcast %mul3A_15 : f32 to vector<1x1xf32>
    %swap3A = arith.constant 0 : index
    %swap3A_16 = arith.constant 0 : index
    %swap3A_17 = vector.load %arg3[%swap3A, %swap3A_16] : memref<1x1xf32, #tpu.memory_space<vmem>>, vector<1x1xf32>
    tpu.vector_store %arg3[%swap3A, %swap3A_16], %reshape3A {strides = array<i32>} : memref<1x1xf32, #tpu.memory_space<vmem>>, vector<1x1xf32>,
    return
  }
}

</mosaic_0001>

<sc_bundles>
// kernel: kernel.4.cloned.1.call-start
scs
__scs_entry_jumppad:
0x0: {  	(pc) =	sbr.rel $0x88, $3  }
0x1: {  	(tag) =	ssettag $0x0;
	lr =	simm.s32 $0x1  }
0x2: {  	[smem:$0x3F9F] =	sst lr;
	_ =	strace $0xD0000000  }
0x3: {  	_ = 	snop  }
0x4: {  	_ = 	snop  }
0x5: {  	_ = 	snop  }
0x6: {  	_ = 	snop  }
0x7: {  	_ = 	snop  }
__scs_overlays_trampoline_lowered:
0x8: {  	[smem:$0x3FAE] =	sst s0  }
0x9: {  	[smem:$0x3FAF] =	sst s1  }
0xa: {  	[smem:$0x3FB0] =	sst s2  }
0xb: {  	[smem:$0x3FB1] =	sst s3  }
0xc: {  	[smem:$0x3FB2] =	sst s4  }
0xd: {  	[smem:$0x3FB3] =	sst s5  }
0xe: {  	[smem:$0x3FB4] =	sst s6  }
0xf: {  	[smem:$0x3FB5] =	sst s7  }
0x10: {  	[smem:$0x3FB6] =	sst s8  }
0x11: {  	[smem:$0x3FB7] =	sst s9;
	s0 =	simm.s32 @!p0 $0x0  }
0x12: {  	s1 =	sld [smem:$0x3F9D];
	s0 =	simm.s32 @p0 $0x1  }
0x13: {  	[smem:$0x3FB8] =	sst s0;
	s0 =	simm.s32 @!p1 $0x0  }
0x14: {  	s2 =	sld [smem:$0x3F9C];
	s0 =	simm.s32 @p1 $0x1  }
0x15: {  	[smem:$0x3FB9] =	sst s0;
	s0 =	simm.s32 @!p2 $0x0  }
0x16: {  	s3 =	sld [smem:$0x3FDB];
	s0 =	simm.s32 @p2 $0x1  }
0x17: {  	s4 =	simm.s32 $0x1BF5;
	[smem:$0x3FBB] =	sst s0  }
0x18: {  	s0 =	sld [smem:$0x3F9E];
	_ =	swait.ge [sflag:s4], $0x0  }
0x19: {  	s7 =	sld [smem:$0x3F9F]  }
0x1a: {  	s8 =	sadd.s32 $0xFFFFE003, lr  }
0x1b: {  	s9 =	sadd.s32 $0xFFFFFEF7, lr;
	s5 =	simm.s32 $0xFFFFFFFF;
	p2 =	slt.u32 s8, $0xFFFFF086  }
0x1c: {  	p1 =	slt.u32 s9, $0xF7A;
	s5 =	simm.s32 @!p2 $0x0  }
0x1d: {  	s5 =	simm.s32 @p1 $0x1;
	p0 =	seq.s32 s7, s2  }
0x1e: {  	s7 =	smul.u32 @!p0 $0xF7A, s2;
	p2 =	seq.s32 @!p0 s5, $0x0  }
0x1f: {  	s9 =	smul.u32 $0xF7A, s1;
	s8 =	simm.s32 @!p0 $0x1BF5;
	p2 =	por !p2, p0  }
0x20: {  	[sflag:s8] =	ssyncset.s32 @!p0 $0xFFFFF086;
	s6 =	sadd.s32 @!p0 s3, s7;
	s7 =	simm.s32 @!p0 $0x108  }
0x21: {  	s3 =	sadd.s32 s3, s9;
	s6 =	sadd.s32 @!p0 $0x88, s6;
	s7 =	simm.s32 @p2 $0x1082  }
0x22: {  	[simem:s7], [sflag:s8] =	dma.local @!p0 [hbm:s6], $0xF7A  }
0x23: {  	s9 =	sor.u32 $0xD0000000, s2;
	s6 =	simm.s32 $0x108;
	_ =	swait.ge @!p0 [sflag:s8], $0x0  }
0x24: {  	s3 =	sadd.s32 $0x88, s3;
	s6 =	simm.s32 @!p1 $0x1082;
	[sflag:s4] =	ssyncset.s32 $0xFFFFF086  }
0x25: {  	[simem:s6], [sflag:s4] =	dma.local [hbm:s3], $0xF7A  }
0x26: {  	[smem:$0x3F9F] =	sst s1;
	(tag) =	ssettag s2;
	_ =	strace s9  }
0x27: {  	s1 =	sld [smem:$0x3FAF]  }
0x28: {  	s2 =	sld [smem:$0x3FB0]  }
0x29: {  	s4 =	sld [smem:$0x3FB2]  }
0x2a: {  	p0 =	seq.s32 s5, $0x0;
	s5 =	sld [smem:$0x3FB3]  }
0x2b: {  	s6 =	sld [smem:$0x3FB4]  }
0x2c: {  	s7 =	sld [smem:$0x3FB5]  }
0x2d: {  	s3 =	simm.s32 $0x108;
	s8 =	sld [smem:$0x3FB6]  }
0x2e: {  	s3 =	simm.s32 @!p0 $0x1082;
	s9 =	sld [smem:$0x3FB7]  }
0x2f: {  	lr =	sadd.s32 s0, s3;
	s0 =	sld [smem:$0x3FAE]  }
0x30: {  	s3 =	sld [smem:$0x3FB1]  }
0x31: {  	[smem:$0x3FBA] =	sst s10  }
0x32: {  	s10 =	sld [smem:$0x3FB8];
	_ =	sdelay $0x3  }
0x33: {  	p0 =	seq.s32 s10, $0x1;
	s10 =	sld [smem:$0x3FBA];
	_ =	sdelay $0x3  }
0x34: {  	[smem:$0x3FBA] =	sst s10  }
0x35: {  	s10 =	sld [smem:$0x3FB9];
	_ =	sdelay $0x3  }
0x36: {  	p1 =	seq.s32 s10, $0x1;
	s10 =	sld [smem:$0x3FBA];
	_ =	sdelay $0x3  }
0x37: {  	[smem:$0x3FBA] =	sst s10  }
0x38: {  	s10 =	sld [smem:$0x3FBB]  }
0x39: {  	_ = 	snop;
	(pc) =	sbr.ind lr, $3  }
0x3a: {  	_ = 	snop  }
0x3b: {  	_ = 	snop  }
0x3c: {  	p2 =	seq.s32 s10, $0x1;
	s10 =	sld [smem:$0x3FBA]  }
0x3d: {  	_ =	shalt  }
0x3e: {  	_ =	shalt  }
0x3f: {  	_ =	shalt  }
0x40: {  	_ =	shalt  }
0x41: {  	_ =	shalt  }
0x42: {  	_ =	shalt  }
0x43: {  	_ =	shalt  }
0x44: {  	_ =	shalt  }
0x45: {  	_ =	shalt  }
0x46: {  	_ =	shalt  }
0x47: {  	_ =	shalt  }
0x48: {  	_ =	shalt  }
0x49: {  	_ =	shalt  }
0x4a: {  	_ =	shalt  }
0x4b: {  	_ =	shalt  }
0x4c: {  	_ =	shalt  }
0x4d: {  	_ =	shalt  }
0x4e: {  	_ =	shalt  }
0x4f: {  	_ =	shalt  }
0x50: {  	_ =	shalt  }
0x51: {  	_ =	shalt  }
0x52: {  	_ =	shalt  }
0x53: {  	_ =	shalt  }
0x54: {  	_ =	shalt  }
0x55: {  	_ =	shalt  }
0x56: {  	_ =	shalt  }
0x57: {  	_ =	shalt  }
0x58: {  	_ =	shalt  }
0x59: {  	_ =	shalt  }
0x5a: {  	_ =	shalt  }
0x5b: {  	_ =	shalt  }
0x5c: {  	_ =	shalt  }
0x5d: {  	_ =	shalt  }
0x5e: {  	_ =	shalt  }
0x5f: {  	_ =	shalt  }
0x60: {  	_ =	shalt  }
0x61: {  	_ =	shalt  }
0x62: {  	_ =	shalt  }
0x63: {  	_ =	shalt  }
0x64: {  	_ =	shalt  }
0x65: {  	_ =	shalt  }
0x66: {  	_ =	shalt  }
0x67: {  	_ =	shalt  }
0x68: {  	_ =	shalt  }
0x69: {  	_ =	shalt  }
0x6a: {  	_ =	shalt  }
0x6b: {  	_ =	shalt  }
0x6c: {  	_ =	shalt  }
0x6d: {  	_ =	shalt  }
0x6e: {  	_ =	shalt  }
0x6f: {  	_ =	shalt  }
0x70: {  	_ =	shalt  }
0x71: {  	_ =	shalt  }
0x72: {  	_ =	shalt  }
0x73: {  	_ =	shalt  }
0x74: {  	_ =	shalt  }
0x75: {  	_ =	shalt  }
0x76: {  	_ =	shalt  }
0x77: {  	_ =	shalt  }
0x78: {  	_ =	shalt  }
0x79: {  	_ =	shalt  }
0x7a: {  	_ =	shalt  }
0x7b: {  	_ =	shalt  }
0x7c: {  	_ =	shalt  }
0x7d: {  	_ =	shalt  }
0x7e: {  	_ =	shalt  }
0x7f: {  	_ =	shalt  }
0x80: {  	_ =	shalt  }
0x81: {  	_ =	shalt  }
0x82: {  	_ =	shalt  }
0x83: {  	_ =	shalt  }
0x84: {  	_ =	shalt  }
0x85: {  	_ =	shalt  }
0x86: {  	_ =	shalt  }
0x87: {  	_ =	shalt  }
.Lfunc_end0:
.L_simem_size_0:
called_computation_lowered:
.L_overlay_start_0:
0x88: {  	s2 =	sld [smem:$0x3FD9]  }
0x89: {  	s3 =	sld [smem:$0x3FFE];
	_ =	sdelay $0x1  }
0x8a: {  	s1 =	srdreg.scid  }
0x8b: {  	s0 =	sand.u32 $0x1, s1  }
0x8c: {  	s17 =	sshll.u32 s0, $0xA;
	s2 =	sadd.s32 s3, s2  }
0x8d: {  	s2 =	sadd.s32 s2, s17  }
0x8e: {  	[smem:$0x3FC6] =	sst s2  }
0x8f: {  	_ = 	snop  }
0x90: {  	s2 =	sld [smem:$0x3FC9]  }
0x91: {  	s18 =	sld [smem:$0x3FC8];
	(tm) =	ssettm $0x1  }
0x92: {  	s4 =	sld [smem:$0x3FFB];
	_ =	sdelay $0x3  }
0x93: {  	_ =	strace s4  }
0x94: {  	s4 =	sld [smem:$0x3FFC];
	_ =	sdelay $0x3  }
0x95: {  	_ =	strace s4  }
0x96: {  	s4 =	sld [smem:$0x3FFD];
	_ =	sdelay $0x3  }
0x97: {  	_ =	strace s4  }
0x98: {  	_ =	strace $0x8FFFFFFF  }
0x99: {  	s19 =	sld [smem:$0x3FDB];
	_ =	sdelay $0x1  }
0x9a: {  	s5 =	simm.s32 $_scs_section_size  }
0x9b: {  	s6 =	simm.s32 $_size__tile_overlayer_lowered;
	s7 =	simm.s32 $_tile_overlayer_lowered  }
0x9c: {  	s22 =	simm.s32 $0x1BFF;
	s21 =	sshll.u32 s7, $0x1;
	s4 =	sadd.s32 s5, s19  }
0x9d: {  	s8 =	simm.s32 $0x0;
	s20 =	sshll.u32 s6, $0x1;
	s6 =	sadd.s32 s21, s4  }
0x9e: {  	[timem:s8], [sflag:s22] =	dma.local [hbm:s6], s20  }
0x9f: {  	_ =	swait.ge [sflag:s22], s20  }
0xa0: {  	s5 =	ssub.s32 $0x0, s20;
	[sflag:s22] =	ssyncset.done $0x0  }
0xa1: {  	[sflag:s22] =	ssyncadd.s32 s5;
	_ =	sdelay $0x1  }
0xa2: {  	s23 =	simm.s32 $0x1B8B  }
0xa3: {  	_ =	swait.ge [sflag:s23], $0x1  }
0xa4: {  	[sflag:s23] =	ssyncset.done $0x0  }
0xa5: {  	s25 =	simm.s32 $0x1B8E;
	s24 =	sld [smem:$0x3FFE];
	[sflag:s23] =	ssyncadd.s32 $0xFFFFFFFF  }
0xa6: {  	s26 =	simm.s32 $execute0_lowered;
	[smem:$0x3FD2] =	sst s25  }
0xa7: {  	s6 =	sshll.u32 s26, $0x1;
	_ =	strace $0x80000046;
	[dreg:$0x1] =	wrdreg $0xFFFFFFFF  }
0xa8: {  	s28 =	simm.s32 $_size_execute0_lowered;
	s4 =	sadd.s32 s4, s6;
	[dreg:$0x0] =	wrdreg $0x0  }
0xa9: {  	s6 =	sshll.u32 s28, $0x1;
	[dreg:$0x2] =	wrdreg s4  }
0xaa: {  	[dreg:$0x3] =	wrdreg s6  }
0xab: {  	[dreg:$0x4] =	wrdreg $0xC0  }
0xac: {  	_ =	task [dreg:s8], $0x5FFFF  }
0xad: {  	[dreg:$0x1] =	wrdreg $0xFFFFFFFF  }
0xae: {  	[dreg:$0x0] =	wrdreg $0x60  }
0xaf: {  	[dreg:$0x2] =	wrdreg s2  }
0xb0: {  	[dreg:$0x3] =	wrdreg s18  }
0xb1: {  	[dreg:$0x4] =	wrdreg s24  }
0xb2: {  	[dreg:$0x5] =	wrdreg $0x9  }
0xb3: {  	_ =	task.clear_ibuf [dreg:s8], $0x6FFFF;
	_ =	strace $0x90000046  }
0xb4: {  	s29 =	simm.s32 $0x9;
	_ =	strace $0x80000048  }
0xb5: {  	_ =	swait.ge [sflag:s29], $0x1  }
0xb6: {  	[sflag:s29] =	ssyncadd.s32 $0xFFFFFFFF  }
0xb7: {  	_ =	strace $0x90000048  }
0xb8: {  	_ =	sfence  }
0xb9: {  	s30 =	sld [smem:$0x0];
	_ =	sdelay $0x2  }
0xba: {  	s31 =	sshll.u32 s1, $0xD;
	s1 =	sshrl.u32 s1, $0x2  }
0xbb: {  	s3 =	sand.u32 $0x4000, s31;
	s1 =	sadd.s32 s1, s30  }
0xbc: {  	s0 =	sor.u32 s3, s0;
	s1 =	sshll.u32 s1, $0x11  }
0xbd: {  	s0 =	sor.u32 s1, s0  }
0xbe: {  	s0 =	sadd.s32 $0x8F2B, s0  }
0xbf: {  	[sflag:s0] =	ssyncadd.remote.s32 $0x1  }
0xc0: {  	_ =	sfence.sel $0xFFFF  }
0xc1: {  	[dreg:$0x0] =	wrdreg $0xFFFFFFFF;
	(pc) =	sbr.abs _section_cstart, $3  }
0xc2: {  	[dreg:$0x1] =	wrdreg $0xFFFFFFFF  }
0xc3: {  	_ =	task.clear_ibuf [dreg:s8], $0x2FFFF;
	_ =	strace $0x9FFFFFFF  }
0xc4: {  	(tm) =	ssettm $0x7FFFFFFF  }
0xc5: {  	_ =	shalt  }
tec
execute0_lowered:
.L_overlay_start_1:
0x0: {  	(tag) =	ssettag $0x1  }
0x1: {  	s0 =	srdreg.scid  }
0x2: {  	s4 =	stileid.u32;
	s2 =	rddreg [dreg:$0x2]  }
0x3: {  	s6 =	simm.s32 $0x0;
	s8 =	simm.s32 $0x1;
	s12 =	simm.s32 $0xD800  }
0x4: {  	s30 =	simm.s32 $0xDC00;
	s31 =	simm.s32 $0xE000;
	s0 =	sand.u32 $0x1, s0  }
0x5: {  	s1 =	sshll.u32 s4, $0x1;
	s4 =	sshrl.u32 s4, $0x1;
	[smem:$0x7FF] =	sst s6  }
0x6: {  	s3 =	sor.u32 s0, s1;
	s4 =	smul.u32 $0x10400, s4;
	_ =	strace $0x80000047  }
0x7: {  	s1 =	sshra.s32 s1, $0x1F;
	s0 =	ssub.s32 $0x2, s0;
	s7 =	sand.u32 $0xF, s3  }
0x8: {  	s5 =	sshll.u32 s3, $0x8;
	s1 =	sshrl.u32 s1, $0x1C;
	s17 =	smul.u32 $0x60030, s7  }
0x9: {  	s18 =	sshrl.u32 s0, $0x1;
	s5 =	sand.u32 $0x300, s5;
	s9 =	smul.u32 $0x90, s7  }
0xa: {  	s22 =	smul.u32 $0x3, s7;
	s4 =	sor.u32 s4, s5;
	s5 =	sshrl.u32 s17, $0x14  }
0xb: {  	p0 =	slt.s32 s3, $0x1;
	s1 =	sadd.s32 s1, s3;
	s5 =	smul.u32 $0x180, s5  }
0xc: {  	s0 =	ssub.s32 s0, s18;
	s23 =	smul.u32 $0x1B00, s7;
	s19 =	sand.u32 $0xFFFFFFF0, s1  }
0xd: {  	s1 =	sshra.s32 s1, $0x4;
	s0 =	smax.u32 s0, $0x1;
	s20 =	ssub.s32 s9, s5  }
0xe: {  	s4 =	sshrl.u32 s4, $0x3;
	p1 =	sne.s32 s3, s19;
	s3 =	sand.u32 $0xFFF0, s20  }
0xf: {  	s21 =	sadd.s32 $0x90, s9;
	[dreg:$0x4] =	wrdreg s23;
	s3 =	ssub.s32 s9, s3  }
0x10: {  	s24 =	sshrl.u32 s22, $0x3;
	[dreg:$0x7] =	wrdreg s0;
	s3 =	sadd.s32 $0x180, s3  }
0x11: {  	s19 =	simm.s32 $0x0;
	s2 =	sadd.s32 s4, s2;
	s3 =	smin.u32 s3, s21  }
0x12: {  	p0 =	por !p0, !p1;
	s6 =	ssub.s32 s3, s9;
	s3 =	smul.u32 $0x180, s24  }
0x13: {  	p0 =	por !p0, !p0;
	s10 =	sadd.s32 $0xA00, s2;
	s2 =	sadd.s32 $0xA10, s2  }
0x14: {  	s8 =	simm.s32 @!p0 $0x0;
	[dreg:$0x5] =	wrdreg s10;
	s3 =	ssub.s32 s9, s3  }
0x15: {  	[dreg:$0x6] =	wrdreg s2;
	s25 =	sshrl.u32 s6, $0x3;
	s3 =	sand.u32 $0xFFF0, s3  }
0x16: {  	s1 =	ssub.s32 s1, s8;
	s5 =	smul.u32 $0x3000, s25;
	s3 =	ssub.s32 s9, s3  }
0x17: {  	p0 =	seq.s32 s1, $0x0;
	s26 =	sshll.u32 s6, $0x7;
	s0 =	sadd.s32 $0x180, s3  }
0x18: {  	s10 =	sand.u32 $0x380, s26;
	s5 =	sshra.s32 s5, $0x2;
	s0 =	smin.u32 s0, s21  }
0x19: {  	s8 =	ssub.s32 $0x90, s6;
	s28 =	sor.u32 s10, s5;
	s3 =	sshll.u32 s0, $0x7  }
.Ltmp0:
0x1a: {  	s14 =	ssub.s32 s0, s9;
	s0 =	simm.s32 @!p0 $0x0;
	(pc) =	sbr.rel .LBB2_1-.Ltmp0, $4  }
0x1b: {  	s2 =	sadd.s32 $0x800, s28;
	s0 =	simm.s32 @p0 $0x1;
	p0 =	sne.s32 s1, $0x1  }
0x1c: {  	s2 =	smul.u32 $0x4800, s7;
	[smem:$0x7FC] =	sst s0;
	s0 =	simm.s32 @!p0 $0x0  }
0x1d: {  	p1 =	slt.s32 s6, $0x1;
	p2 =	slt.s32 s8, $0x1;
	s0 =	simm.s32 @p0 $0x1  }
0x1e: {  	v0 =	vimm.f32 $0.0e+00;
	v1 =	vimm.f32 $1.000000000e+00;
	s29 =	sadd.s32 $0x400, s28;
	s17 =	ssub.s32 s3, s2;
	[smem:$0x7FD] =	sst s0  }
.LBB2_23:
0x1f: {  	s28 =	smov.u32 s21;
	s26 =	smov.u32 s20  }
.LBB2_34:
0x20: {  	_ =	sdelay $0x2  }
0x21: {  	v11 =	vadd.s32 $0x2080, v11  }
0x22: {  	[tilespmem:v12+s12+$0x0] =	vst.idx.add.f32.msk $0xffff, v1  }
0x23: {  	v12 =	vld [tilespmem:s28+$0x50];
	_ =	sdelay $0x2  }
0x24: {  	[tilespmem:v11+s12+$0x0] =	vst.idx.add.f32.msk $0xffff, v1  }
0x25: {  	v11 =	vld [tilespmem:s26+$0x50]  }
0x26: {  	v12 =	vmul.f32 $8.192000000e+03, v12;
	_ =	sdelay $0x1  }
0x27: {  	v12 =	vadd.f32 $5.000000000e-01, v12;
	_ =	sdelay $0x1  }
0x28: {  	v12 =	vtrunc.f32 v12;
	v11 =	vmul.f32 $8.192000000e+03, v11  }
0x29: {  	v12 =	vcvt.f32.s32 v12  }
0x2a: {  	v11 =	vadd.f32 $5.000000000e-01, v11  }
0x2b: {  	v12 =	vadd.s32 $0x2080, v12  }
0x2c: {  	v11 =	vtrunc.f32 v11  }
0x2d: {  	v11 =	vcvt.f32.s32 v11;
	_ =	sdelay $0x1  }
0x2e: {  	v11 =	vadd.s32 $0x2080, v11  }
0x2f: {  	[tilespmem:v12+s12+$0x0] =	vst.idx.add.f32.msk $0xffff, v1  }
0x30: {  	v12 =	vld [tilespmem:s28+$0x60];
	_ =	sdelay $0x2  }
0x31: {  	[tilespmem:v11+s12+$0x0] =	vst.idx.add.f32.msk $0xffff, v1  }
0x32: {  	v11 =	vld [tilespmem:s26+$0x60]  }
0x33: {  	v12 =	vmul.f32 $8.192000000e+03, v12;
	_ =	sdelay $0x1  }
0x34: {  	v12 =	vadd.f32 $5.000000000e-01, v12;
	_ =	sdelay $0x1  }
0x35: {  	v12 =	vtrunc.f32 v12;
	v11 =	vmul.f32 $8.192000000e+03, v11  }
0x36: {  	v12 =	vcvt.f32.s32 v12  }
0x37: {  	v11 =	vadd.f32 $5.000000000e-01, v11  }
0x38: {  	v12 =	vadd.s32 $0x2080, v12  }
0x39: {  	v11 =	vtrunc.f32 v11  }
0x3a: {  	v11 =	vcvt.f32.s32 v11;
	_ =	sdelay $0x1  }
0x3b: {  	v11 =	vadd.s32 $0x2080, v11  }
0x3c: {  	[tilespmem:v12+s12+$0x0] =	vst.idx.add.f32.msk $0xffff, v1  }
0x3d: {  	v12 =	vld [tilespmem:s28+$0x70];
	_ =	sdelay $0x2  }
0x3e: {  	[tilespmem:v11+s12+$0x0] =	vst.idx.add.f32.msk $0xffff, v1  }
0x3f: {  	v11 =	vld [tilespmem:s26+$0x70]  }
0x40: {  	v12 =	vmul.f32 $8.192000000e+03, v12;
	_ =	sdelay $0x1  }
0x41: {  	v12 =	vadd.f32 $5.000000000e-01, v12;
	_ =	sdelay $0x1  }
0x42: {  	v12 =	vtrunc.f32 v12;
	v11 =	vmul.f32 $8.192000000e+03, v11  }
0x43: {  	v12 =	vcvt.f32.s32 v12  }
0x44: {  	v11 =	vadd.f32 $5.000000000e-01, v11  }
0x45: {  	v12 =	vadd.s32 $0x2080, v12  }
0x46: {  	v11 =	vtrunc.f32 v11  }
0x47: {  	v11 =	vcvt.f32.s32 v11;
	_ =	sdelay $0x1  }
0x48: {  	v11 =	vadd.s32 $0x2080, v11  }
0x49: {  	[tilespmem:v12+s12+$0x0] =	vst.idx.add.f32.msk $0xffff, v1  }
0x4a: {  	v12 =	vld [tilespmem:s28+$0x400];
	_ =	sdelay $0x2  }
0x4b: {  	[tilespmem:v11+s12+$0x0] =	vst.idx.add.f32.msk $0xffff, v1  }
0x4c: {  	v11 =	vld [tilespmem:s26+$0x400]  }
0x4d: {  	v12 =	vmul.f32 $8.192000000e+03, v12;
	_ =	sdelay $0x1  }
0x4e: {  	v12 =	vadd.f32 $5.000000000e-01, v12;
	_ =	sdelay $0x1  }
0x4f: {  	v12 =	vtrunc.f32 v12;
	v11 =	vmul.f32 $8.192000000e+03, v11  }
0x50: {  	v12 =	vcvt.f32.s32 v12  }
0x51: {  	v11 =	vadd.f32 $5.000000000e-01, v11  }
0x52: {  	v12 =	vadd.s32 $0x2080, v12  }
0x53: {  	v11 =	vtrunc.f32 v11  }
0x54: {  	v11 =	vcvt.f32.s32 v11;
	_ =	sdelay $0x1  }
0x55: {  	v11 =	vadd.s32 $0x2080, v11  }
0x56: {  	[tilespmem:v12+s12+$0x0] =	vst.idx.add.f32.msk $0xffff, v1  }
0x57: {  	v12 =	vld [tilespmem:s28+$0x410];
	_ =	sdelay $0x2  }
0x58: {  	[tilespmem:v11+s12+$0x0] =	vst.idx.add.f32.msk $0xffff, v1  }
0x59: {  	v11 =	vld [tilespmem:s26+$0x410]  }
0x5a: {  	v12 =	vmul.f32 $8.192000000e+03, v12;
	_ =	sdelay $0x1  }
0x5b: {  	v12 =	vadd.f32 $5.000000000e-01, v12  }
0x5c: {  	v9 =	vcvt.f32.s32 @p4 v9  }
0x5d: {  	v12 =	vtrunc.f32 v12;
	v11 =	vmul.f32 $8.192000000e+03, v11  }
0x5e: {  	v9 =	vadd.s32 @p4 $0x2080, v9;
	v12 =	vcvt.f32.s32 v12  }
0x5f: {  	v11 =	vadd.f32 $5.000000000e-01, v11  }
0x60: {  	v12 =	vadd.s32 $0x2080, v12  }
0x61: {  	v11 =	vtrunc.f32 v11  }
0x62: {  	v11 =	vcvt.f32.s32 v11  }
0x63: {  	[tilespmem:v9+s12+$0x0] =	vst.idx.add.f32.msk @p4 $0xffff, v1  }
0x64: {  	v55 =	vadd.s32 $0x2080, v11;
	v11 =	vld @p4 [tilespmem:s29+$0x420]  }
0x65: {  	v10 =	vmul.f32 @p4 $8.192000000e+03, v10;
	[tilespmem:v12+s12+$0x0] =	vst.idx.add.f32.msk $0xffff, v1  }
0x66: {  	v12 =	vld [tilespmem:s28+$0x420]  }
0x67: {  	v10 =	vadd.f32 @p4 $5.000000000e-01, v10;
	_ =	sdelay $0x1  }
0x68: {  	v9 =	vtrunc.f32 @p4 v10;
	[tilespmem:v55+s12+$0x0] =	vst.idx.add.f32.msk $0xffff, v1;
	v10 =	vmul.f32 @p4 $8.192000000e+03, v11  }
0x69: {  	v56 =	vld [tilespmem:s26+$0x420]  }
0x6a: {  	v9 =	vcvt.f32.s32 @p4 v9;
	v12 =	vmul.f32 $8.192000000e+03, v12;
	v10 =	vadd.f32 @p4 $5.000000000e-01, v10;
	_ =	sdelay $0x1  }
0x6b: {  	v9 =	vadd.s32 @p4 $0x2080, v9;
	v12 =	vadd.f32 $5.000000000e-01, v12;
	v10 =	vtrunc.f32 @p4 v10  }
0x6c: {  	v10 =	vcvt.f32.s32 @p4 v10  }
0x6d: {  	v12 =	vtrunc.f32 v12;
	v11 =	vmul.f32 $8.192000000e+03, v56  }
0x6e: {  	v57 =	vcvt.f32.s32 v12;
	v10 =	vadd.s32 @p4 $0x2080, v10  }
0x6f: {  	v11 =	vadd.f32 $5.000000000e-01, v11  }
0x70: {  	[tilespmem:v9+s12+$0x0] =	vst.idx.add.f32.msk @p4 $0xffff, v1;
	v9 =	vadd.s32 $0x2080, v57  }
0x71: {  	v12 =	vld @p4 [tilespmem:s25+$0x430];
	v11 =	vtrunc.f32 v11  }
0x72: {  	v11 =	vcvt.f32.s32 v11  }
0x73: {  	[tilespmem:v10+s12+$0x0] =	vst.idx.add.f32.msk @p4 $0xffff, v1  }
0x74: {  	v58 =	vadd.s32 $0x2080, v11;
	v11 =	vld @p4 [tilespmem:s29+$0x430]  }
0x75: {  	[tilespmem:v9+s12+$0x0] =	vst.idx.add.f32.msk $0xffff, v1  }
0x76: {  	v12 =	vmul.f32 @p4 $8.192000000e+03, v12;
	v59 =	vld [tilespmem:s28+$0x430];
	_ =	sdelay $0x1  }
0x77: {  	v9 =	vadd.f32 @p4 $5.000000000e-01, v12  }
0x78: {  	[tilespmem:v58+s12+$0x0] =	vst.idx.add.f32.msk $0xffff, v1;
	v10 =	vmul.f32 @p4 $8.192000000e+03, v11  }
0x79: {  	v9 =	vtrunc.f32 @p4 v9;
	v60 =	vld [tilespmem:s26+$0x430]  }
0x7a: {  	v9 =	vcvt.f32.s32 @p4 v9;
	v12 =	vmul.f32 $8.192000000e+03, v59;
	v10 =	vadd.f32 @p4 $5.000000000e-01, v10;
	_ =	sdelay $0x1  }
0x7b: {  	v9 =	vadd.s32 @p4 $0x2080, v9;
	v12 =	vadd.f32 $5.000000000e-01, v12;
	v10 =	vtrunc.f32 @p4 v10  }
0x7c: {  	v10 =	vcvt.f32.s32 @p4 v10  }
0x7d: {  	v12 =	vtrunc.f32 v12;
	v11 =	vmul.f32 $8.192000000e+03, v60  }
0x7e: {  	v61 =	vcvt.f32.s32 v12;
	v10 =	vadd.s32 @p4 $0x2080, v10  }
0x7f: {  	v11 =	vadd.f32 $5.000000000e-01, v11  }
0x80: {  	[tilespmem:v9+s12+$0x0] =	vst.idx.add.f32.msk @p4 $0xffff, v1;
	v9 =	vadd.s32 $0x2080, v61  }
0x81: {  	v12 =	vld @p4 [tilespmem:s25+$0x440];
	v11 =	vtrunc.f32 v11  }
0x82: {  	v11 =	vcvt.f32.s32 v11  }
0x83: {  	[tilespmem:v10+s12+$0x0] =	vst.idx.add.f32.msk @p4 $0xffff, v1  }
0x84: {  	v62 =	vadd.s32 $0x2080, v11;
	v11 =	vld @p4 [tilespmem:s29+$0x440]  }
0x85: {  	[tilespmem:v9+s12+$0x0] =	vst.idx.add.f32.msk $0xffff, v1  }
0x86: {  	v12 =	vmul.f32 @p4 $8.192000000e+03, v12;
	v63 =	vld [tilespmem:s28+$0x440];
	_ =	sdelay $0x1  }
0x87: {  	v9 =	vadd.f32 @p4 $5.000000000e-01, v12  }
0x88: {  	[tilespmem:v62+s12+$0x0] =	vst.idx.add.f32.msk $0xffff, v1;
	v10 =	vmul.f32 @p4 $8.192000000e+03, v11  }
0x89: {  	v9 =	vtrunc.f32 @p4 v9;
	v16 =	vld [tilespmem:s26+$0x440]  }
0x8a: {  	v9 =	vcvt.f32.s32 @p4 v9;
	v12 =	vmul.f32 $8.192000000e+03, v63;
	v10 =	vadd.f32 @p4 $5.000000000e-01, v10;
	_ =	sdelay $0x1  }
0x8b: {  	v9 =	vadd.s32 @p4 $0x2080, v9;
	v12 =	vadd.f32 $5.000000000e-01, v12;
	v10 =	vtrunc.f32 @p4 v10  }
0x8c: {  	v10 =	vcvt.f32.s32 @p4 v10  }
0x8d: {  	v12 =	vtrunc.f32 v12;
	v11 =	vmul.f32 $8.192000000e+03, v16  }
0x8e: {  	v17 =	vcvt.f32.s32 v12;
	v10 =	vadd.s32 @p4 $0x2080, v10  }
0x8f: {  	v11 =	vadd.f32 $5.000000000e-01, v11  }
0x90: {  	s1 =	smov.u32 @p4 s25;
	[tilespmem:v9+s12+$0x0] =	vst.idx.add.f32.msk @p4 $0xffff, v1;
	v9 =	vadd.s32 $0x2080, v17  }
0x91: {  	v12 =	vld @p4 [tilespmem:s1+$0x450];
	v11 =	vtrunc.f32 v11  }
0x92: {  	v11 =	vcvt.f32.s32 v11  }
0x93: {  	[tilespmem:v10+s12+$0x0] =	vst.idx.add.f32.msk @p4 $0xffff, v1  }
0x94: {  	v18 =	vadd.s32 $0x2080, v11;
	v11 =	vld @p4 [tilespmem:s29+$0x450]  }
0x95: {  	[tilespmem:v9+s12+$0x0] =	vst.idx.add.f32.msk $0xffff, v1  }
0x96: {  	v12 =	vmul.f32 @p4 $8.192000000e+03, v12;
	v19 =	vld [tilespmem:s28+$0x450];
	_ =	sdelay $0x1  }
0x97: {  	v9 =	vadd.f32 @p4 $5.000000000e-01, v12  }
0x98: {  	[tilespmem:v18+s12+$0x0] =	vst.idx.add.f32.msk $0xffff, v1;
	v10 =	vmul.f32 @p4 $8.192000000e+03, v11  }
0x99: {  	v9 =	vtrunc.f32 @p4 v9;
	v20 =	vld [tilespmem:s26+$0x450]  }
0x9a: {  	v9 =	vcvt.f32.s32 @p4 v9;
	v12 =	vmul.f32 $8.192000000e+03, v19;
	v10 =	vadd.f32 @p4 $5.000000000e-01, v10;
	_ =	sdelay $0x1  }
0x9b: {  	v9 =	vadd.s32 @p4 $0x2080, v9;
	v12 =	vadd.f32 $5.000000000e-01, v12;
	v10 =	vtrunc.f32 @p4 v10  }
0x9c: {  	v10 =	vcvt.f32.s32 @p4 v10  }
0x9d: {  	v12 =	vtrunc.f32 v12;
	v11 =	vmul.f32 $8.192000000e+03, v20  }
0x9e: {  	v21 =	vcvt.f32.s32 v12;
	v10 =	vadd.s32 @p4 $0x2080, v10  }
0x9f: {  	v11 =	vadd.f32 $5.000000000e-01, v11  }
0xa0: {  	[tilespmem:v9+s12+$0x0] =	vst.idx.add.f32.msk @p4 $0xffff, v1;
	v9 =	vadd.s32 $0x2080, v21  }
0xa1: {  	v12 =	vld @p4 [tilespmem:s1+$0x460];
	v11 =	vtrunc.f32 v11  }
0xa2: {  	v11 =	vcvt.f32.s32 v11  }
0xa3: {  	[tilespmem:v10+s12+$0x0] =	vst.idx.add.f32.msk @p4 $0xffff, v1  }
0xa4: {  	v22 =	vadd.s32 $0x2080, v11;
	v11 =	vld @p4 [tilespmem:s29+$0x460]  }
0xa5: {  	v8 =	vadd.f32 @p5 $5.000000000e-01, v8;
	[tilespmem:v9+s12+$0x0] =	vst.idx.add.f32.msk $0xffff, v1  }
0xa6: {  	v12 =	vmul.f32 @p4 $8.192000000e+03, v12;
	v23 =	vld [tilespmem:s28+$0x460]  }
0xa7: {  	v8 =	vtrunc.f32 @p5 v8  }
0xa8: {  	v8 =	vcvt.f32.s32 @p5 v8;
	v9 =	vadd.f32 @p4 $5.000000000e-01, v12  }
0xa9: {  	v10 =	vmul.f32 @p4 $8.192000000e+03, v11  }
0xaa: {  	v8 =	vadd.s32 @p5 $0x2080, v8;
	v9 =	vtrunc.f32 @p4 v9  }
0xab: {  	v9 =	vcvt.f32.s32 @p4 v9;
	[tilespmem:v22+s12+$0x0] =	vst.idx.add.f32.msk $0xffff, v1;
	v25 =	vmul.f32 $8.192000000e+03, v23;
	v4 =	vpsel p4, v10, v4  }
0xac: {  	v24 =	vld [tilespmem:s26+$0x460];
	v4 =	vadd.f32 @p4 $5.000000000e-01, v4  }
0xad: {  	v9 =	vadd.s32 @p4 $0x2080, v9;
	v10 =	vadd.f32 $5.000000000e-01, v25  }
0xae: {  	v4 =	vtrunc.f32 @p4 v4  }
0xaf: {  	v10 =	vtrunc.f32 v10;
	v4 =	vcvt.f32.s32 @p4 v4  }
0xb0: {  	[tilespmem:v8+s12+$0x0] =	vst.idx.add.f32.msk @p5 $0xffff, v1;
	v26 =	vcvt.f32.s32 v10  }
0xb1: {  	v8 =	vld @p5 [tilespmem:s24+$0x470];
	v11 =	vmul.f32 $8.192000000e+03, v24;
	v4 =	vadd.s32 @p4 $0x2080, v4  }
0xb2: {  	[tilespmem:v9+s12+$0x0] =	vst.idx.add.f32.msk @p4 $0xffff, v1;
	v9 =	vadd.s32 $0x2080, v26  }
0xb3: {  	v10 =	vld @p4 [tilespmem:s1+$0x470];
	v11 =	vadd.f32 $5.000000000e-01, v11;
	_ =	sdelay $0x1  }
0xb4: {  	v11 =	vtrunc.f32 v11  }
0xb5: {  	s3 =	smov.u32 @p4 s29;
	v8 =	vmul.f32 @p5 $8.192000000e+03, v8;
	v11 =	vcvt.f32.s32 v11;
	[tilespmem:v4+s12+$0x0] =	vst.idx.add.f32.msk @p4 $0xffff, v1  }
0xb6: {  	s22 =	smov.u32 @p4 s3;
	[tilespmem:v9+s12+$0x0] =	vst.idx.add.f32.msk $0xffff, v1  }
0xb7: {  	v8 =	vadd.f32 @p5 $5.000000000e-01, v8;
	v11 =	vadd.s32 $0x2080, v11;
	v4 =	vmul.f32 @p4 $8.192000000e+03, v10;
	v10 =	vld @p4 [tilespmem:s22+$0x470]  }
0xb8: {  	v7 =	vtrunc.f32 @p5 v7;
	v9 =	vld [tilespmem:s28+$0x470]  }
0xb9: {  	v7 =	vcvt.f32.s32 @p5 v7;
	v8 =	vtrunc.f32 @p5 v8  }
0xba: {  	v8 =	vcvt.f32.s32 @p5 v8  }
0xbb: {  	v7 =	vadd.s32 @p5 $0x2080, v7;
	v4 =	vadd.f32 @p4 $5.000000000e-01, v4  }
0xbc: {  	v8 =	vadd.s32 @p5 $0x2080, v8;
	[tilespmem:v11+s12+$0x0] =	vst.idx.add.f32.msk $0xffff, v1;
	v10 =	vmul.f32 @p4 $8.192000000e+03, v10  }
0xbd: {  	v3 =	vpsel p4, v4, v3;
	v27 =	vld [tilespmem:s26+$0x470];
	v9 =	vmul.f32 $8.192000000e+03, v9  }
0xbe: {  	v3 =	vtrunc.f32 @p4 v3;
	v10 =	vadd.f32 @p4 $5.000000000e-01, v10  }
0xbf: {  	v3 =	vcvt.f32.s32 @p4 v3;
	v9 =	vadd.f32 $5.000000000e-01, v9  }
0xc0: {  	[tilespmem:v7+s12+$0x0] =	vst.idx.add.f32.msk @p5 $0xffff, v1;
	v7 =	vtrunc.f32 @p4 v10  }
0xc1: {  	[tilespmem:v8+s12+$0x0] =	vst.idx.add.f32.msk @p5 $0xffff, v1;
	v3 =	vadd.s32 @p4 $0x2080, v3;
	v28 =	vtrunc.f32 v9;
	v7 =	vcvt.f32.s32 @p4 v7  }
0xc2: {  	v10 =	vld @p5 [tilespmem:s0+$0x800];
	v4 =	vmul.f32 $8.192000000e+03, v27;
	v8 =	vcvt.f32.s32 v28  }
0xc3: {  	v7 =	vadd.s32 @p4 $0x2080, v7  }
0xc4: {  	v4 =	vadd.f32 $5.000000000e-01, v4;
	v8 =	vadd.s32 $0x2080, v8  }
0xc5: {  	v9 =	vld @p5 [tilespmem:s24+$0x800]  }
0xc6: {  	s2 =	smov.u32 @p4 s1;
	[tilespmem:v3+s12+$0x0] =	vst.idx.add.f32.msk @p4 $0xffff, v1;
	v3 =	vtrunc.f32 v4  }
0xc7: {  	v4 =	vld @p4 [tilespmem:s2+$0x800];
	v10 =	vmul.f32 @p5 $8.192000000e+03, v10;
	v3 =	vcvt.f32.s32 v3  }
0xc8: {  	[tilespmem:v7+s12+$0x0] =	vst.idx.add.f32.msk @p4 $0xffff, v1  }
0xc9: {  	v10 =	vadd.f32 @p5 $5.000000000e-01, v10;
	v3 =	vadd.s32 $0x2080, v3;
	[tilespmem:v8+s12+$0x0] =	vst.idx.add.f32.msk $0xffff, v1  }
0xca: {  	v7 =	vld @p4 [tilespmem:s22+$0x800]  }
0xcb: {  	v9 =	vmul.f32 @p5 $8.192000000e+03, v9;
	v10 =	vtrunc.f32 @p5 v10;
	v29 =	vld [tilespmem:s28+$0x800]  }
0xcc: {  	v8 =	vcvt.f32.s32 @p5 v10  }
0xcd: {  	v9 =	vadd.f32 @p5 $5.000000000e-01, v9;
	v4 =	vmul.f32 @p4 $8.192000000e+03, v4  }
0xce: {  	[tilespmem:v3+s12+$0x0] =	vst.idx.add.f32.msk $0xffff, v1;
	v3 =	vadd.s32 @p5 $0x2080, v8  }
0xcf: {  	v9 =	vtrunc.f32 @p5 v9;
	v4 =	vadd.f32 @p4 $5.000000000e-01, v4;
	v7 =	vmul.f32 @p4 $8.192000000e+03, v7  }
0xd0: {  	v8 =	vcvt.f32.s32 @p5 v9;
	v10 =	vmul.f32 $8.192000000e+03, v29  }
0xd1: {  	v30 =	vld [tilespmem:s26+$0x800];
	v4 =	vtrunc.f32 @p4 v4;
	v7 =	vadd.f32 @p4 $5.000000000e-01, v7  }
0xd2: {  	v8 =	vadd.s32 @p5 $0x2080, v8;
	v4 =	vcvt.f32.s32 @p4 v4;
	v31 =	vadd.f32 $5.000000000e-01, v10  }
0xd3: {  	[tilespmem:v3+s12+$0x0] =	vst.idx.add.f32.msk @p5 $0xffff, v1;
	v3 =	vtrunc.f32 @p4 v7  }
0xd4: {  	v4 =	vadd.s32 @p4 $0x2080, v4;
	v7 =	vtrunc.f32 v31;
	v3 =	vcvt.f32.s32 @p4 v3  }
0xd5: {  	v7 =	vcvt.f32.s32 v7  }
0xd6: {  	v9 =	vmul.f32 $8.192000000e+03, v30;
	v10 =	vld @p5 [tilespmem:s0+$0x810];
	v3 =	vadd.s32 @p4 $0x2080, v3  }
0xd7: {  	[tilespmem:v8+s12+$0x0] =	vst.idx.add.f32.msk @p5 $0xffff, v1;
	v7 =	vadd.s32 $0x2080, v7  }
0xd8: {  	v32 =	vadd.f32 $5.000000000e-01, v9;
	v9 =	vld @p5 [tilespmem:s24+$0x810]  }
0xd9: {  	[tilespmem:v4+s12+$0x0] =	vst.idx.add.f32.msk @p4 $0xffff, v1  }
0xda: {  	v33 =	vtrunc.f32 v32;
	v8 =	vld @p4 [tilespmem:s2+$0x810]  }
0xdb: {  	v4 =	vcvt.f32.s32 v33;
	v10 =	vmul.f32 @p5 $8.192000000e+03, v10;
	[tilespmem:v3+s12+$0x0] =	vst.idx.add.f32.msk @p4 $0xffff, v1  }
0xdc: {  	[tilespmem:v7+s12+$0x0] =	vst.idx.add.f32.msk $0xffff, v1  }
0xdd: {  	v4 =	vadd.s32 $0x2080, v4;
	v10 =	vadd.f32 @p5 $5.000000000e-01, v10;
	v9 =	vmul.f32 @p5 $8.192000000e+03, v9;
	v3 =	vld @p4 [tilespmem:s22+$0x810]  }
0xde: {  	v34 =	vld [tilespmem:s28+$0x810]  }
0xdf: {  	v10 =	vtrunc.f32 @p5 v10;
	v9 =	vadd.f32 @p5 $5.000000000e-01, v9  }
0xe0: {  	v8 =	vmul.f32 @p4 $8.192000000e+03, v8;
	v7 =	vcvt.f32.s32 @p5 v10  }
0xe1: {  	v9 =	vtrunc.f32 @p5 v9  }
0xe2: {  	v8 =	vadd.f32 @p4 $5.000000000e-01, v8;
	[tilespmem:v4+s12+$0x0] =	vst.idx.add.f32.msk $0xffff, v1;
	v4 =	vadd.s32 @p5 $0x2080, v7;
	v3 =	vmul.f32 @p4 $8.192000000e+03, v3  }
0xe3: {  	v7 =	vcvt.f32.s32 @p5 v9;
	v10 =	vmul.f32 $8.192000000e+03, v34  }
0xe4: {  	v35 =	vld [tilespmem:s26+$0x810];
	v8 =	vtrunc.f32 @p4 v8;
	v3 =	vadd.f32 @p4 $5.000000000e-01, v3  }
0xe5: {  	v7 =	vadd.s32 @p5 $0x2080, v7;
	v8 =	vcvt.f32.s32 @p4 v8;
	v36 =	vadd.f32 $5.000000000e-01, v10  }
0xe6: {  	v3 =	vtrunc.f32 @p4 v3  }
0xe7: {  	v8 =	vadd.s32 @p4 $0x2080, v8;
	[tilespmem:v4+s12+$0x0] =	vst.idx.add.f32.msk @p5 $0xffff, v1;
	v4 =	vtrunc.f32 v36;
	v3 =	vcvt.f32.s32 @p4 v3  }
0xe8: {  	s3 =	smov.u32 @p5 s0;
	v4 =	vcvt.f32.s32 v4  }
0xe9: {  	v9 =	vmul.f32 $8.192000000e+03, v35;
	v10 =	vld @p5 [tilespmem:s3+$0x820];
	v3 =	vadd.s32 @p4 $0x2080, v3  }
0xea: {  	[tilespmem:v7+s12+$0x0] =	vst.idx.add.f32.msk @p5 $0xffff, v1;
	v4 =	vadd.s32 $0x2080, v4  }
0xeb: {  	v37 =	vadd.f32 $5.000000000e-01, v9;
	v9 =	vld @p5 [tilespmem:s24+$0x820]  }
0xec: {  	s1 =	smov.u32 @p4 s2;
	[tilespmem:v8+s12+$0x0] =	vst.idx.add.f32.msk @p4 $0xffff, v1  }
0xed: {  	v7 =	vtrunc.f32 v37;
	v8 =	vld @p4 [tilespmem:s1+$0x820]  }
0xee: {  	v7 =	vcvt.f32.s32 v7;
	v10 =	vmul.f32 @p5 $8.192000000e+03, v10;
	[tilespmem:v3+s12+$0x0] =	vst.idx.add.f32.msk @p4 $0xffff, v1  }
0xef: {  	[tilespmem:v4+s12+$0x0] =	vst.idx.add.f32.msk $0xffff, v1  }
0xf0: {  	v7 =	vadd.s32 $0x2080, v7;
	v10 =	vadd.f32 @p5 $5.000000000e-01, v10;
	v9 =	vmul.f32 @p5 $8.192000000e+03, v9;
	v3 =	vld @p4 [tilespmem:s22+$0x820]  }
0xf1: {  	v38 =	vld [tilespmem:s28+$0x820]  }
0xf2: {  	v10 =	vtrunc.f32 @p5 v10;
	v9 =	vadd.f32 @p5 $5.000000000e-01, v9  }
0xf3: {  	v8 =	vmul.f32 @p4 $8.192000000e+03, v8;
	v4 =	vcvt.f32.s32 @p5 v10  }
0xf4: {  	v9 =	vtrunc.f32 @p5 v9  }
0xf5: {  	v8 =	vadd.f32 @p4 $5.000000000e-01, v8;
	[tilespmem:v7+s12+$0x0] =	vst.idx.add.f32.msk $0xffff, v1;
	v4 =	vadd.s32 @p5 $0x2080, v4;
	v3 =	vmul.f32 @p4 $8.192000000e+03, v3  }
0xf6: {  	v7 =	vcvt.f32.s32 @p5 v9;
	v39 =	vld [tilespmem:s26+$0x820];
	v10 =	vmul.f32 $8.192000000e+03, v38  }
0xf7: {  	v8 =	vtrunc.f32 @p4 v8;
	v3 =	vadd.f32 @p4 $5.000000000e-01, v3  }
0xf8: {  	v7 =	vadd.s32 @p5 $0x2080, v7;
	v8 =	vcvt.f32.s32 @p4 v8;
	v40 =	vadd.f32 $5.000000000e-01, v10  }
0xf9: {  	v11 =	vld @p6 [tilespmem:s30+$0x830];
	v3 =	vtrunc.f32 @p4 v3  }
0xfa: {  	v8 =	vadd.s32 @p4 $0x2080, v8;
	[tilespmem:v4+s12+$0x0] =	vst.idx.add.f32.msk @p5 $0xffff, v1;
	v4 =	vtrunc.f32 v40;
	v3 =	vcvt.f32.s32 @p4 v3  }
0xfb: {  	v9 =	vmul.f32 $8.192000000e+03, v39;
	v4 =	vcvt.f32.s32 v4  }
0xfc: {  	s0 =	smov.u32 @p5 s24;
	v10 =	vld @p5 [tilespmem:s3+$0x830];
	v3 =	vadd.s32 @p4 $0x2080, v3  }
0xfd: {  	s20 =	smov.u32 @p5 s0;
	[tilespmem:v7+s12+$0x0] =	vst.idx.add.f32.msk @p5 $0xffff, v1;
	v41 =	vadd.f32 $5.000000000e-01, v9;
	v4 =	vadd.s32 $0x2080, v4  }
0xfe: {  	v11 =	vmul.f32 @p6 $8.192000000e+03, v11;
	v9 =	vld @p5 [tilespmem:s20+$0x830]  }
0xff: {  	[tilespmem:v8+s12+$0x0] =	vst.idx.add.f32.msk @p4 $0xffff, v1;
	v7 =	vtrunc.f32 v41  }
0x100: {  	v11 =	vadd.f32 @p6 $5.000000000e-01, v11;
	v8 =	vld @p4 [tilespmem:s1+$0x830];
	v7 =	vcvt.f32.s32 v7  }
0x101: {  	s0 =	smov.u32 @p4 s22;
	v10 =	vmul.f32 @p5 $8.192000000e+03, v10;
	[tilespmem:v3+s12+$0x0] =	vst.idx.add.f32.msk @p4 $0xffff, v1  }
0x102: {  	v11 =	vtrunc.f32 @p6 v11;
	s0 =	smov.u32 @p4 s0;
	v7 =	vadd.s32 $0x2080, v7;
	[tilespmem:v4+s12+$0x0] =	vst.idx.add.f32.msk $0xffff, v1  }
0x103: {  	v10 =	vadd.f32 @p5 $5.000000000e-01, v10;
	v9 =	vmul.f32 @p5 $8.192000000e+03, v9;
	v3 =	vcvt.f32.s32 @p6 v11;
	v11 =	vld @p4 [tilespmem:s0+$0x830]  }
0x104: {  	v42 =	vld [tilespmem:s28+$0x830]  }
0x105: {  	v10 =	vtrunc.f32 @p5 v10;
	v9 =	vadd.f32 @p5 $5.000000000e-01, v9  }
0x106: {  	v8 =	vmul.f32 @p4 $8.192000000e+03, v8;
	v3 =	vadd.s32 @p6 $0x2080, v3;
	v4 =	vcvt.f32.s32 @p5 v10  }
0x107: {  	v9 =	vtrunc.f32 @p5 v9  }
0x108: {  	v8 =	vadd.f32 @p4 $5.000000000e-01, v8;
	[tilespmem:v7+s12+$0x0] =	vst.idx.add.f32.msk $0xffff, v1;
	v4 =	vadd.s32 @p5 $0x2080, v4;
	v7 =	vcvt.f32.s32 @p5 v9  }
0x109: {  	v43 =	vld [tilespmem:s26+$0x830];
	v11 =	vmul.f32 @p4 $8.192000000e+03, v11;
	v10 =	vmul.f32 $8.192000000e+03, v42  }
0x10a: {  	v8 =	vtrunc.f32 @p4 v8;
	v7 =	vadd.s32 @p5 $0x2080, v7  }
0x10b: {  	v8 =	vcvt.f32.s32 @p4 v8;
	[tilespmem:v3+s12+$0x0] =	vst.idx.add.f32.msk @p6 $0xffff, v1;
	v3 =	vadd.f32 @p4 $5.000000000e-01, v11;
	v44 =	vadd.f32 $5.000000000e-01, v10;
	_ =	sdelay $0x1  }
0x10c: {  	v8 =	vadd.s32 @p4 $0x2080, v8;
	[tilespmem:v4+s12+$0x0] =	vst.idx.add.f32.msk @p5 $0xffff, v1;
	v3 =	vtrunc.f32 @p4 v3;
	v4 =	vtrunc.f32 v44  }
0x10d: {  	v11 =	vld @p6 [tilespmem:s30+$0x840];
	v9 =	vmul.f32 $8.192000000e+03, v43;
	v3 =	vcvt.f32.s32 @p4 v3  }
0x10e: {  	v10 =	vld @p5 [tilespmem:s3+$0x840];
	v4 =	vcvt.f32.s32 v4  }
0x10f: {  	[tilespmem:v7+s12+$0x0] =	vst.idx.add.f32.msk @p5 $0xffff, v1;
	v45 =	vadd.f32 $5.000000000e-01, v9;
	v3 =	vadd.s32 @p4 $0x2080, v3  }
0x110: {  	v9 =	vld @p5 [tilespmem:s20+$0x840];
	v4 =	vadd.s32 $0x2080, v4  }
0x111: {  	[tilespmem:v8+s12+$0x0] =	vst.idx.add.f32.msk @p4 $0xffff, v1;
	v7 =	vtrunc.f32 v45  }
0x112: {  	v8 =	vld @p4 [tilespmem:s1+$0x840];
	v7 =	vcvt.f32.s32 v7  }
0x113: {  	v11 =	vmul.f32 @p6 $8.192000000e+03, v11  }
0x114: {  	v10 =	vmul.f32 @p5 $8.192000000e+03, v10;
	v7 =	vadd.s32 $0x2080, v7;
	[tilespmem:v3+s12+$0x0] =	vst.idx.add.f32.msk @p4 $0xffff, v1  }
0x115: {  	v11 =	vadd.f32 @p6 $5.000000000e-01, v11;
	[tilespmem:v4+s12+$0x0] =	vst.idx.add.f32.msk $0xffff, v1  }
0x116: {  	v3 =	vadd.f32 @p5 $5.000000000e-01, v10;
	v9 =	vmul.f32 @p5 $8.192000000e+03, v9;
	v10 =	vld @p4 [tilespmem:s0+$0x840]  }
0x117: {  	v11 =	vtrunc.f32 @p6 v11;
	v46 =	vld [tilespmem:s28+$0x840];
	v8 =	vmul.f32 @p4 $8.192000000e+03, v8  }
0x118: {  	v4 =	vcvt.f32.s32 @p6 v11;
	v3 =	vtrunc.f32 @p5 v3;
	v9 =	vadd.f32 @p5 $5.000000000e-01, v9  }
0x119: {  	v3 =	vcvt.f32.s32 @p5 v3;
	v8 =	vadd.f32 @p4 $5.000000000e-01, v8;
	[tilespmem:v7+s12+$0x0] =	vst.idx.add.f32.msk $0xffff, v1  }
0x11a: {  	v4 =	vadd.s32 @p6 $0x2080, v4;
	v7 =	vtrunc.f32 @p5 v9;
	v47 =	vld [tilespmem:s26+$0x840]  }
0x11b: {  	v3 =	vadd.s32 @p5 $0x2080, v3;
	v8 =	vtrunc.f32 @p4 v8;
	v10 =	vmul.f32 @p4 $8.192000000e+03, v10  }
0x11c: {  	v2 =	vpsel p5, v3, v2;
	v3 =	vcvt.f32.s32 @p5 v7;
	v48 =	vmul.f32 $8.192000000e+03, v46  }
0x11d: {  	[tilespmem:v6+s12+$0x0] =	vst.idx.add.f32.msk @p6 $0xffff, v1;
	v7 =	vcvt.f32.s32 @p4 v8;
	v6 =	vadd.f32 @p4 $5.000000000e-01, v10  }
0x11e: {  	v10 =	vld @p6 [tilespmem:s23+$0x850];
	v3 =	vadd.s32 @p5 $0x2080, v3;
	v49 =	vadd.f32 $5.000000000e-01, v48  }
0x11f: {  	[tilespmem:v4+s12+$0x0] =	vst.idx.add.f32.msk @p6 $0xffff, v1;
	v7 =	vadd.s32 @p4 $0x2080, v7;
	v4 =	vtrunc.f32 @p4 v6;
	v50 =	vmul.f32 $8.192000000e+03, v47  }
0x120: {  	v9 =	vld @p6 [tilespmem:s30+$0x850];
	v7 =	vpsel p4, v7, v0;
	v4 =	vcvt.f32.s32 @p4 v4  }
0x121: {  	s21 =	smov.u32 @p5 s3;
	[tilespmem:v2+s12+$0x0] =	vst.idx.add.f32.msk @p5 $0xffff, v1;
	v2 =	vtrunc.f32 v49;
	v51 =	vadd.f32 $5.000000000e-01, v50  }
0x122: {  	v8 =	vld @p5 [tilespmem:s21+$0x850];
	v2 =	vcvt.f32.s32 v2;
	v4 =	vadd.s32 @p4 $0x2080, v4  }
0x123: {  	v10 =	vmul.f32 @p6 $8.192000000e+03, v10;
	[tilespmem:v3+s12+$0x0] =	vst.idx.add.f32.msk @p5 $0xffff, v1;
	v3 =	vtrunc.f32 v51  }
0x124: {  	v6 =	vld @p5 [tilespmem:s20+$0x850];
	v2 =	vadd.s32 $0x2080, v2;
	v3 =	vcvt.f32.s32 v3  }
0x125: {  	s1 =	smov.u32 @p4 s1;
	v9 =	vmul.f32 @p6 $8.192000000e+03, v9;
	v10 =	vadd.f32 @p6 $5.000000000e-01, v10;
	[tilespmem:v7+s12+$0x0] =	vst.idx.add.f32.msk @p4 $0xffff, v1  }
0x126: {  	v7 =	vld @p4 [tilespmem:s1+$0x850];
	v3 =	vadd.s32 $0x2080, v3  }
0x127: {  	v9 =	vadd.f32 @p6 $5.000000000e-01, v9;
	v10 =	vtrunc.f32 @p6 v10;
	v8 =	vmul.f32 @p5 $8.192000000e+03, v8;
	[tilespmem:v4+s12+$0x0] =	vst.idx.add.f32.msk @p4 $0xffff, v1  }
0x128: {  	v4 =	vcvt.f32.s32 @p6 v10;
	v10 =	vld @p4 [tilespmem:s0+$0x850]  }
0x129: {  	v9 =	vtrunc.f32 @p6 v9;
	v8 =	vadd.f32 @p5 $5.000000000e-01, v8;
	v6 =	vmul.f32 @p5 $8.192000000e+03, v6;
	[tilespmem:v2+s12+$0x0] =	vst.idx.add.f32.msk $0xffff, v1  }
0x12a: {  	v2 =	vadd.s32 @p6 $0x2080, v4;
	v4 =	vcvt.f32.s32 @p6 v9;
	v52 =	vld [tilespmem:s28+$0x850]  }
0x12b: {  	v8 =	vtrunc.f32 @p5 v8;
	v6 =	vadd.f32 @p5 $5.000000000e-01, v6;
	v7 =	vmul.f32 @p4 $8.192000000e+03, v7;
	[tilespmem:v3+s12+$0x0] =	vst.idx.add.f32.msk $0xffff, v1  }
0x12c: {  	v3 =	vadd.s32 @p6 $0x2080, v4;
	v4 =	vcvt.f32.s32 @p5 v8;
	v53 =	vld [tilespmem:s26+$0x850]  }
0x12d: {  	v6 =	vtrunc.f32 @p5 v6;
	v7 =	vadd.f32 @p4 $5.000000000e-01, v7;
	v10 =	vmul.f32 @p4 $8.192000000e+03, v10  }
0x12e: {  	v6 =	vcvt.f32.s32 @p5 v6;
	v4 =	vadd.s32 @p5 $0x2080, v4  }
0x12f: {  	[tilespmem:v2+s12+$0x0] =	vst.idx.add.f32.msk @p6 $0xffff, v1;
	v2 =	vtrunc.f32 @p4 v7;
	v9 =	vmul.f32 $8.192000000e+03, v52;
	v7 =	vadd.f32 @p4 $5.000000000e-01, v10  }
0x130: {  	v10 =	vld @p6 [tilespmem:s23+$0x860];
	v6 =	vadd.s32 @p5 $0x2080, v6;
	v2 =	vcvt.f32.s32 @p4 v2  }
0x131: {  	v54 =	vadd.f32 $5.000000000e-01, v9;
	[tilespmem:v3+s12+$0x0] =	vst.idx.add.f32.msk @p6 $0xffff, v1;
	v3 =	vtrunc.f32 @p4 v7;
	v8 =	vmul.f32 $8.192000000e+03, v53  }
0x132: {  	v2 =	vadd.s32 @p4 $0x2080, v2;
	v9 =	vld @p6 [tilespmem:s30+$0x860];
	v3 =	vcvt.f32.s32 @p4 v3  }
0x133: {  	v55 =	vtrunc.f32 v54;
	[tilespmem:v4+s12+$0x0] =	vst.idx.add.f32.msk @p5 $0xffff, v1;
	v56 =	vadd.f32 $5.000000000e-01, v8  }
0x134: {  	v4 =	vcvt.f32.s32 v55;
	v8 =	vld @p5 [tilespmem:s21+$0x860];
	v3 =	vadd.s32 @p4 $0x2080, v3  }
0x135: {  	v10 =	vmul.f32 @p6 $8.192000000e+03, v10;
	[tilespmem:v6+s12+$0x0] =	vst.idx.add.f32.msk @p5 $0xffff, v1;
	v57 =	vtrunc.f32 v56  }
0x136: {  	v7 =	vld @p5 [tilespmem:s20+$0x860];
	v4 =	vadd.s32 $0x2080, v4;
	v6 =	vcvt.f32.s32 v57  }
0x137: {  	v10 =	vadd.f32 @p6 $5.000000000e-01, v10;
	[tilespmem:v2+s12+$0x0] =	vst.idx.add.f32.msk @p4 $0xffff, v1;
	v9 =	vmul.f32 @p6 $8.192000000e+03, v9  }
0x138: {  	v2 =	vld @p4 [tilespmem:s1+$0x860];
	v6 =	vadd.s32 $0x2080, v6  }
0x139: {  	v10 =	vtrunc.f32 @p6 v10;
	v9 =	vadd.f32 @p6 $5.000000000e-01, v9;
	v8 =	vmul.f32 @p5 $8.192000000e+03, v8;
	[tilespmem:v3+s12+$0x0] =	vst.idx.add.f32.msk @p4 $0xffff, v1  }
0x13a: {  	v3 =	vcvt.f32.s32 @p6 v10;
	v10 =	vld @p4 [tilespmem:s0+$0x860]  }
0x13b: {  	v7 =	vmul.f32 @p5 $8.192000000e+03, v7;
	[tilespmem:v4+s12+$0x0] =	vst.idx.add.f32.msk $0xffff, v1;
	v9 =	vtrunc.f32 @p6 v9;
	v8 =	vadd.f32 @p5 $5.000000000e-01, v8  }
0x13c: {  	v3 =	vadd.s32 @p6 $0x2080, v3;
	v58 =	vld [tilespmem:s28+$0x860];
	v4 =	vcvt.f32.s32 @p6 v9  }
0x13d: {  	v7 =	vadd.f32 @p5 $5.000000000e-01, v7;
	v2 =	vmul.f32 @p4 $8.192000000e+03, v2;
	v8 =	vtrunc.f32 @p5 v8;
	[tilespmem:v6+s12+$0x0] =	vst.idx.add.f32.msk $0xffff, v1  }
0x13e: {  	v4 =	vadd.s32 @p6 $0x2080, v4;
	v6 =	vcvt.f32.s32 @p5 v8;
	v59 =	vld [tilespmem:s26+$0x860]  }
0x13f: {  	v7 =	vtrunc.f32 @p5 v7;
	v2 =	vadd.f32 @p4 $5.000000000e-01, v2;
	v10 =	vmul.f32 @p4 $8.192000000e+03, v10  }
0x140: {  	v7 =	vcvt.f32.s32 @p5 v7;
	v6 =	vadd.s32 @p5 $0x2080, v6  }
0x141: {  	[tilespmem:v3+s12+$0x0] =	vst.idx.add.f32.msk @p6 $0xffff, v1;
	v2 =	vtrunc.f32 @p4 v2;
	v9 =	vmul.f32 $8.192000000e+03, v58;
	v3 =	vadd.f32 @p4 $5.000000000e-01, v10  }
0x142: {  	v10 =	vld @p6 [tilespmem:s23+$0x870];
	v7 =	vadd.s32 @p5 $0x2080, v7;
	v2 =	vcvt.f32.s32 @p4 v2  }
0x143: {  	v60 =	vadd.f32 $5.000000000e-01, v9;
	[tilespmem:v4+s12+$0x0] =	vst.idx.add.f32.msk @p6 $0xffff, v1;
	v3 =	vtrunc.f32 @p4 v3;
	v8 =	vmul.f32 $8.192000000e+03, v59  }
0x144: {  	v2 =	vadd.s32 @p4 $0x2080, v2;
	v9 =	vld @p6 [tilespmem:s30+$0x870];
	v3 =	vcvt.f32.s32 @p4 v3  }
0x145: {  	v4 =	vtrunc.f32 v60;
	[tilespmem:v6+s12+$0x0] =	vst.idx.add.f32.msk @p5 $0xffff, v1;
	v61 =	vadd.f32 $5.000000000e-01, v8  }
0x146: {  	v4 =	vcvt.f32.s32 v4;
	v8 =	vld @p5 [tilespmem:s21+$0x870];
	v3 =	vadd.s32 @p4 $0x2080, v3  }
0x147: {  	[tilespmem:v7+s12+$0x0] =	vst.idx.add.f32.msk @p5 $0xffff, v1;
	v6 =	vtrunc.f32 v61  }
0x148: {  	v7 =	vld @p5 [tilespmem:s20+$0x870];
	v4 =	vadd.s32 $0x2080, v4;
	v6 =	vcvt.f32.s32 v6  }
0x149: {  	v5 =	vmul.f32 @p3 $8.192000000e+03, v5;
	[tilespmem:v2+s12+$0x0] =	vst.idx.add.f32.msk @p4 $0xffff, v1  }
0x14a: {  	v2 =	vmul.f32 @p6 $8.192000000e+03, v10;
	v10 =	vld @p4 [tilespmem:s1+$0x870];
	v6 =	vadd.s32 $0x2080, v6  }
0x14b: {  	v5 =	vadd.f32 @p3 $5.000000000e-01, v5;
	v9 =	vpsel p6, v9, v0;
	[tilespmem:v3+s12+$0x0] =	vst.idx.add.f32.msk @p4 $0xffff, v1  }
0x14c: {  	v9 =	vmul.f32 @p6 $8.192000000e+03, v9;
	v2 =	vadd.f32 @p6 $5.000000000e-01, v2;
	v3 =	vld @p4 [tilespmem:s0+$0x870]  }
0x14d: {  	v5 =	vtrunc.f32 @p3 v5;
	v8 =	vmul.f32 @p5 $8.192000000e+03, v8;
	[tilespmem:v4+s12+$0x0] =	vst.idx.add.f32.msk $0xffff, v1  }
0x14e: {  	v9 =	vadd.f32 @p6 $5.000000000e-01, v9;
	v4 =	vcvt.f32.s32 @p3 v5;
	v2 =	vtrunc.f32 @p6 v2;
	v62 =	vld [tilespmem:s28+$0x870]  }
0x14f: {  	v7 =	vpsel p5, v7, v0;
	v2 =	vcvt.f32.s32 @p6 v2;
	v8 =	vadd.f32 @p5 $5.000000000e-01, v8;
	[tilespmem:v6+s12+$0x0] =	vst.idx.add.f32.msk $0xffff, v1  }
0x150: {  	v7 =	vmul.f32 @p5 $8.192000000e+03, v7;
	v9 =	vtrunc.f32 @p6 v9;
	v4 =	vadd.s32 @p3 $0x2080, v4;
	v63 =	vld [tilespmem:s26+$0x870]  }
0x151: {  	v10 =	vmul.f32 @p4 $8.192000000e+03, v10;
	v2 =	vadd.s32 @p6 $0x2080, v2;
	v8 =	vtrunc.f32 @p5 v8  }
0x152: {  	v7 =	vadd.f32 @p5 $5.000000000e-01, v7;
	v6 =	vcvt.f32.s32 @p6 v9;
	v3 =	vpsel p4, v3, v0  }
0x153: {  	v8 =	vcvt.f32.s32 @p5 v8;
	v10 =	vadd.f32 @p4 $5.000000000e-01, v10;
	v3 =	vmul.f32 @p4 $8.192000000e+03, v3  }
0x154: {  	v7 =	vtrunc.f32 @p5 v7;
	v6 =	vadd.s32 @p6 $0x2080, v6;
	v5 =	vmul.f32 $8.192000000e+03, v62  }
0x155: {  	v8 =	vadd.s32 @p5 $0x2080, v8;
	v3 =	vadd.f32 @p4 $5.000000000e-01, v3;
	v9 =	vmul.f32 $8.192000000e+03, v63  }
0x156: {  	v7 =	vcvt.f32.s32 @p5 v7;
	v10 =	vtrunc.f32 @p4 v10;
	v5 =	vadd.f32 $5.000000000e-01, v5  }
0x157: {  	v10 =	vcvt.f32.s32 @p4 v10;
	v3 =	vtrunc.f32 @p4 v3;
	v9 =	vadd.f32 $5.000000000e-01, v9  }
0x158: {  	v7 =	vadd.s32 @p5 $0x2080, v7;
	v5 =	vtrunc.f32 v5;
	v3 =	vcvt.f32.s32 @p4 v3  }
0x159: {  	[tilespmem:v4+s12+$0x0] =	vst.idx.add.f32.msk @p3 $0xffff, v1;
	v4 =	vadd.s32 @p4 $0x2080, v10;
	v5 =	vcvt.f32.s32 v5;
	v9 =	vtrunc.f32 v9  }
0x15a: {  	[tilespmem:v2+s12+$0x0] =	vst.idx.add.f32.msk @p6 $0xffff, v1;
	v2 =	vadd.s32 @p4 $0x2080, v3;
	v3 =	vcvt.f32.s32 v9  }
0x15b: {  	[tilespmem:v6+s12+$0x0] =	vst.idx.add.f32.msk @p6 $0xffff, v1;
	v5 =	vadd.s32 $0x2080, v5  }
0x15c: {  	[tilespmem:v8+s12+$0x0] =	vst.idx.add.f32.msk @p5 $0xffff, v1;
	v3 =	vadd.s32 $0x2080, v3  }
0x15d: {  	[tilespmem:v7+s12+$0x0] =	vst.idx.add.f32.msk @p5 $0xffff, v1  }
0x15e: {  	[tilespmem:v4+s12+$0x0] =	vst.idx.add.f32.msk @p4 $0xffff, v1  }
0x15f: {  	[tilespmem:v2+s12+$0x0] =	vst.idx.add.f32.msk @p4 $0xffff, v1  }
0x160: {  	[tilespmem:v5+s12+$0x0] =	vst.idx.add.f32.msk $0xffff, v1  }
0x161: {  	[tilespmem:v3+s12+$0x0] =	vst.idx.add.f32.msk $0xffff, v1  }
.LBB2_35:
0x162: {  	s0 =	rddreg [dreg:$0x5]  }
0x163: {  	s1 =	simm.s32 $0x80;
	s2 =	simm.s32 $0x400;
	s3 =	simm.s32 $0x2  }
0x164: {  	[hbm4b:s0+s1] =	stream.strided.scatter [tilespmem:s12], [sflag:$0x2], $0x2080, s2, s1, $0x38;
	[tilespmem:$0x11900] =	vst v63  }
0x165: {  	_ =	swait.ge [sflag:s3], $0x2080  }
0x166: {  	[sflag:s3] =	ssyncset.done $0x0  }
0x167: {  	s4 =	simm.s32 $0xF880;
	s30 =	rddreg [dreg:$0x6];
	[sflag:s3] =	ssyncadd.s32 $0xFFFFDF80  }
0x168: {  	[hbm4b:s30+s1] =	stream.strided.scatter [tilespmem:s4], [sflag:$0x2], $0x2080, s2, s1, $0x38;
	[tilespmem:$0x11900] =	vst v63  }
0x169: {  	_ =	swait.ge [sflag:s3], $0x2080  }
0x16a: {  	s19 =	sadd.s32 $0x1, s19;
	s31 =	rddreg [dreg:$0x7]  }
0x16b: {  	p0 =	sne.s32 s19, s31  }
.Ltmp1:
0x16c: {  	_ = 	snop;
	(pc) =	sbr.rel @!p0 .LBB2_36-.Ltmp1, $3  }
0x16d: {  	_ =	sdelay $0x1  }
0x16e: {  	[sflag:s3] =	ssyncset.done $0x0  }
0x16f: {  	[sflag:s3] =	ssyncadd.s32 $0xFFFFDF80  }
.LBB2_1:
0x170: {  	s1 =	sld [smem:$0x7FC];
	_ =	sdelay $0x2  }
0x171: {  	p0 =	seq.s32 s1, $0x1  }
.Ltmp2:
0x172: {  	_ = 	snop;
	(pc) =	sbr.rel @p0 .LBB2_4-.Ltmp2, $2  }
0x173: {  	_ =	sdelay $0x2  }
0x174: {  	s0 =	rddreg [dreg:$0x0]  }
0x175: {  	s0 =	sld [smem:$0x7FD];
	_ =	sdelay $0x2  }
0x176: {  	p0 =	seq.s32 s0, $0x1  }
.Ltmp3:
0x177: {  	_ = 	snop;
	(pc) =	sbr.rel @p0 .LBB2_5-.Ltmp3, $1  }
0x178: {  	_ =	sdelay $0x3  }
0x179: {  	s0 =	rddreg [dreg:$0x1]  }
.LBB2_4:
0x17a: {  	s1 =	rddreg [dreg:$0x4]  }
0x17b: {  	s31 =	simm.s32 $0x0;
	s0 =	sadd.s32 s0, s1  }
0x17c: {  	[tilespmem:s31], [sflag:$0x1] =	stream.linear.gather [hbm4b:s0+s31], $0xD800, $0x38;
	[tilespmem:$0x11900] =	vst v63  }
.LBB2_5:
0x17d: {  	s0 =	simm.s32 $0xD840  }
0x17e: {  	[tilespmem:s0+$0xFFFFFFC0] =	vst v0  }
0x17f: {  	[tilespmem:s0+$0x30] =	vst v0  }
0x180: {  	[tilespmem:s0+$0x20] =	vst v0  }
0x181: {  	[tilespmem:s0+$0x10] =	vst v0  }
0x182: {  	[tilespmem:s0+$0x0] =	vst v0  }
0x183: {  	[tilespmem:s0+$0xFFFFFFF0] =	vst v0  }
0x184: {  	s1 =	simm.s32 $0x0;
	[tilespmem:s0+$0xFFFFFFE0] =	vst v0  }
.LBB2_6:
0x185: {  	s1 =	sadd.s32 $0x8, s1;
	[tilespmem:s0+$0xFFFFFFD0] =	vst v0;
	s0 =	sadd.s32 $0x80, s0  }
0x186: {  	[tilespmem:s0+$0xFFFFFFC0] =	vst v0;
	p0 =	slt.u32 s1, $0x408  }
0x187: {  	[tilespmem:s0+$0x30] =	vst v0  }
.Ltmp4:
0x188: {  	[tilespmem:s0+$0x20] =	vst v0;
	(pc) =	sbr.rel @p0 .LBB2_6-.Ltmp4, $4  }
0x189: {  	[tilespmem:s0+$0x10] =	vst v0  }
0x18a: {  	[tilespmem:s0+$0x0] =	vst v0  }
0x18b: {  	[tilespmem:s0+$0xFFFFFFF0] =	vst v0  }
0x18c: {  	[tilespmem:s0+$0xFFFFFFE0] =	vst v0  }
.Ltmp5:
0x18d: {  	(pc) =	sbr.rel @p1 .LBB2_21-.Ltmp5, $4  }
0x18e: {  	[tilespmem:s0+$0xFFFFFFD0] =	vst v0;
	s31 =	simm.s32 $0x1  }
0x18f: {  	_ =	swait.ge [sflag:s31], $0xD800  }
0x190: {  	[sflag:s31] =	ssyncset.done $0x0  }
0x191: {  	[sflag:s31] =	ssyncadd.s32 $0xFFFF2800  }
0x192: {  	s1 =	simm.s32 $0x0  }
0x193: {  	s0 =	simm.s32 $0x0;
	s1 =	smul.u32 $0x3000, s1  }
0x194: {  	s20 =	sand.u32 $0x300, s0  }
0x195: {  	s22 =	sor.u32 $0x80, s20;
	s21 =	sshra.s32 s1, $0x2  }
0x196: {  	s4 =	sor.u32 s22, s21  }
0x197: {  	v2 =	vld [tilespmem:s4+$0x0];
	_ =	sdelay $0x3  }
0x198: {  	s1 =	sor.u32 s20, s21  }
0x199: {  	v3 =	vld [tilespmem:s1+$0x0];
	v2 =	vmul.f32 $8.192000000e+03, v2;
	_ =	sdelay $0x1  }
0x19a: {  	v2 =	vadd.f32 $5.000000000e-01, v2;
	_ =	sdelay $0x1  }
0x19b: {  	v2 =	vtrunc.f32 v2  }
0x19c: {  	v3 =	vmul.f32 $8.192000000e+03, v3;
	v2 =	vcvt.f32.s32 v2;
	_ =	sdelay $0x1  }
0x19d: {  	v3 =	vadd.f32 $5.000000000e-01, v3;
	_ =	sdelay $0x1  }
0x19e: {  	v3 =	vtrunc.f32 v3  }
0x19f: {  	v3 =	vcvt.f32.s32 v3  }
0x1a0: {  	[tilespmem:v2+s12+$0x0] =	vst.idx.add.f32.msk $0xffff, v1  }
0x1a1: {  	v2 =	vld [tilespmem:s4+$0x10];
	_ =	sdelay $0x3  }
0x1a2: {  	[tilespmem:v3+s12+$0x0] =	vst.idx.add.f32.msk $0xffff, v1  }
0x1a3: {  	v3 =	vld [tilespmem:s1+$0x10];
	v2 =	vmul.f32 $8.192000000e+03, v2;
	_ =	sdelay $0x1  }
0x1a4: {  	v2 =	vadd.f32 $5.000000000e-01, v2;
	_ =	sdelay $0x1  }
0x1a5: {  	v2 =	vtrunc.f32 v2  }
0x1a6: {  	v3 =	vmul.f32 $8.192000000e+03, v3;
	v2 =	vcvt.f32.s32 v2;
	_ =	sdelay $0x1  }
0x1a7: {  	v3 =	vadd.f32 $5.000000000e-01, v3;
	_ =	sdelay $0x1  }
0x1a8: {  	v3 =	vtrunc.f32 v3  }
0x1a9: {  	v3 =	vcvt.f32.s32 v3  }
0x1aa: {  	[tilespmem:v2+s12+$0x0] =	vst.idx.add.f32.msk $0xffff, v1  }
0x1ab: {  	v2 =	vld [tilespmem:s4+$0x20];
	_ =	sdelay $0x3  }
0x1ac: {  	[tilespmem:v3+s12+$0x0] =	vst.idx.add.f32.msk $0xffff, v1  }
0x1ad: {  	v3 =	vld [tilespmem:s1+$0x20];
	v2 =	vmul.f32 $8.192000000e+03, v2;
	_ =	sdelay $0x1  }
0x1ae: {  	v2 =	vadd.f32 $5.000000000e-01, v2;
	_ =	sdelay $0x1  }
0x1af: {  	v2 =	vtrunc.f32 v2  }
0x1b0: {  	v3 =	vmul.f32 $8.192000000e+03, v3;
	v2 =	vcvt.f32.s32 v2;
	_ =	sdelay $0x1  }
0x1b1: {  	v3 =	vadd.f32 $5.000000000e-01, v3;
	_ =	sdelay $0x1  }
0x1b2: {  	v3 =	vtrunc.f32 v3  }
0x1b3: {  	v3 =	vcvt.f32.s32 v3  }
0x1b4: {  	[tilespmem:v2+s12+$0x0] =	vst.idx.add.f32.msk $0xffff, v1  }
0x1b5: {  	v2 =	vld [tilespmem:s4+$0x30];
	_ =	sdelay $0x3  }
0x1b6: {  	[tilespmem:v3+s12+$0x0] =	vst.idx.add.f32.msk $0xffff, v1  }
0x1b7: {  	v3 =	vld [tilespmem:s1+$0x30];
	v2 =	vmul.f32 $8.192000000e+03, v2;
	_ =	sdelay $0x1  }
0x1b8: {  	v2 =	vadd.f32 $5.000000000e-01, v2;
	_ =	sdelay $0x1  }
0x1b9: {  	v2 =	vtrunc.f32 v2  }
0x1ba: {  	v3 =	vmul.f32 $8.192000000e+03, v3;
	v2 =	vcvt.f32.s32 v2;
	_ =	sdelay $0x1  }
0x1bb: {  	v3 =	vadd.f32 $5.000000000e-01, v3;
	_ =	sdelay $0x1  }
0x1bc: {  	v3 =	vtrunc.f32 v3  }
0x1bd: {  	v3 =	vcvt.f32.s32 v3  }
0x1be: {  	[tilespmem:v2+s12+$0x0] =	vst.idx.add.f32.msk $0xffff, v1  }
0x1bf: {  	v2 =	vld [tilespmem:s4+$0x40];
	_ =	sdelay $0x3  }
0x1c0: {  	[tilespmem:v3+s12+$0x0] =	vst.idx.add.f32.msk $0xffff, v1  }
0x1c1: {  	v3 =	vld [tilespmem:s1+$0x40];
	v2 =	vmul.f32 $8.192000000e+03, v2;
	_ =	sdelay $0x1  }
0x1c2: {  	v2 =	vadd.f32 $5.000000000e-01, v2;
	_ =	sdelay $0x1  }
0x1c3: {  	v2 =	vtrunc.f32 v2  }
0x1c4: {  	v3 =	vmul.f32 $8.192000000e+03, v3;
	v2 =	vcvt.f32.s32 v2;
	_ =	sdelay $0x1  }
0x1c5: {  	v3 =	vadd.f32 $5.000000000e-01, v3;
	_ =	sdelay $0x1  }
0x1c6: {  	v3 =	vtrunc.f32 v3  }
0x1c7: {  	v3 =	vcvt.f32.s32 v3  }
0x1c8: {  	[tilespmem:v2+s12+$0x0] =	vst.idx.add.f32.msk $0xffff, v1  }
0x1c9: {  	p0 =	sgt.s32 s6, $0x2;
	v2 =	vld [tilespmem:s4+$0x50]  }
.Ltmp6:
0x1ca: {  	_ = 	snop;
	(pc) =	sbr.rel @!p0 .LBB2_9-.Ltmp6, $3  }
0x1cb: {  	_ =	sdelay $0x1  }
0x1cc: {  	p3 =	por $0x0, $0x0;
	[tilespmem:v3+s12+$0x0] =	vst.idx.add.f32.msk $0xffff, v1  }
0x1cd: {  	p4 =	por $0x0, $0x0;
	p5 =	por $0x0, $0x0;
	p6 =	por $0x0, $0x0;
	v13 =	vld [tilespmem:s1+$0x50];
	v14 =	vmul.f32 $8.192000000e+03, v2  }
0x1ce: {  	s0 =	simm.s32 $0x0  }
0x1cf: {  	s2 =	simm.s32 $0x100;
	s0 =	smul.u32 $0x3000, s0  }
0x1d0: {  	s9 =	sand.u32 $0x300, s2  }
0x1d1: {  	s2 =	sor.u32 $0x80, s9;
	s15 =	sshra.s32 s0, $0x2  }
0x1d2: {  	s10 =	sor.u32 s2, s15  }
0x1d3: {  	v2 =	vadd.f32 $5.000000000e-01, v14;
	v3 =	vmul.f32 $8.192000000e+03, v13;
	v4 =	vld [tilespmem:s10+$0x0];
	_ =	sdelay $0x1  }
0x1d4: {  	v2 =	vtrunc.f32 v2;
	v3 =	vadd.f32 $5.000000000e-01, v3  }
0x1d5: {  	v2 =	vcvt.f32.s32 v2  }
0x1d6: {  	s11 =	sor.u32 s9, s15;
	v3 =	vtrunc.f32 v3  }
0x1d7: {  	v5 =	vld [tilespmem:s11+$0x0];
	v3 =	vcvt.f32.s32 v3;
	v4 =	vmul.f32 $8.192000000e+03, v4;
	_ =	sdelay $0x1  }
0x1d8: {  	v4 =	vadd.f32 $5.000000000e-01, v4;
	_ =	sdelay $0x1  }
0x1d9: {  	[tilespmem:v2+s12+$0x0] =	vst.idx.add.f32.msk $0xffff, v1;
	v2 =	vtrunc.f32 v4  }
0x1da: {  	v5 =	vmul.f32 $8.192000000e+03, v5;
	v52 =	vld [tilespmem:s4+$0x60];
	v2 =	vcvt.f32.s32 v2  }
0x1db: {  	[tilespmem:v3+s12+$0x0] =	vst.idx.add.f32.msk $0xffff, v1  }
0x1dc: {  	v3 =	vadd.f32 $5.000000000e-01, v5;
	v53 =	vld [tilespmem:s1+$0x60];
	_ =	sdelay $0x1  }
0x1dd: {  	v3 =	vtrunc.f32 v3  }
0x1de: {  	v4 =	vmul.f32 $8.192000000e+03, v52;
	v3 =	vcvt.f32.s32 v3  }
0x1df: {  	[tilespmem:v2+s12+$0x0] =	vst.idx.add.f32.msk $0xffff, v1  }
0x1e0: {  	v2 =	vadd.f32 $5.000000000e-01, v4;
	v54 =	vmul.f32 $8.192000000e+03, v53;
	v55 =	vld [tilespmem:s10+$0x10];
	_ =	sdelay $0x1  }
0x1e1: {  	v2 =	vtrunc.f32 v2;
	v4 =	vadd.f32 $5.000000000e-01, v54  }
0x1e2: {  	v2 =	vcvt.f32.s32 v2  }
0x1e3: {  	[tilespmem:v3+s12+$0x0] =	vst.idx.add.f32.msk $0xffff, v1;
	v4 =	vtrunc.f32 v4  }
0x1e4: {  	v56 =	vld [tilespmem:s11+$0x10];
	v3 =	vcvt.f32.s32 v4;
	v5 =	vmul.f32 $8.192000000e+03, v55;
	_ =	sdelay $0x1  }
0x1e5: {  	v5 =	vadd.f32 $5.000000000e-01, v5;
	_ =	sdelay $0x1  }
0x1e6: {  	[tilespmem:v2+s12+$0x0] =	vst.idx.add.f32.msk $0xffff, v1;
	v2 =	vtrunc.f32 v5  }
0x1e7: {  	v4 =	vmul.f32 $8.192000000e+03, v56;
	v57 =	vld [tilespmem:s4+$0x70];
	v2 =	vcvt.f32.s32 v2  }
0x1e8: {  	[tilespmem:v3+s12+$0x0] =	vst.idx.add.f32.msk $0xffff, v1  }
0x1e9: {  	v4 =	vadd.f32 $5.000000000e-01, v4;
	v3 =	vld [tilespmem:s1+$0x70];
	_ =	sdelay $0x1  }
0x1ea: {  	v4 =	vtrunc.f32 v4  }
0x1eb: {  	v4 =	vcvt.f32.s32 v4;
	v5 =	vmul.f32 $8.192000000e+03, v57  }
0x1ec: {  	[tilespmem:v2+s12+$0x0] =	vst.idx.add.f32.msk $0xffff, v1  }
0x1ed: {  	v2 =	vadd.f32 $5.000000000e-01, v5;
	v3 =	vmul.f32 $8.192000000e+03, v3;
	v58 =	vld [tilespmem:s10+$0x20];
	_ =	sdelay $0x1  }
0x1ee: {  	v2 =	vtrunc.f32 v2;
	v3 =	vadd.f32 $5.000000000e-01, v3  }
0x1ef: {  	v2 =	vcvt.f32.s32 v2  }
0x1f0: {  	[tilespmem:v4+s12+$0x0] =	vst.idx.add.f32.msk $0xffff, v1;
	v3 =	vtrunc.f32 v3  }
0x1f1: {  	v4 =	vld [tilespmem:s11+$0x20];
	v3 =	vcvt.f32.s32 v3;
	v5 =	vmul.f32 $8.192000000e+03, v58;
	_ =	sdelay $0x1  }
0x1f2: {  	v5 =	vadd.f32 $5.000000000e-01, v5  }
0x1f3: {  	s31 =	sadd.s32 $0x400, s21  }
0x1f4: {  	s3 =	sor.u32 s22, s31;
	[tilespmem:v2+s12+$0x0] =	vst.idx.add.f32.msk $0xffff, v1;
	v2 =	vtrunc.f32 v5  }
0x1f5: {  	v4 =	vmul.f32 $8.192000000e+03, v4;
	v59 =	vld [tilespmem:s3+$0x0];
	v2 =	vcvt.f32.s32 v2  }
0x1f6: {  	s0 =	sor.u32 s20, s31;
	[tilespmem:v3+s12+$0x0] =	vst.idx.add.f32.msk $0xffff, v1  }
0x1f7: {  	v4 =	vadd.f32 $5.000000000e-01, v4;
	v3 =	vld [tilespmem:s0+$0x0];
	_ =	sdelay $0x1  }
0x1f8: {  	v4 =	vtrunc.f32 v4  }
0x1f9: {  	v4 =	vcvt.f32.s32 v4;
	v5 =	vmul.f32 $8.192000000e+03, v59  }
0x1fa: {  	[tilespmem:v2+s12+$0x0] =	vst.idx.add.f32.msk $0xffff, v1  }
0x1fb: {  	v2 =	vadd.f32 $5.000000000e-01, v5;
	v3 =	vmul.f32 $8.192000000e+03, v3;
	v60 =	vld [tilespmem:s10+$0x30];
	_ =	sdelay $0x1  }
0x1fc: {  	v2 =	vtrunc.f32 v2;
	v3 =	vadd.f32 $5.000000000e-01, v3  }
0x1fd: {  	v2 =	vcvt.f32.s32 v2  }
0x1fe: {  	[tilespmem:v4+s12+$0x0] =	vst.idx.add.f32.msk $0xffff, v1;
	v3 =	vtrunc.f32 v3  }
0x1ff: {  	v4 =	vld [tilespmem:s11+$0x30];
	v3 =	vcvt.f32.s32 v3;
	v5 =	vmul.f32 $8.192000000e+03, v60;
	_ =	sdelay $0x1  }
0x200: {  	v5 =	vadd.f32 $5.000000000e-01, v5;
	_ =	sdelay $0x1  }
0x201: {  	[tilespmem:v2+s12+$0x0] =	vst.idx.add.f32.msk $0xffff, v1;
	v2 =	vtrunc.f32 v5  }
0x202: {  	v4 =	vmul.f32 $8.192000000e+03, v4;
	v61 =	vld [tilespmem:s3+$0x10];
	v2 =	vcvt.f32.s32 v2  }
0x203: {  	[tilespmem:v3+s12+$0x0] =	vst.idx.add.f32.msk $0xffff, v1  }
0x204: {  	v4 =	vadd.f32 $5.000000000e-01, v4;
	v3 =	vld [tilespmem:s0+$0x10];
	_ =	sdelay $0x1  }
0x205: {  	v4 =	vtrunc.f32 v4  }
0x206: {  	v4 =	vcvt.f32.s32 v4;
	v5 =	vmul.f32 $8.192000000e+03, v61  }
0x207: {  	[tilespmem:v2+s12+$0x0] =	vst.idx.add.f32.msk $0xffff, v1  }
0x208: {  	v2 =	vadd.f32 $5.000000000e-01, v5;
	v3 =	vmul.f32 $8.192000000e+03, v3;
	v62 =	vld [tilespmem:s10+$0x40];
	_ =	sdelay $0x1  }
0x209: {  	v2 =	vtrunc.f32 v2;
	v3 =	vadd.f32 $5.000000000e-01, v3  }
0x20a: {  	v2 =	vcvt.f32.s32 v2  }
0x20b: {  	[tilespmem:v4+s12+$0x0] =	vst.idx.add.f32.msk $0xffff, v1;
	v3 =	vtrunc.f32 v3  }
0x20c: {  	v4 =	vld [tilespmem:s11+$0x40];
	v3 =	vcvt.f32.s32 v3;
	v5 =	vmul.f32 $8.192000000e+03, v62;
	_ =	sdelay $0x1  }
0x20d: {  	v5 =	vadd.f32 $5.000000000e-01, v5;
	_ =	sdelay $0x1  }
0x20e: {  	[tilespmem:v2+s12+$0x0] =	vst.idx.add.f32.msk $0xffff, v1;
	v2 =	vtrunc.f32 v5  }
0x20f: {  	v4 =	vmul.f32 $8.192000000e+03, v4;
	v63 =	vld [tilespmem:s3+$0x20];
	v2 =	vcvt.f32.s32 v2  }
0x210: {  	[tilespmem:v3+s12+$0x0] =	vst.idx.add.f32.msk $0xffff, v1  }
0x211: {  	v4 =	vadd.f32 $5.000000000e-01, v4;
	v3 =	vld [tilespmem:s0+$0x20];
	_ =	sdelay $0x1  }
0x212: {  	v4 =	vtrunc.f32 v4  }
0x213: {  	v4 =	vcvt.f32.s32 v4  }
0x214: {  	v5 =	vmul.f32 $8.192000000e+03, v63;
	[tilespmem:v2+s12+$0x0] =	vst.idx.add.f32.msk $0xffff, v1  }
0x215: {  	p0 =	sgt.s32 s6, $0x4;
	v2 =	vmul.f32 $8.192000000e+03, v3;
	v3 =	vld [tilespmem:s10+$0x50]  }
.Ltmp7:
0x216: {  	v5 =	vadd.f32 $5.000000000e-01, v5;
	(pc) =	sbr.rel @!p0 .LBB2_11-.Ltmp7, $4  }
0x217: {  	v2 =	vadd.f32 $5.000000000e-01, v2  }
0x218: {  	v5 =	vtrunc.f32 v5  }
0x219: {  	v12 =	vcvt.f32.s32 v5;
	[tilespmem:v4+s12+$0x0] =	vst.idx.add.f32.msk $0xffff, v1;
	v2 =	vtrunc.f32 v2  }
0x21a: {  	p3 =	por $0x1, $0x1;
	v13 =	vld [tilespmem:s11+$0x50];
	v11 =	vcvt.f32.s32 v2;
	v14 =	vmul.f32 $8.192000000e+03, v3  }
0x21b: {  	_ =	sdelay $0x3  }
0x21c: {  	s1 =	simm.s32 $0x0;
	[tilespmem:v12+s12+$0x0] =	vst.idx.add.f32.msk $0xffff, v1  }
0x21d: {  	s29 =	simm.s32 $0x200;
	s4 =	smul.u32 $0x3000, s1;
	v2 =	vld [tilespmem:s3+$0x30]  }
0x21e: {  	s1 =	sand.u32 $0x300, s29  }
0x21f: {  	s18 =	sor.u32 $0x80, s1;
	s7 =	sshra.s32 s4, $0x2  }
0x220: {  	v3 =	vadd.f32 $5.000000000e-01, v14;
	v4 =	vmul.f32 $8.192000000e+03, v13;
	s28 =	sor.u32 s18, s7  }
0x221: {  	v5 =	vld [tilespmem:s28+$0x0]  }
0x222: {  	v3 =	vtrunc.f32 v3;
	v4 =	vadd.f32 $5.000000000e-01, v4;
	v2 =	vmul.f32 $8.192000000e+03, v2  }
0x223: {  	v3 =	vcvt.f32.s32 v3  }
0x224: {  	v4 =	vtrunc.f32 v4;
	v2 =	vadd.f32 $5.000000000e-01, v2  }
0x225: {  	s26 =	sor.u32 s1, s7;
	v4 =	vcvt.f32.s32 v4  }
0x226: {  	v6 =	vld [tilespmem:s26+$0x0];
	v5 =	vmul.f32 $8.192000000e+03, v5;
	v2 =	vtrunc.f32 v2  }
0x227: {  	v2 =	vcvt.f32.s32 v2  }
0x228: {  	v5 =	vadd.f32 $5.000000000e-01, v5  }
0x229: {  	[tilespmem:v3+s12+$0x0] =	vst.idx.add.f32.msk $0xffff, v1  }
0x22a: {  	v3 =	vld [tilespmem:s10+$0x60];
	v5 =	vtrunc.f32 v5  }
0x22b: {  	v6 =	vmul.f32 $8.192000000e+03, v6;
	[tilespmem:v4+s12+$0x0] =	vst.idx.add.f32.msk $0xffff, v1;
	v48 =	vcvt.f32.s32 v5  }
0x22c: {  	v49 =	vld [tilespmem:s11+$0x60]  }
0x22d: {  	v6 =	vadd.f32 $5.000000000e-01, v6;
	[tilespmem:v2+s12+$0x0] =	vst.idx.add.f32.msk $0xffff, v1  }
0x22e: {  	v2 =	vld [tilespmem:s3+$0x40]  }
0x22f: {  	[tilespmem:v11+s12+$0x0] =	vst.idx.add.f32.msk $0xffff, v1;
	v6 =	vtrunc.f32 v6;
	v3 =	vmul.f32 $8.192000000e+03, v3  }
0x230: {  	v7 =	vld [tilespmem:s0+$0x30];
	v6 =	vcvt.f32.s32 v6  }
0x231: {  	v3 =	vadd.f32 $5.000000000e-01, v3;
	v5 =	vmul.f32 $8.192000000e+03, v49;
	[tilespmem:v48+s12+$0x0] =	vst.idx.add.f32.msk $0xffff, v1  }
0x232: {  	v4 =	vld [tilespmem:s28+$0x10]  }
0x233: {  	v3 =	vtrunc.f32 v3;
	v5 =	vadd.f32 $5.000000000e-01, v5;
	v2 =	vmul.f32 $8.192000000e+03, v2  }
0x234: {  	v3 =	vcvt.f32.s32 v3  }
0x235: {  	v7 =	vmul.f32 $8.192000000e+03, v7;
	v5 =	vtrunc.f32 v5;
	v2 =	vadd.f32 $5.000000000e-01, v2  }
0x236: {  	[tilespmem:v6+s12+$0x0] =	vst.idx.add.f32.msk $0xffff, v1;
	v5 =	vcvt.f32.s32 v5  }
0x237: {  	v50 =	vadd.f32 $5.000000000e-01, v7;
	v51 =	vld [tilespmem:s26+$0x10];
	v4 =	vmul.f32 $8.192000000e+03, v4;
	v2 =	vtrunc.f32 v2  }
0x238: {  	v2 =	vcvt.f32.s32 v2  }
0x239: {  	v6 =	vtrunc.f32 v50;
	v4 =	vadd.f32 $5.000000000e-01, v4  }
0x23a: {  	v6 =	vcvt.f32.s32 v6;
	[tilespmem:v3+s12+$0x0] =	vst.idx.add.f32.msk $0xffff, v1  }
0x23b: {  	v3 =	vld [tilespmem:s10+$0x70];
	v4 =	vtrunc.f32 v4  }
0x23c: {  	v7 =	vmul.f32 $8.192000000e+03, v51;
	[tilespmem:v5+s12+$0x0] =	vst.idx.add.f32.msk $0xffff, v1;
	v4 =	vcvt.f32.s32 v4  }
0x23d: {  	v5 =	vld [tilespmem:s11+$0x70]  }
0x23e: {  	v7 =	vadd.f32 $5.000000000e-01, v7;
	[tilespmem:v2+s12+$0x0] =	vst.idx.add.f32.msk $0xffff, v1  }
0x23f: {  	v2 =	vld [tilespmem:s3+$0x50]  }
0x240: {  	[tilespmem:v6+s12+$0x0] =	vst.idx.add.f32.msk $0xffff, v1;
	v52 =	vtrunc.f32 v7;
	v3 =	vmul.f32 $8.192000000e+03, v3  }
0x241: {  	v53 =	vld [tilespmem:s0+$0x40];
	v6 =	vcvt.f32.s32 v52  }
0x242: {  	v3 =	vadd.f32 $5.000000000e-01, v3;
	v5 =	vmul.f32 $8.192000000e+03, v5;
	[tilespmem:v4+s12+$0x0] =	vst.idx.add.f32.msk $0xffff, v1  }
0x243: {  	v4 =	vld [tilespmem:s28+$0x20]  }
0x244: {  	v3 =	vtrunc.f32 v3;
	v5 =	vadd.f32 $5.000000000e-01, v5;
	v2 =	vmul.f32 $8.192000000e+03, v2  }
0x245: {  	v3 =	vcvt.f32.s32 v3  }
0x246: {  	v7 =	vmul.f32 $8.192000000e+03, v53;
	v5 =	vtrunc.f32 v5;
	v2 =	vadd.f32 $5.000000000e-01, v2  }
0x247: {  	[tilespmem:v6+s12+$0x0] =	vst.idx.add.f32.msk $0xffff, v1;
	v5 =	vcvt.f32.s32 v5  }
0x248: {  	v54 =	vadd.f32 $5.000000000e-01, v7;
	v55 =	vld [tilespmem:s26+$0x20];
	v4 =	vmul.f32 $8.192000000e+03, v4;
	v2 =	vtrunc.f32 v2  }
0x249: {  	v2 =	vcvt.f32.s32 v2  }
0x24a: {  	s30 =	sadd.s32 $0x400, s15;
	v6 =	vtrunc.f32 v54;
	v4 =	vadd.f32 $5.000000000e-01, v4  }
0x24b: {  	s25 =	sor.u32 s2, s30;
	v6 =	vcvt.f32.s32 v6;
	[tilespmem:v3+s12+$0x0] =	vst.idx.add.f32.msk $0xffff, v1  }
0x24c: {  	v3 =	vld [tilespmem:s25+$0x0];
	v4 =	vtrunc.f32 v4  }
0x24d: {  	s16 =	sor.u32 s9, s30;
	v7 =	vmul.f32 $8.192000000e+03, v55;
	[tilespmem:v5+s12+$0x0] =	vst.idx.add.f32.msk $0xffff, v1;
	v4 =	vcvt.f32.s32 v4  }
0x24e: {  	v5 =	vld [tilespmem:s16+$0x0]  }
0x24f: {  	v7 =	vadd.f32 $5.000000000e-01, v7;
	[tilespmem:v2+s12+$0x0] =	vst.idx.add.f32.msk $0xffff, v1  }
0x250: {  	v2 =	vld [tilespmem:s3+$0x60]  }
0x251: {  	[tilespmem:v6+s12+$0x0] =	vst.idx.add.f32.msk $0xffff, v1;
	v56 =	vtrunc.f32 v7;
	v3 =	vmul.f32 $8.192000000e+03, v3  }
0x252: {  	v57 =	vld [tilespmem:s0+$0x50];
	v6 =	vcvt.f32.s32 v56  }
0x253: {  	v3 =	vadd.f32 $5.000000000e-01, v3;
	v5 =	vmul.f32 $8.192000000e+03, v5;
	[tilespmem:v4+s12+$0x0] =	vst.idx.add.f32.msk $0xffff, v1  }
0x254: {  	v4 =	vld [tilespmem:s28+$0x30]  }
0x255: {  	v3 =	vtrunc.f32 v3;
	v5 =	vadd.f32 $5.000000000e-01, v5;
	v2 =	vmul.f32 $8.192000000e+03, v2  }
0x256: {  	v3 =	vcvt.f32.s32 v3  }
0x257: {  	v7 =	vmul.f32 $8.192000000e+03, v57;
	v5 =	vtrunc.f32 v5;
	v2 =	vadd.f32 $5.000000000e-01, v2  }
0x258: {  	[tilespmem:v6+s12+$0x0] =	vst.idx.add.f32.msk $0xffff, v1;
	v5 =	vcvt.f32.s32 v5  }
0x259: {  	v58 =	vadd.f32 $5.000000000e-01, v7;
	v59 =	vld [tilespmem:s26+$0x30];
	v4 =	vmul.f32 $8.192000000e+03, v4;
	v2 =	vtrunc.f32 v2  }
0x25a: {  	v2 =	vcvt.f32.s32 v2  }
0x25b: {  	v6 =	vtrunc.f32 v58;
	v4 =	vadd.f32 $5.000000000e-01, v4  }
0x25c: {  	v6 =	vcvt.f32.s32 v6;
	[tilespmem:v3+s12+$0x0] =	vst.idx.add.f32.msk $0xffff, v1  }
0x25d: {  	v3 =	vld [tilespmem:s25+$0x10];
	v4 =	vtrunc.f32 v4  }
0x25e: {  	v7 =	vmul.f32 $8.192000000e+03, v59;
	[tilespmem:v5+s12+$0x0] =	vst.idx.add.f32.msk $0xffff, v1;
	v4 =	vcvt.f32.s32 v4  }
0x25f: {  	v5 =	vld [tilespmem:s16+$0x10]  }
0x260: {  	v7 =	vadd.f32 $5.000000000e-01, v7;
	[tilespmem:v2+s12+$0x0] =	vst.idx.add.f32.msk $0xffff, v1  }
0x261: {  	v2 =	vld [tilespmem:s3+$0x70]  }
0x262: {  	[tilespmem:v6+s12+$0x0] =	vst.idx.add.f32.msk $0xffff, v1;
	v60 =	vtrunc.f32 v7;
	v3 =	vmul.f32 $8.192000000e+03, v3  }
0x263: {  	v61 =	vld [tilespmem:s0+$0x60];
	v6 =	vcvt.f32.s32 v60  }
0x264: {  	v3 =	vadd.f32 $5.000000000e-01, v3;
	v5 =	vmul.f32 $8.192000000e+03, v5;
	[tilespmem:v4+s12+$0x0] =	vst.idx.add.f32.msk $0xffff, v1  }
0x265: {  	v4 =	vld [tilespmem:s28+$0x40]  }
0x266: {  	v3 =	vtrunc.f32 v3;
	v5 =	vadd.f32 $5.000000000e-01, v5;
	v2 =	vmul.f32 $8.192000000e+03, v2  }
0x267: {  	v3 =	vcvt.f32.s32 v3  }
0x268: {  	v7 =	vmul.f32 $8.192000000e+03, v61;
	v5 =	vtrunc.f32 v5;
	v2 =	vadd.f32 $5.000000000e-01, v2  }
0x269: {  	[tilespmem:v6+s12+$0x0] =	vst.idx.add.f32.msk $0xffff, v1;
	v5 =	vcvt.f32.s32 v5  }
0x26a: {  	v7 =	vadd.f32 $5.000000000e-01, v7;
	v6 =	vld [tilespmem:s26+$0x40];
	v4 =	vmul.f32 $8.192000000e+03, v4;
	v2 =	vtrunc.f32 v2  }
0x26b: {  	v2 =	vcvt.f32.s32 v2  }
0x26c: {  	v7 =	vtrunc.f32 v7;
	v4 =	vadd.f32 $5.000000000e-01, v4  }
0x26d: {  	[tilespmem:v3+s12+$0x0] =	vst.idx.add.f32.msk $0xffff, v1;
	v3 =	vcvt.f32.s32 v7  }
0x26e: {  	v62 =	vld [tilespmem:s25+$0x20];
	v4 =	vtrunc.f32 v4  }
0x26f: {  	v6 =	vmul.f32 $8.192000000e+03, v6;
	[tilespmem:v5+s12+$0x0] =	vst.idx.add.f32.msk $0xffff, v1;
	v4 =	vcvt.f32.s32 v4  }
0x270: {  	s31 =	sadd.s32 $0x800, s21;
	v5 =	vld [tilespmem:s16+$0x20]  }
0x271: {  	s5 =	sor.u32 s22, s31;
	v6 =	vadd.f32 $5.000000000e-01, v6;
	[tilespmem:v2+s12+$0x0] =	vst.idx.add.f32.msk $0xffff, v1  }
0x272: {  	v2 =	vld [tilespmem:s5+$0x0]  }
0x273: {  	v6 =	vtrunc.f32 v6;
	[tilespmem:v3+s12+$0x0] =	vst.idx.add.f32.msk $0xffff, v1  }
0x274: {  	v6 =	vcvt.f32.s32 v6;
	v3 =	vmul.f32 $8.192000000e+03, v62;
	v63 =	vld [tilespmem:s0+$0x70]  }
0x275: {  	v5 =	vmul.f32 $8.192000000e+03, v5;
	[tilespmem:v4+s12+$0x0] =	vst.idx.add.f32.msk $0xffff, v1  }
0x276: {  	p0 =	sgt.s32 s6, $0x6;
	v3 =	vadd.f32 $5.000000000e-01, v3;
	v4 =	vld [tilespmem:s28+$0x50]  }
.Ltmp8:
0x277: {  	v5 =	vadd.f32 $5.000000000e-01, v5;
	v2 =	vmul.f32 $8.192000000e+03, v2;
	(pc) =	sbr.rel @!p0 .LBB2_13-.Ltmp8, $4  }
0x278: {  	v3 =	vtrunc.f32 v3  }
0x279: {  	v7 =	vmul.f32 $8.192000000e+03, v63;
	v5 =	vtrunc.f32 v5;
	v2 =	vadd.f32 $5.000000000e-01, v2  }
0x27a: {  	v12 =	vcvt.f32.s32 v3;
	[tilespmem:v6+s12+$0x0] =	vst.idx.add.f32.msk $0xffff, v1;
	v11 =	vcvt.f32.s32 v5  }
0x27b: {  	p4 =	por $0x1, $0x1;
	s4 =	sor.u32 s20, s31;
	v13 =	vld [tilespmem:s26+$0x50];
	v10 =	vadd.f32 $5.000000000e-01, v7;
	v14 =	vmul.f32 $8.192000000e+03, v4;
	v9 =	vtrunc.f32 v2  }
0x27c: {  	_ =	sdelay $0x3  }
0x27d: {  	s0 =	simm.s32 $0x0;
	[tilespmem:v12+s12+$0x0] =	vst.idx.add.f32.msk $0xffff, v1  }
0x27e: {  	v2 =	vcvt.f32.s32 v9;
	s3 =	simm.s32 $0x300;
	s0 =	smul.u32 $0x3000, s0;
	v3 =	vld [tilespmem:s25+$0x30]  }
0x27f: {  	s20 =	sand.u32 $0x300, s3  }
0x280: {  	v4 =	vadd.f32 $5.000000000e-01, v14;
	s22 =	sor.u32 $0x80, s20;
	s21 =	sshra.s32 s0, $0x2  }
0x281: {  	v5 =	vmul.f32 $8.192000000e+03, v13;
	s10 =	sor.u32 s22, s21  }
0x282: {  	v4 =	vtrunc.f32 v4;
	v6 =	vld [tilespmem:s10+$0x0]  }
0x283: {  	v4 =	vcvt.f32.s32 v4;
	v5 =	vadd.f32 $5.000000000e-01, v5;
	v3 =	vmul.f32 $8.192000000e+03, v3  }
0x284: {  	[tilespmem:v2+s12+$0x0] =	vst.idx.add.f32.msk $0xffff, v1  }
0x285: {  	v2 =	vtrunc.f32 v5;
	v5 =	vld [tilespmem:s5+$0x10];
	v3 =	vadd.f32 $5.000000000e-01, v3  }
0x286: {  	s11 =	sor.u32 s20, s21;
	v2 =	vcvt.f32.s32 v2  }
0x287: {  	v7 =	vld [tilespmem:s11+$0x0];
	v6 =	vmul.f32 $8.192000000e+03, v6;
	v3 =	vtrunc.f32 v3  }
0x288: {  	[tilespmem:v11+s12+$0x0] =	vst.idx.add.f32.msk $0xffff, v1;
	v3 =	vcvt.f32.s32 v3  }
0x289: {  	v8 =	vtrunc.f32 v10;
	[tilespmem:v4+s12+$0x0] =	vst.idx.add.f32.msk $0xffff, v1;
	v4 =	vadd.f32 $5.000000000e-01, v6  }
0x28a: {  	v6 =	vcvt.f32.s32 v8;
	v8 =	vld [tilespmem:s28+$0x60];
	v5 =	vmul.f32 $8.192000000e+03, v5  }
0x28b: {  	v9 =	vld [tilespmem:s16+$0x30];
	v4 =	vtrunc.f32 v4  }
0x28c: {  	v7 =	vmul.f32 $8.192000000e+03, v7;
	[tilespmem:v2+s12+$0x0] =	vst.idx.add.f32.msk $0xffff, v1;
	v2 =	vadd.f32 $5.000000000e-01, v5;
	v4 =	vcvt.f32.s32 v4  }
0x28d: {  	v5 =	vld [tilespmem:s26+$0x60]  }
0x28e: {  	v7 =	vadd.f32 $5.000000000e-01, v7;
	v2 =	vtrunc.f32 v2;
	[tilespmem:v3+s12+$0x0] =	vst.idx.add.f32.msk $0xffff, v1  }
0x28f: {  	v3 =	vmul.f32 $8.192000000e+03, v8;
	v2 =	vcvt.f32.s32 v2;
	v8 =	vld [tilespmem:s25+$0x40]  }
0x290: {  	[tilespmem:v6+s12+$0x0] =	vst.idx.add.f32.msk $0xffff, v1;
	v6 =	vtrunc.f32 v7  }
0x291: {  	v7 =	vmul.f32 $8.192000000e+03, v9;
	v9 =	vld [tilespmem:s4+$0x0];
	v6 =	vcvt.f32.s32 v6;
	v3 =	vadd.f32 $5.000000000e-01, v3  }
0x292: {  	v5 =	vmul.f32 $8.192000000e+03, v5;
	[tilespmem:v4+s12+$0x0] =	vst.idx.add.f32.msk $0xffff, v1  }
0x293: {  	v4 =	vadd.f32 $5.000000000e-01, v7;
	v3 =	vtrunc.f32 v3;
	v7 =	vld [tilespmem:s10+$0x10]  }
0x294: {  	v3 =	vcvt.f32.s32 v3;
	v5 =	vadd.f32 $5.000000000e-01, v5;
	v8 =	vmul.f32 $8.192000000e+03, v8  }
0x295: {  	v4 =	vtrunc.f32 v4;
	[tilespmem:v2+s12+$0x0] =	vst.idx.add.f32.msk $0xffff, v1  }
0x296: {  	v2 =	vcvt.f32.s32 v4;
	v4 =	vtrunc.f32 v5;
	v5 =	vld [tilespmem:s5+$0x20];
	v8 =	vadd.f32 $5.000000000e-01, v8  }
0x297: {  	v9 =	vmul.f32 $8.192000000e+03, v9;
	[tilespmem:v6+s12+$0x0] =	vst.idx.add.f32.msk $0xffff, v1;
	v4 =	vcvt.f32.s32 v4  }
0x298: {  	v6 =	vld [tilespmem:s11+$0x10];
	v7 =	vmul.f32 $8.192000000e+03, v7;
	v8 =	vtrunc.f32 v8  }
0x299: {  	v9 =	vadd.f32 $5.000000000e-01, v9;
	v8 =	vcvt.f32.s32 v8  }
0x29a: {  	[tilespmem:v3+s12+$0x0] =	vst.idx.add.f32.msk $0xffff, v1;
	v3 =	vadd.f32 $5.000000000e-01, v7  }
0x29b: {  	v7 =	vtrunc.f32 v9;
	v9 =	vld [tilespmem:s28+$0x70];
	v5 =	vmul.f32 $8.192000000e+03, v5  }
0x29c: {  	[tilespmem:v2+s12+$0x0] =	vst.idx.add.f32.msk $0xffff, v1;
	v2 =	vcvt.f32.s32 v7;
	v3 =	vtrunc.f32 v3  }
0x29d: {  	v6 =	vmul.f32 $8.192000000e+03, v6;
	[tilespmem:v4+s12+$0x0] =	vst.idx.add.f32.msk $0xffff, v1;
	v4 =	vadd.f32 $5.000000000e-01, v5;
	v3 =	vcvt.f32.s32 v3  }
0x29e: {  	v5 =	vld [tilespmem:s26+$0x70]  }
0x29f: {  	v6 =	vadd.f32 $5.000000000e-01, v6;
	v4 =	vtrunc.f32 v4;
	[tilespmem:v8+s12+$0x0] =	vst.idx.add.f32.msk $0xffff, v1  }
0x2a0: {  	v7 =	vmul.f32 $8.192000000e+03, v9;
	v4 =	vcvt.f32.s32 v4;
	v8 =	vld [tilespmem:s25+$0x50]  }
0x2a1: {  	v9 =	vld [tilespmem:s16+$0x40];
	v6 =	vtrunc.f32 v6  }
0x2a2: {  	[tilespmem:v2+s12+$0x0] =	vst.idx.add.f32.msk $0xffff, v1;
	v2 =	vcvt.f32.s32 v6;
	v6 =	vadd.f32 $5.000000000e-01, v7  }
0x2a3: {  	v5 =	vmul.f32 $8.192000000e+03, v5;
	[tilespmem:v3+s12+$0x0] =	vst.idx.add.f32.msk $0xffff, v1  }
0x2a4: {  	v3 =	vtrunc.f32 v6;
	v6 =	vld [tilespmem:s10+$0x20]  }
0x2a5: {  	v7 =	vld [tilespmem:s4+$0x10];
	v3 =	vcvt.f32.s32 v3;
	v5 =	vadd.f32 $5.000000000e-01, v5;
	v8 =	vmul.f32 $8.192000000e+03, v8  }
0x2a6: {  	[tilespmem:v4+s12+$0x0] =	vst.idx.add.f32.msk $0xffff, v1  }
0x2a7: {  	v4 =	vmul.f32 $8.192000000e+03, v9;
	v5 =	vtrunc.f32 v5;
	v9 =	vld [tilespmem:s5+$0x30];
	v8 =	vadd.f32 $5.000000000e-01, v8  }
0x2a8: {  	[tilespmem:v2+s12+$0x0] =	vst.idx.add.f32.msk $0xffff, v1;
	v2 =	vcvt.f32.s32 v5  }
0x2a9: {  	v4 =	vadd.f32 $5.000000000e-01, v4;
	v5 =	vld [tilespmem:s11+$0x20];
	v6 =	vmul.f32 $8.192000000e+03, v6;
	v8 =	vtrunc.f32 v8  }
0x2aa: {  	s31 =	sadd.s32 $0x400, s7;
	v8 =	vcvt.f32.s32 v8  }
0x2ab: {  	s3 =	sor.u32 s18, s31;
	v7 =	vmul.f32 $8.192000000e+03, v7;
	v4 =	vtrunc.f32 v4;
	[tilespmem:v3+s12+$0x0] =	vst.idx.add.f32.msk $0xffff, v1;
	v3 =	vadd.f32 $5.000000000e-01, v6  }
0x2ac: {  	v4 =	vcvt.f32.s32 v4;
	v6 =	vld [tilespmem:s3+$0x0];
	v9 =	vmul.f32 $8.192000000e+03, v9  }
0x2ad: {  	v7 =	vadd.f32 $5.000000000e-01, v7;
	v3 =	vtrunc.f32 v3  }
0x2ae: {  	s0 =	sor.u32 s1, s31;
	v5 =	vmul.f32 $8.192000000e+03, v5;
	[tilespmem:v2+s12+$0x0] =	vst.idx.add.f32.msk $0xffff, v1;
	v2 =	vadd.f32 $5.000000000e-01, v9;
	v3 =	vcvt.f32.s32 v3  }
0x2af: {  	v7 =	vtrunc.f32 v7;
	v9 =	vld [tilespmem:s0+$0x0]  }
0x2b0: {  	v7 =	vcvt.f32.s32 v7;
	v5 =	vadd.f32 $5.000000000e-01, v5;
	v2 =	vtrunc.f32 v2;
	[tilespmem:v8+s12+$0x0] =	vst.idx.add.f32.msk $0xffff, v1  }
0x2b1: {  	v6 =	vmul.f32 $8.192000000e+03, v6;
	v2 =	vcvt.f32.s32 v2;
	v8 =	vld [tilespmem:s25+$0x60]  }
0x2b2: {  	[tilespmem:v4+s12+$0x0] =	vst.idx.add.f32.msk $0xffff, v1;
	v4 =	vtrunc.f32 v5  }
0x2b3: {  	v5 =	vld [tilespmem:s16+$0x50];
	v4 =	vcvt.f32.s32 v4;
	v6 =	vadd.f32 $5.000000000e-01, v6  }
0x2b4: {  	v9 =	vmul.f32 $8.192000000e+03, v9;
	[tilespmem:v3+s12+$0x0] =	vst.idx.add.f32.msk $0xffff, v1  }
0x2b5: {  	v3 =	vtrunc.f32 v6;
	v6 =	vld [tilespmem:s10+$0x30]  }
0x2b6: {  	[tilespmem:v7+s12+$0x0] =	vst.idx.add.f32.msk $0xffff, v1;
	v3 =	vcvt.f32.s32 v3;
	v7 =	vadd.f32 $5.000000000e-01, v9;
	v8 =	vmul.f32 $8.192000000e+03, v8  }
0x2b7: {  	[tilespmem:v2+s12+$0x0] =	vst.idx.add.f32.msk $0xffff, v1  }
0x2b8: {  	v2 =	vmul.f32 $8.192000000e+03, v5;
	v5 =	vtrunc.f32 v7;
	v7 =	vld [tilespmem:s5+$0x40];
	v8 =	vadd.f32 $5.000000000e-01, v8  }
0x2b9: {  	[tilespmem:v4+s12+$0x0] =	vst.idx.add.f32.msk $0xffff, v1;
	v4 =	vcvt.f32.s32 v5  }
0x2ba: {  	v2 =	vadd.f32 $5.000000000e-01, v2;
	v5 =	vld [tilespmem:s11+$0x30];
	v6 =	vmul.f32 $8.192000000e+03, v6;
	v8 =	vtrunc.f32 v8  }
0x2bb: {  	v9 =	vld [tilespmem:s4+$0x20];
	v8 =	vcvt.f32.s32 v8  }
0x2bc: {  	v2 =	vtrunc.f32 v2;
	[tilespmem:v3+s12+$0x0] =	vst.idx.add.f32.msk $0xffff, v1;
	v3 =	vadd.f32 $5.000000000e-01, v6  }
0x2bd: {  	v2 =	vcvt.f32.s32 v2;
	v6 =	vld [tilespmem:s3+$0x10];
	v7 =	vmul.f32 $8.192000000e+03, v7  }
0x2be: {  	v3 =	vtrunc.f32 v3  }
0x2bf: {  	v5 =	vmul.f32 $8.192000000e+03, v5;
	[tilespmem:v4+s12+$0x0] =	vst.idx.add.f32.msk $0xffff, v1;
	v4 =	vadd.f32 $5.000000000e-01, v7;
	v3 =	vcvt.f32.s32 v3  }
0x2c0: {  	v7 =	vld [tilespmem:s0+$0x10]  }
0x2c1: {  	v9 =	vmul.f32 $8.192000000e+03, v9;
	v5 =	vadd.f32 $5.000000000e-01, v5;
	v4 =	vtrunc.f32 v4;
	[tilespmem:v8+s12+$0x0] =	vst.idx.add.f32.msk $0xffff, v1  }
0x2c2: {  	v6 =	vmul.f32 $8.192000000e+03, v6;
	v4 =	vcvt.f32.s32 v4;
	v8 =	vld [tilespmem:s25+$0x70]  }
0x2c3: {  	v9 =	vadd.f32 $5.000000000e-01, v9;
	[tilespmem:v2+s12+$0x0] =	vst.idx.add.f32.msk $0xffff, v1;
	v2 =	vtrunc.f32 v5  }
0x2c4: {  	v2 =	vcvt.f32.s32 v2;
	v5 =	vadd.f32 $5.000000000e-01, v6;
	v6 =	vld [tilespmem:s16+$0x60]  }
0x2c5: {  	v9 =	vtrunc.f32 v9;
	v7 =	vmul.f32 $8.192000000e+03, v7;
	[tilespmem:v3+s12+$0x0] =	vst.idx.add.f32.msk $0xffff, v1  }
0x2c6: {  	v3 =	vcvt.f32.s32 v9;
	v5 =	vtrunc.f32 v5;
	v9 =	vld [tilespmem:s10+$0x40]  }
0x2c7: {  	v5 =	vcvt.f32.s32 v5;
	v7 =	vadd.f32 $5.000000000e-01, v7;
	v8 =	vmul.f32 $8.192000000e+03, v8  }
0x2c8: {  	[tilespmem:v4+s12+$0x0] =	vst.idx.add.f32.msk $0xffff, v1  }
0x2c9: {  	v6 =	vmul.f32 $8.192000000e+03, v6;
	v4 =	vtrunc.f32 v7;
	v7 =	vld [tilespmem:s5+$0x50];
	v8 =	vadd.f32 $5.000000000e-01, v8  }
0x2ca: {  	[tilespmem:v2+s12+$0x0] =	vst.idx.add.f32.msk $0xffff, v1;
	v2 =	vcvt.f32.s32 v4  }
0x2cb: {  	v4 =	vld [tilespmem:s11+$0x40];
	v6 =	vadd.f32 $5.000000000e-01, v6;
	v9 =	vmul.f32 $8.192000000e+03, v9;
	v8 =	vtrunc.f32 v8  }
0x2cc: {  	[tilespmem:v3+s12+$0x0] =	vst.idx.add.f32.msk $0xffff, v1;
	v3 =	vcvt.f32.s32 v8  }
0x2cd: {  	[tilespmem:v5+s12+$0x0] =	vst.idx.add.f32.msk $0xffff, v1;
	v5 =	vtrunc.f32 v6;
	v6 =	vadd.f32 $5.000000000e-01, v9  }
0x2ce: {  	v8 =	vld [tilespmem:s3+$0x20];
	v5 =	vcvt.f32.s32 v5;
	v7 =	vmul.f32 $8.192000000e+03, v7  }
0x2cf: {  	v9 =	vld [tilespmem:s4+$0x30];
	v6 =	vtrunc.f32 v6  }
0x2d0: {  	v4 =	vmul.f32 $8.192000000e+03, v4;
	[tilespmem:v2+s12+$0x0] =	vst.idx.add.f32.msk $0xffff, v1;
	v2 =	vadd.f32 $5.000000000e-01, v7;
	v6 =	vcvt.f32.s32 v6  }
0x2d1: {  	s13 =	sadd.s32 $0x800, s15;
	v7 =	vld [tilespmem:s0+$0x20]  }
0x2d2: {  	s2 =	sor.u32 s2, s13;
	v4 =	vadd.f32 $5.000000000e-01, v4;
	v2 =	vtrunc.f32 v2;
	[tilespmem:v3+s12+$0x0] =	vst.idx.add.f32.msk $0xffff, v1  }
0x2d3: {  	v2 =	vcvt.f32.s32 v2;
	v3 =	vld [tilespmem:s2+$0x0]  }
0x2d4: {  	v8 =	vmul.f32 $8.192000000e+03, v8;
	v4 =	vtrunc.f32 v4;
	[tilespmem:v5+s12+$0x0] =	vst.idx.add.f32.msk $0xffff, v1  }
0x2d5: {  	v5 =	vmul.f32 $8.192000000e+03, v9;
	v4 =	vcvt.f32.s32 v4;
	v9 =	vld [tilespmem:s16+$0x70]  }
0x2d6: {  	v8 =	vadd.f32 $5.000000000e-01, v8;
	v7 =	vmul.f32 $8.192000000e+03, v7;
	[tilespmem:v6+s12+$0x0] =	vst.idx.add.f32.msk $0xffff, v1  }
0x2d7: {  	p0 =	sgt.s32 s6, $0x8;
	v5 =	vadd.f32 $5.000000000e-01, v5;
	v6 =	vld [tilespmem:s10+$0x50]  }
.Ltmp9:
0x2d8: {  	v8 =	vtrunc.f32 v8;
	v7 =	vadd.f32 $5.000000000e-01, v7;
	v3 =	vmul.f32 $8.192000000e+03, v3;
	(pc) =	sbr.rel @!p0 .LBB2_15-.Ltmp9, $4  }
0x2d9: {  	v12 =	vcvt.f32.s32 v8;
	v5 =	vtrunc.f32 v5;
	[tilespmem:v2+s12+$0x0] =	vst.idx.add.f32.msk $0xffff, v1  }
0x2da: {  	v8 =	vmul.f32 $8.192000000e+03, v9;
	v7 =	vtrunc.f32 v7;
	v2 =	vld [tilespmem:s5+$0x60];
	v9 =	vadd.f32 $5.000000000e-01, v3  }
0x2db: {  	v3 =	vcvt.f32.s32 v5;
	[tilespmem:v4+s12+$0x0] =	vst.idx.add.f32.msk $0xffff, v1;
	v11 =	vcvt.f32.s32 v7  }
0x2dc: {  	p5 =	por $0x1, $0x1;
	s25 =	sor.u32 s9, s13;
	v13 =	vld [tilespmem:s11+$0x50];
	v5 =	vadd.f32 $5.000000000e-01, v8;
	v14 =	vmul.f32 $8.192000000e+03, v6;
	v4 =	vtrunc.f32 v9  }
0x2dd: {  	_ =	sdelay $0x3  }
0x2de: {  	s9 =	simm.s32 $0x1;
	[tilespmem:v12+s12+$0x0] =	vst.idx.add.f32.msk $0xffff, v1;
	v6 =	vcvt.f32.s32 v4  }
0x2df: {  	s15 =	simm.s32 $0x400;
	s9 =	smul.u32 $0x3000, s9;
	v7 =	vld [tilespmem:s3+$0x30]  }
0x2e0: {  	v8 =	vadd.f32 $5.000000000e-01, v14;
	s26 =	sand.u32 $0x300, s15;
	v9 =	vmul.f32 $8.192000000e+03, v2  }
0x2e1: {  	[tilespmem:v3+s12+$0x0] =	vst.idx.add.f32.msk $0xffff, v1;
	v10 =	vtrunc.f32 v5;
	s29 =	sor.u32 $0x80, s26;
	s28 =	sshra.s32 s9, $0x2;
	v12 =	vmul.f32 $8.192000000e+03, v13  }
0x2e2: {  	[tilespmem:v11+s12+$0x0] =	vst.idx.add.f32.msk $0xffff, v1;
	v10 =	vcvt.f32.s32 v10;
	v8 =	vtrunc.f32 v8;
	v9 =	vadd.f32 $5.000000000e-01, v9;
	s16 =	sor.u32 s29, s28  }
0x2e3: {  	v8 =	vcvt.f32.s32 v8;
	v11 =	vld [tilespmem:s16+$0x0];
	v12 =	vadd.f32 $5.000000000e-01, v12  }
0x2e4: {  	v9 =	vtrunc.f32 v9;
	v7 =	vmul.f32 $8.192000000e+03, v7;
	[tilespmem:v6+s12+$0x0] =	vst.idx.add.f32.msk $0xffff, v1  }
0x2e5: {  	v6 =	vcvt.f32.s32 v9;
	v9 =	vtrunc.f32 v12;
	v12 =	vld [tilespmem:s2+$0x10]  }
0x2e6: {  	s9 =	sor.u32 s26, s28;
	v13 =	vld [tilespmem:s0+$0x30];
	v7 =	vadd.f32 $5.000000000e-01, v7;
	v9 =	vcvt.f32.s32 v9  }
0x2e7: {  	v14 =	vld [tilespmem:s9+$0x0]  }
0x2e8: {  	[tilespmem:v10+s12+$0x0] =	vst.idx.add.f32.msk $0xffff, v1;
	v10 =	vmul.f32 $8.192000000e+03, v11;
	v7 =	vtrunc.f32 v7  }
0x2e9: {  	[tilespmem:v8+s12+$0x0] =	vst.idx.add.f32.msk $0xffff, v1;
	v7 =	vcvt.f32.s32 v7  }
0x2ea: {  	v8 =	vld [tilespmem:s10+$0x60];
	v10 =	vadd.f32 $5.000000000e-01, v10;
	v11 =	vmul.f32 $8.192000000e+03, v12  }
0x2eb: {  	[tilespmem:v6+s12+$0x0] =	vst.idx.add.f32.msk $0xffff, v1  }
0x2ec: {  	v6 =	vmul.f32 $8.192000000e+03, v14;
	v10 =	vtrunc.f32 v10;
	[tilespmem:v9+s12+$0x0] =	vst.idx.add.f32.msk $0xffff, v1;
	v9 =	vadd.f32 $5.000000000e-01, v11  }
0x2ed: {  	v11 =	vmul.f32 $8.192000000e+03, v13;
	v10 =	vcvt.f32.s32 v10;
	v12 =	vld [tilespmem:s11+$0x60]  }
0x2ee: {  	v6 =	vadd.f32 $5.000000000e-01, v6;
	v13 =	vld [tilespmem:s25+$0x0];
	v9 =	vtrunc.f32 v9  }
0x2ef: {  	v8 =	vmul.f32 $8.192000000e+03, v8;
	v11 =	vadd.f32 $5.000000000e-01, v11;
	[tilespmem:v7+s12+$0x0] =	vst.idx.add.f32.msk $0xffff, v1;
	v7 =	vcvt.f32.s32 v9  }
0x2f0: {  	v6 =	vtrunc.f32 v6;
	v9 =	vld [tilespmem:s3+$0x40]  }
0x2f1: {  	v14 =	vld [tilespmem:s4+$0x40];
	v6 =	vcvt.f32.s32 v6;
	v8 =	vadd.f32 $5.000000000e-01, v8;
	v11 =	vtrunc.f32 v11  }
0x2f2: {  	v15 =	vld [tilespmem:s5+$0x70];
	v11 =	vcvt.f32.s32 v11;
	v12 =	vmul.f32 $8.192000000e+03, v12  }
0x2f3: {  	v8 =	vtrunc.f32 v8;
	[tilespmem:v10+s12+$0x0] =	vst.idx.add.f32.msk $0xffff, v1;
	v10 =	vmul.f32 $8.192000000e+03, v13  }
0x2f4: {  	v8 =	vcvt.f32.s32 v8;
	v13 =	vld [tilespmem:s16+$0x10];
	v12 =	vadd.f32 $5.000000000e-01, v12  }
0x2f5: {  	v9 =	vmul.f32 $8.192000000e+03, v9;
	v10 =	vadd.f32 $5.000000000e-01, v10;
	[tilespmem:v7+s12+$0x0] =	vst.idx.add.f32.msk $0xffff, v1  }
0x2f6: {  	v14 =	vmul.f32 $8.192000000e+03, v14;
	v7 =	vtrunc.f32 v12;
	v12 =	vld [tilespmem:s2+$0x20]  }
0x2f7: {  	[tilespmem:v6+s12+$0x0] =	vst.idx.add.f32.msk $0xffff, v1;
	v6 =	vcvt.f32.s32 v7;
	v7 =	vadd.f32 $5.000000000e-01, v9;
	v9 =	vtrunc.f32 v10  }
0x2f8: {  	v10 =	vld [tilespmem:s9+$0x10];
	v9 =	vcvt.f32.s32 v9  }
0x2f9: {  	[tilespmem:v11+s12+$0x0] =	vst.idx.add.f32.msk $0xffff, v1;
	v11 =	vadd.f32 $5.000000000e-01, v14;
	v13 =	vmul.f32 $8.192000000e+03, v13;
	v7 =	vtrunc.f32 v7  }
0x2fa: {  	[tilespmem:v8+s12+$0x0] =	vst.idx.add.f32.msk $0xffff, v1;
	v7 =	vcvt.f32.s32 v7  }
0x2fb: {  	v8 =	vld [tilespmem:s10+$0x70];
	v11 =	vtrunc.f32 v11;
	v13 =	vadd.f32 $5.000000000e-01, v13;
	v12 =	vmul.f32 $8.192000000e+03, v12  }
0x2fc: {  	v14 =	vld [tilespmem:s0+$0x40];
	v11 =	vcvt.f32.s32 v11  }
0x2fd: {  	v10 =	vmul.f32 $8.192000000e+03, v10;
	v13 =	vtrunc.f32 v13;
	[tilespmem:v6+s12+$0x0] =	vst.idx.add.f32.msk $0xffff, v1;
	v6 =	vadd.f32 $5.000000000e-01, v12  }
0x2fe: {  	v12 =	vcvt.f32.s32 v13;
	v13 =	vld [tilespmem:s11+$0x70]  }
0x2ff: {  	v10 =	vadd.f32 $5.000000000e-01, v10;
	[tilespmem:v9+s12+$0x0] =	vst.idx.add.f32.msk $0xffff, v1;
	v6 =	vtrunc.f32 v6  }
0x300: {  	v8 =	vmul.f32 $8.192000000e+03, v8;
	[tilespmem:v7+s12+$0x0] =	vst.idx.add.f32.msk $0xffff, v1;
	v6 =	vcvt.f32.s32 v6  }
0x301: {  	v7 =	vtrunc.f32 v10;
	v9 =	vld [tilespmem:s3+$0x50]  }
0x302: {  	v10 =	vmul.f32 $8.192000000e+03, v14;
	v8 =	vadd.f32 $5.000000000e-01, v8;
	v14 =	vld [tilespmem:s25+$0x10];
	v7 =	vcvt.f32.s32 v7  }
0x303: {  	[tilespmem:v11+s12+$0x0] =	vst.idx.add.f32.msk $0xffff, v1;
	v13 =	vmul.f32 $8.192000000e+03, v13  }
0x304: {  	v10 =	vadd.f32 $5.000000000e-01, v10;
	v8 =	vtrunc.f32 v8;
	[tilespmem:v12+s12+$0x0] =	vst.idx.add.f32.msk $0xffff, v1  }
0x305: {  	v8 =	vcvt.f32.s32 v8;
	v11 =	vld [tilespmem:s16+$0x20];
	v12 =	vadd.f32 $5.000000000e-01, v13  }
0x306: {  	v10 =	vtrunc.f32 v10;
	v9 =	vmul.f32 $8.192000000e+03, v9;
	[tilespmem:v6+s12+$0x0] =	vst.idx.add.f32.msk $0xffff, v1  }
0x307: {  	v6 =	vcvt.f32.s32 v10;
	v10 =	vtrunc.f32 v12;
	v12 =	vld [tilespmem:s2+$0x30]  }
0x308: {  	v13 =	vmul.f32 $8.192000000e+03, v14;
	[tilespmem:v7+s12+$0x0] =	vst.idx.add.f32.msk $0xffff, v1;
	v7 =	vcvt.f32.s32 v10;
	v9 =	vadd.f32 $5.000000000e-01, v9  }
0x309: {  	v10 =	vld [tilespmem:s9+$0x20]  }
0x30a: {  	s23 =	sadd.s32 $0x400, s21;
	v14 =	vld [tilespmem:s4+$0x50];
	v13 =	vadd.f32 $5.000000000e-01, v13;
	v11 =	vmul.f32 $8.192000000e+03, v11;
	v9 =	vtrunc.f32 v9  }
0x30b: {  	s10 =	sor.u32 s22, s23;
	[tilespmem:v8+s12+$0x0] =	vst.idx.add.f32.msk $0xffff, v1;
	v8 =	vcvt.f32.s32 v9  }
0x30c: {  	v9 =	vtrunc.f32 v13;
	v11 =	vadd.f32 $5.000000000e-01, v11;
	v13 =	vld [tilespmem:s10+$0x0];
	v12 =	vmul.f32 $8.192000000e+03, v12  }
0x30d: {  	v9 =	vcvt.f32.s32 v9;
	[tilespmem:v6+s12+$0x0] =	vst.idx.add.f32.msk $0xffff, v1  }
0x30e: {  	s11 =	sor.u32 s20, s23;
	v6 =	vmul.f32 $8.192000000e+03, v10;
	v10 =	vtrunc.f32 v11;
	[tilespmem:v7+s12+$0x0] =	vst.idx.add.f32.msk $0xffff, v1;
	v7 =	vadd.f32 $5.000000000e-01, v12  }
0x30f: {  	v10 =	vcvt.f32.s32 v10;
	v11 =	vld [tilespmem:s11+$0x0]  }
0x310: {  	v12 =	vmul.f32 $8.192000000e+03, v14;
	v14 =	vld [tilespmem:s0+$0x50];
	v6 =	vadd.f32 $5.000000000e-01, v6;
	v7 =	vtrunc.f32 v7  }
0x311: {  	v13 =	vmul.f32 $8.192000000e+03, v13;
	[tilespmem:v8+s12+$0x0] =	vst.idx.add.f32.msk $0xffff, v1;
	v7 =	vcvt.f32.s32 v7  }
0x312: {  	v8 =	vadd.f32 $5.000000000e-01, v12;
	v6 =	vtrunc.f32 v6;
	v12 =	vld [tilespmem:s3+$0x60]  }
0x313: {  	v15 =	vmul.f32 $8.192000000e+03, v15;
	v6 =	vcvt.f32.s32 v6;
	v13 =	vadd.f32 $5.000000000e-01, v13;
	[tilespmem:v9+s12+$0x0] =	vst.idx.add.f32.msk $0xffff, v1  }
0x314: {  	v8 =	vtrunc.f32 v8;
	v9 =	vmul.f32 $8.192000000e+03, v11;
	v11 =	vld [tilespmem:s25+$0x20]  }
0x315: {  	v8 =	vcvt.f32.s32 v8;
	[tilespmem:v10+s12+$0x0] =	vst.idx.add.f32.msk $0xffff, v1;
	v10 =	vtrunc.f32 v13  }
0x316: {  	v13 =	vadd.f32 $5.000000000e-01, v15;
	v15 =	vld [tilespmem:s16+$0x30];
	v10 =	vcvt.f32.s32 v10;
	v9 =	vadd.f32 $5.000000000e-01, v9  }
0x317: {  	v12 =	vmul.f32 $8.192000000e+03, v12;
	[tilespmem:v7+s12+$0x0] =	vst.idx.add.f32.msk $0xffff, v1  }
0x318: {  	v7 =	vtrunc.f32 v13;
	v9 =	vtrunc.f32 v9;
	v13 =	vld [tilespmem:s2+$0x40]  }
0x319: {  	v14 =	vmul.f32 $8.192000000e+03, v14;
	[tilespmem:v6+s12+$0x0] =	vst.idx.add.f32.msk $0xffff, v1;
	v6 =	vcvt.f32.s32 v9;
	v9 =	vadd.f32 $5.000000000e-01, v12  }
0x31a: {  	v7 =	vcvt.f32.s32 v7;
	v12 =	vld [tilespmem:s9+$0x30]  }
0x31b: {  	v14 =	vadd.f32 $5.000000000e-01, v14;
	v15 =	vmul.f32 $8.192000000e+03, v15;
	[tilespmem:v8+s12+$0x0] =	vst.idx.add.f32.msk $0xffff, v1;
	v9 =	vtrunc.f32 v9  }
0x31c: {  	[tilespmem:v10+s12+$0x0] =	vst.idx.add.f32.msk $0xffff, v1;
	v8 =	vcvt.f32.s32 v9  }
0x31d: {  	v9 =	vtrunc.f32 v14;
	v10 =	vadd.f32 $5.000000000e-01, v15;
	v14 =	vld [tilespmem:s10+$0x10];
	v13 =	vmul.f32 $8.192000000e+03, v13  }
0x31e: {  	v15 =	vld [tilespmem:s4+$0x60];
	v9 =	vcvt.f32.s32 v9  }
0x31f: {  	v12 =	vmul.f32 $8.192000000e+03, v12;
	v10 =	vtrunc.f32 v10;
	[tilespmem:v6+s12+$0x0] =	vst.idx.add.f32.msk $0xffff, v1;
	v6 =	vadd.f32 $5.000000000e-01, v13  }
0x320: {  	v11 =	vmul.f32 $8.192000000e+03, v11;
	v10 =	vcvt.f32.s32 v10;
	v13 =	vld [tilespmem:s11+$0x10]  }
0x321: {  	[tilespmem:v7+s12+$0x0] =	vst.idx.add.f32.msk $0xffff, v1;
	v7 =	vadd.f32 $5.000000000e-01, v12;
	v6 =	vtrunc.f32 v6  }
0x322: {  	v11 =	vadd.f32 $5.000000000e-01, v11;
	v12 =	vmul.f32 $8.192000000e+03, v14;
	[tilespmem:v8+s12+$0x0] =	vst.idx.add.f32.msk $0xffff, v1;
	v6 =	vcvt.f32.s32 v6  }
0x323: {  	v7 =	vtrunc.f32 v7;
	v8 =	vld [tilespmem:s3+$0x70]  }
0x324: {  	v11 =	vtrunc.f32 v11;
	[tilespmem:v9+s12+$0x0] =	vst.idx.add.f32.msk $0xffff, v1;
	v7 =	vcvt.f32.s32 v7;
	v9 =	vadd.f32 $5.000000000e-01, v12  }
0x325: {  	v12 =	vmul.f32 $8.192000000e+03, v15;
	v14 =	vld [tilespmem:s0+$0x60];
	v13 =	vmul.f32 $8.192000000e+03, v13  }
0x326: {  	v11 =	vcvt.f32.s32 v11;
	[tilespmem:v10+s12+$0x0] =	vst.idx.add.f32.msk $0xffff, v1;
	v9 =	vtrunc.f32 v9  }
0x327: {  	v10 =	vadd.f32 $5.000000000e-01, v12;
	v12 =	vld [tilespmem:s16+$0x40];
	v9 =	vcvt.f32.s32 v9;
	v13 =	vadd.f32 $5.000000000e-01, v13  }
0x328: {  	v8 =	vmul.f32 $8.192000000e+03, v8;
	[tilespmem:v6+s12+$0x0] =	vst.idx.add.f32.msk $0xffff, v1  }
0x329: {  	v6 =	vtrunc.f32 v10;
	v10 =	vtrunc.f32 v13;
	v13 =	vld [tilespmem:s2+$0x50]  }
0x32a: {  	v14 =	vmul.f32 $8.192000000e+03, v14;
	[tilespmem:v7+s12+$0x0] =	vst.idx.add.f32.msk $0xffff, v1;
	v7 =	vcvt.f32.s32 v10;
	v8 =	vadd.f32 $5.000000000e-01, v8  }
0x32b: {  	v6 =	vcvt.f32.s32 v6;
	v10 =	vld [tilespmem:s9+$0x40]  }
0x32c: {  	[tilespmem:v11+s12+$0x0] =	vst.idx.add.f32.msk $0xffff, v1;
	v14 =	vadd.f32 $5.000000000e-01, v14;
	v12 =	vmul.f32 $8.192000000e+03, v12;
	v8 =	vtrunc.f32 v8  }
0x32d: {  	[tilespmem:v9+s12+$0x0] =	vst.idx.add.f32.msk $0xffff, v1;
	v8 =	vcvt.f32.s32 v8  }
0x32e: {  	v9 =	vtrunc.f32 v14;
	v11 =	vadd.f32 $5.000000000e-01, v12;
	v12 =	vld [tilespmem:s10+$0x20];
	v13 =	vmul.f32 $8.192000000e+03, v13  }
0x32f: {  	v14 =	vld [tilespmem:s25+$0x30];
	v9 =	vcvt.f32.s32 v9  }
0x330: {  	v10 =	vmul.f32 $8.192000000e+03, v10;
	v11 =	vtrunc.f32 v11;
	[tilespmem:v7+s12+$0x0] =	vst.idx.add.f32.msk $0xffff, v1;
	v7 =	vadd.f32 $5.000000000e-01, v13  }
0x331: {  	[tilespmem:v6+s12+$0x0] =	vst.idx.add.f32.msk $0xffff, v1;
	v11 =	vcvt.f32.s32 v11  }
0x332: {  	s24 =	sadd.s32 $0x800, s7;
	v13 =	vld [tilespmem:s11+$0x20];
	v10 =	vadd.f32 $5.000000000e-01, v10;
	v7 =	vtrunc.f32 v7  }
0x333: {  	s23 =	sor.u32 s18, s24;
	[tilespmem:v8+s12+$0x0] =	vst.idx.add.f32.msk $0xffff, v1;
	v6 =	vcvt.f32.s32 v7  }
0x334: {  	v7 =	vtrunc.f32 v10;
	v10 =	vmul.f32 $8.192000000e+03, v12;
	v8 =	vld [tilespmem:s23+$0x0]  }
0x335: {  	v15 =	vcvt.f32.s32 v7;
	[tilespmem:v9+s12+$0x0] =	vst.idx.add.f32.msk $0xffff, v1  }
0x336: {  	v7 =	vmul.f32 $8.192000000e+03, v14;
	v9 =	vld [tilespmem:s0+$0x70];
	v10 =	vadd.f32 $5.000000000e-01, v10  }
0x337: {  	v12 =	vmul.f32 $8.192000000e+03, v13;
	[tilespmem:v11+s12+$0x0] =	vst.idx.add.f32.msk $0xffff, v1  }
0x338: {  	v7 =	vadd.f32 $5.000000000e-01, v7;
	v14 =	vld [tilespmem:s16+$0x50];
	v10 =	vtrunc.f32 v10  }
0x339: {  	p0 =	sgt.s32 s6, $0xA;
	v11 =	vadd.f32 $5.000000000e-01, v12;
	v12 =	vcvt.f32.s32 v10;
	v8 =	vmul.f32 $8.192000000e+03, v8;
	[tilespmem:v6+s12+$0x0] =	vst.idx.add.f32.msk $0xffff, v1  }
.Ltmp10:
0x33a: {  	v6 =	vtrunc.f32 v7;
	v7 =	vld [tilespmem:s2+$0x60];
	(pc) =	sbr.rel @!p0 .LBB2_17-.Ltmp10, $4  }
0x33b: {  	v10 =	vtrunc.f32 v11;
	[tilespmem:v15+s12+$0x0] =	vst.idx.add.f32.msk $0xffff, v1;
	v15 =	vadd.f32 $5.000000000e-01, v8;
	v8 =	vcvt.f32.s32 v6  }
0x33c: {  	v9 =	vmul.f32 $8.192000000e+03, v9;
	v11 =	vcvt.f32.s32 v10  }
0x33d: {  	p6 =	por $0x1, $0x1;
	s30 =	smov.u32 s2;
	v13 =	vld [tilespmem:s9+$0x50]  }
0x33e: {  	s31 =	smov.u32 s25;
	s24 =	sor.u32 s1, s24;
	s0 =	simm.s32 $0xA;
	v6 =	vld [tilespmem:s4+$0x70];
	v14 =	vmul.f32 $8.192000000e+03, v14;
	v10 =	vadd.f32 $5.000000000e-01, v9;
	v9 =	vtrunc.f32 v15  }
.LBB2_18:
0x33f: {  	s1 =	sshrl.u32 s0, $0x3;
	[tilespmem:v12+s12+$0x0] =	vst.idx.add.f32.msk $0xffff, v1;
	v9 =	vcvt.f32.s32 v9  }
0x340: {  	s0 =	sadd.s32 $0x2, s0;
	s15 =	sadd.s32 $0x100, s15;
	s3 =	smul.u32 $0x3000, s1;
	v12 =	vadd.f32 $5.000000000e-01, v14;
	v14 =	vld [tilespmem:s10+$0x30];
	v10 =	vtrunc.f32 v10;
	v7 =	vmul.f32 $8.192000000e+03, v7  }
0x341: {  	s1 =	sand.u32 $0x300, s15;
	p0 =	slt.s32 s0, s6;
	v10 =	vcvt.f32.s32 v10;
	[tilespmem:v8+s12+$0x0] =	vst.idx.add.f32.msk $0xffff, v1  }
0x342: {  	s7 =	sshra.s32 s3, $0x2;
	s3 =	sor.u32 $0x80, s1;
	v8 =	vmul.f32 $8.192000000e+03, v13;
	v12 =	vtrunc.f32 v12;
	[tilespmem:v11+s12+$0x0] =	vst.idx.add.f32.msk $0xffff, v1;
	v7 =	vadd.f32 $5.000000000e-01, v7  }
0x343: {  	s18 =	sor.u32 s1, s7;
	s13 =	sor.u32 s3, s7;
	v11 =	vcvt.f32.s32 v12;
	v12 =	vld [tilespmem:s11+$0x30];
	v6 =	vmul.f32 $8.192000000e+03, v6  }
0x344: {  	v13 =	vld [tilespmem:s13+$0x0];
	v8 =	vadd.f32 $5.000000000e-01, v8;
	v7 =	vtrunc.f32 v7  }
0x345: {  	v14 =	vmul.f32 $8.192000000e+03, v14;
	[tilespmem:v9+s12+$0x0] =	vst.idx.add.f32.msk $0xffff, v1;
	v7 =	vcvt.f32.s32 v7;
	v6 =	vadd.f32 $5.000000000e-01, v6  }
0x346: {  	v8 =	vtrunc.f32 v8;
	v9 =	vld [tilespmem:s23+$0x10]  }
0x347: {  	v15 =	vld [tilespmem:s18+$0x0];
	v8 =	vcvt.f32.s32 v8;
	v14 =	vadd.f32 $5.000000000e-01, v14;
	v6 =	vtrunc.f32 v6  }
0x348: {  	v12 =	vmul.f32 $8.192000000e+03, v12;
	[tilespmem:v10+s12+$0x0] =	vst.idx.add.f32.msk $0xffff, v1;
	v6 =	vcvt.f32.s32 v6  }
0x349: {  	v10 =	vmul.f32 $8.192000000e+03, v13;
	[tilespmem:v11+s12+$0x0] =	vst.idx.add.f32.msk $0xffff, v1;
	v11 =	vtrunc.f32 v14  }
0x34a: {  	v13 =	vld [tilespmem:s16+$0x60];
	v12 =	vadd.f32 $5.000000000e-01, v12;
	v11 =	vcvt.f32.s32 v11  }
0x34b: {  	v10 =	vadd.f32 $5.000000000e-01, v10;
	v9 =	vmul.f32 $8.192000000e+03, v9;
	[tilespmem:v7+s12+$0x0] =	vst.idx.add.f32.msk $0xffff, v1  }
0x34c: {  	v7 =	vmul.f32 $8.192000000e+03, v15;
	v12 =	vtrunc.f32 v12;
	v14 =	vld [tilespmem:s30+$0x70];
	s30 =	smov.u32 s23  }
0x34d: {  	v10 =	vtrunc.f32 v10;
	[tilespmem:v8+s12+$0x0] =	vst.idx.add.f32.msk $0xffff, v1;
	v8 =	vcvt.f32.s32 v12;
	v9 =	vadd.f32 $5.000000000e-01, v9  }
0x34e: {  	v7 =	vadd.f32 $5.000000000e-01, v7;
	v10 =	vcvt.f32.s32 v10;
	v12 =	vld [tilespmem:s9+$0x60]  }
0x34f: {  	v13 =	vmul.f32 $8.192000000e+03, v13;
	v15 =	vld [tilespmem:s24+$0x0];
	v9 =	vtrunc.f32 v9  }
0x350: {  	v7 =	vtrunc.f32 v7;
	[tilespmem:v11+s12+$0x0] =	vst.idx.add.f32.msk $0xffff, v1;
	v9 =	vcvt.f32.s32 v9  }
0x351: {  	v7 =	vcvt.f32.s32 v7;
	v11 =	vadd.f32 $5.000000000e-01, v13;
	v13 =	vld [tilespmem:s10+$0x40];
	v14 =	vmul.f32 $8.192000000e+03, v14  }
0x352: {  	v16 =	vld [tilespmem:s31+$0x40]  }
0x353: {  	v12 =	vmul.f32 $8.192000000e+03, v12;
	v11 =	vtrunc.f32 v11;
	[tilespmem:v8+s12+$0x0] =	vst.idx.add.f32.msk $0xffff, v1;
	v8 =	vadd.f32 $5.000000000e-01, v14  }
0x354: {  	[tilespmem:v10+s12+$0x0] =	vst.idx.add.f32.msk $0xffff, v1;
	v10 =	vcvt.f32.s32 v11;
	v11 =	vmul.f32 $8.192000000e+03, v15  }
0x355: {  	v14 =	vld [tilespmem:s13+$0x10];
	v12 =	vadd.f32 $5.000000000e-01, v12;
	v8 =	vtrunc.f32 v8  }
0x356: {  	v13 =	vmul.f32 $8.192000000e+03, v13;
	v11 =	vadd.f32 $5.000000000e-01, v11;
	[tilespmem:v9+s12+$0x0] =	vst.idx.add.f32.msk $0xffff, v1;
	v8 =	vcvt.f32.s32 v8  }
0x357: {  	v9 =	vtrunc.f32 v12;
	v12 =	vld [tilespmem:s30+$0x20];
	v15 =	vmul.f32 $8.192000000e+03, v16  }
0x358: {  	[tilespmem:v7+s12+$0x0] =	vst.idx.add.f32.msk $0xffff, v1;
	v7 =	vcvt.f32.s32 v9;
	v9 =	vadd.f32 $5.000000000e-01, v13;
	v11 =	vtrunc.f32 v11  }
0x359: {  	v13 =	vld [tilespmem:s18+$0x10];
	v11 =	vcvt.f32.s32 v11;
	v15 =	vadd.f32 $5.000000000e-01, v15  }
0x35a: {  	v14 =	vmul.f32 $8.192000000e+03, v14;
	[tilespmem:v10+s12+$0x0] =	vst.idx.add.f32.msk $0xffff, v1;
	v9 =	vtrunc.f32 v9  }
0x35b: {  	v10 =	vld [tilespmem:s16+$0x70];
	v9 =	vcvt.f32.s32 v9;
	v15 =	vtrunc.f32 v15;
	s16 =	smov.u32 s13  }
0x35c: {  	v14 =	vadd.f32 $5.000000000e-01, v14;
	v12 =	vmul.f32 $8.192000000e+03, v12;
	v15 =	vcvt.f32.s32 v15;
	[tilespmem:v8+s12+$0x0] =	vst.idx.add.f32.msk $0xffff, v1  }
0x35d: {  	v8 =	vld [tilespmem:s11+$0x40]  }
0x35e: {  	v13 =	vmul.f32 $8.192000000e+03, v13;
	v14 =	vtrunc.f32 v14;
	[tilespmem:v7+s12+$0x0] =	vst.idx.add.f32.msk $0xffff, v1;
	v7 =	vadd.f32 $5.000000000e-01, v12  }
0x35f: {  	v12 =	vcvt.f32.s32 v14;
	v14 =	vld [tilespmem:s9+$0x70];
	s9 =	smov.u32 s18  }
0x360: {  	v13 =	vadd.f32 $5.000000000e-01, v13;
	[tilespmem:v11+s12+$0x0] =	vst.idx.add.f32.msk $0xffff, v1;
	v7 =	vtrunc.f32 v7  }
0x361: {  	v10 =	vmul.f32 $8.192000000e+03, v10;
	[tilespmem:v9+s12+$0x0] =	vst.idx.add.f32.msk $0xffff, v1;
	v7 =	vcvt.f32.s32 v7  }
0x362: {  	v9 =	vtrunc.f32 v13;
	v8 =	vmul.f32 $8.192000000e+03, v8;
	v11 =	vld [tilespmem:s10+$0x50]  }
0x363: {  	v10 =	vadd.f32 $5.000000000e-01, v10;
	v9 =	vcvt.f32.s32 v9;
	v13 =	vld [tilespmem:s24+$0x10]  }
0x364: {  	v14 =	vmul.f32 $8.192000000e+03, v14;
	v8 =	vadd.f32 $5.000000000e-01, v8;
	[tilespmem:v15+s12+$0x0] =	vst.idx.add.f32.msk $0xffff, v1  }
0x365: {  	v10 =	vtrunc.f32 v10;
	[tilespmem:v12+s12+$0x0] =	vst.idx.add.f32.msk $0xffff, v1  }
0x366: {  	v10 =	vcvt.f32.s32 v10;
	v12 =	vld [tilespmem:s16+$0x20];
	v14 =	vadd.f32 $5.000000000e-01, v14;
	v8 =	vtrunc.f32 v8  }
0x367: {  	v8 =	vcvt.f32.s32 v8;
	v11 =	vmul.f32 $8.192000000e+03, v11;
	[tilespmem:v7+s12+$0x0] =	vst.idx.add.f32.msk $0xffff, v1  }
0x368: {  	v7 =	vtrunc.f32 v14;
	v13 =	vmul.f32 $8.192000000e+03, v13;
	v14 =	vld [tilespmem:s30+$0x30]  }
0x369: {  	[tilespmem:v9+s12+$0x0] =	vst.idx.add.f32.msk $0xffff, v1;
	v7 =	vcvt.f32.s32 v7;
	v9 =	vadd.f32 $5.000000000e-01, v11  }
0x36a: {  	v11 =	vld [tilespmem:s9+$0x20];
	v13 =	vadd.f32 $5.000000000e-01, v13  }
0x36b: {  	s13 =	sadd.s32 $0x400, s28;
	v12 =	vmul.f32 $8.192000000e+03, v12;
	v9 =	vtrunc.f32 v9;
	v15 =	vld [tilespmem:s31+$0x50]  }
0x36c: {  	s18 =	sor.u32 s26, s13;
	s13 =	sor.u32 s29, s13;
	[tilespmem:v10+s12+$0x0] =	vst.idx.add.f32.msk $0xffff, v1;
	v9 =	vcvt.f32.s32 v9;
	v10 =	vtrunc.f32 v13  }
0x36d: {  	v12 =	vadd.f32 $5.000000000e-01, v12;
	v13 =	vld [tilespmem:s13+$0x0];
	v10 =	vcvt.f32.s32 v10;
	v14 =	vmul.f32 $8.192000000e+03, v14  }
0x36e: {  	[tilespmem:v8+s12+$0x0] =	vst.idx.add.f32.msk $0xffff, v1  }
0x36f: {  	v8 =	vmul.f32 $8.192000000e+03, v11;
	v11 =	vtrunc.f32 v12;
	[tilespmem:v7+s12+$0x0] =	vst.idx.add.f32.msk $0xffff, v1;
	v7 =	vadd.f32 $5.000000000e-01, v14  }
0x370: {  	v11 =	vcvt.f32.s32 v11;
	v12 =	vld [tilespmem:s18+$0x0];
	v14 =	vmul.f32 $8.192000000e+03, v15  }
0x371: {  	v8 =	vadd.f32 $5.000000000e-01, v8;
	v15 =	vld [tilespmem:s11+$0x50];
	v7 =	vtrunc.f32 v7  }
0x372: {  	v13 =	vmul.f32 $8.192000000e+03, v13;
	[tilespmem:v9+s12+$0x0] =	vst.idx.add.f32.msk $0xffff, v1;
	v7 =	vcvt.f32.s32 v7;
	v9 =	vadd.f32 $5.000000000e-01, v14  }
0x373: {  	v8 =	vtrunc.f32 v8;
	v14 =	vld [tilespmem:s10+$0x60]  }
0x374: {  	v8 =	vcvt.f32.s32 v8;
	v13 =	vadd.f32 $5.000000000e-01, v13;
	[tilespmem:v10+s12+$0x0] =	vst.idx.add.f32.msk $0xffff, v1;
	v9 =	vtrunc.f32 v9  }
0x375: {  	v10 =	vmul.f32 $8.192000000e+03, v12;
	v12 =	vld [tilespmem:s24+$0x20];
	v9 =	vcvt.f32.s32 v9  }
0x376: {  	[tilespmem:v11+s12+$0x0] =	vst.idx.add.f32.msk $0xffff, v1;
	v11 =	vtrunc.f32 v13;
	v13 =	vmul.f32 $8.192000000e+03, v15  }
0x377: {  	v15 =	vld [tilespmem:s16+$0x30];
	v10 =	vadd.f32 $5.000000000e-01, v10;
	v11 =	vcvt.f32.s32 v11  }
0x378: {  	v13 =	vadd.f32 $5.000000000e-01, v13;
	v14 =	vmul.f32 $8.192000000e+03, v14;
	[tilespmem:v7+s12+$0x0] =	vst.idx.add.f32.msk $0xffff, v1  }
0x379: {  	v7 =	vtrunc.f32 v10;
	v10 =	vld [tilespmem:s30+$0x40]  }
0x37a: {  	[tilespmem:v8+s12+$0x0] =	vst.idx.add.f32.msk $0xffff, v1;
	v7 =	vcvt.f32.s32 v7;
	v8 =	vtrunc.f32 v13;
	v13 =	vadd.f32 $5.000000000e-01, v14  }
0x37b: {  	v12 =	vmul.f32 $8.192000000e+03, v12;
	v14 =	vld [tilespmem:s9+$0x30];
	v8 =	vcvt.f32.s32 v8  }
0x37c: {  	v15 =	vmul.f32 $8.192000000e+03, v15;
	v13 =	vtrunc.f32 v13;
	[tilespmem:v9+s12+$0x0] =	vst.idx.add.f32.msk $0xffff, v1  }
0x37d: {  	[tilespmem:v11+s12+$0x0] =	vst.idx.add.f32.msk $0xffff, v1;
	v9 =	vcvt.f32.s32 v13;
	v11 =	vadd.f32 $5.000000000e-01, v12  }
0x37e: {  	v12 =	vadd.f32 $5.000000000e-01, v15;
	v13 =	vld [tilespmem:s13+$0x10];
	v10 =	vmul.f32 $8.192000000e+03, v10  }
0x37f: {  	v11 =	vtrunc.f32 v11;
	v15 =	vld [tilespmem:s31+$0x60]  }
0x380: {  	v14 =	vmul.f32 $8.192000000e+03, v14;
	v12 =	vtrunc.f32 v12;
	[tilespmem:v7+s12+$0x0] =	vst.idx.add.f32.msk $0xffff, v1;
	v7 =	vadd.f32 $5.000000000e-01, v10  }
0x381: {  	v11 =	vcvt.f32.s32 v11;
	v10 =	vcvt.f32.s32 v12;
	v12 =	vld [tilespmem:s18+$0x10]  }
0x382: {  	v14 =	vadd.f32 $5.000000000e-01, v14;
	[tilespmem:v8+s12+$0x0] =	vst.idx.add.f32.msk $0xffff, v1;
	v7 =	vtrunc.f32 v7  }
0x383: {  	v8 =	vmul.f32 $8.192000000e+03, v13;
	[tilespmem:v9+s12+$0x0] =	vst.idx.add.f32.msk $0xffff, v1;
	v7 =	vcvt.f32.s32 v7  }
0x384: {  	v9 =	vtrunc.f32 v14;
	v13 =	vld [tilespmem:s10+$0x70];
	v14 =	vmul.f32 $8.192000000e+03, v15;
	s10 =	smov.u32 s13  }
0x385: {  	v9 =	vcvt.f32.s32 v9;
	v8 =	vadd.f32 $5.000000000e-01, v8;
	v15 =	vld [tilespmem:s11+$0x60]  }
0x386: {  	v12 =	vmul.f32 $8.192000000e+03, v12;
	v14 =	vadd.f32 $5.000000000e-01, v14;
	[tilespmem:v6+s12+$0x0] =	vst.idx.add.f32.msk $0xffff, v1  }
0x387: {  	[tilespmem:v10+s12+$0x0] =	vst.idx.add.f32.msk $0xffff, v1;
	v6 =	vtrunc.f32 v8  }
0x388: {  	v8 =	vld [tilespmem:s16+$0x40];
	v10 =	vadd.f32 $5.000000000e-01, v12;
	v6 =	vcvt.f32.s32 v6;
	v12 =	vtrunc.f32 v14  }
0x389: {  	v13 =	vmul.f32 $8.192000000e+03, v13;
	[tilespmem:v7+s12+$0x0] =	vst.idx.add.f32.msk $0xffff, v1;
	v7 =	vcvt.f32.s32 v12  }
0x38a: {  	v10 =	vtrunc.f32 v10;
	v12 =	vmul.f32 $8.192000000e+03, v15;
	v14 =	vld [tilespmem:s30+$0x50]  }
0x38b: {  	[tilespmem:v9+s12+$0x0] =	vst.idx.add.f32.msk $0xffff, v1;
	v9 =	vcvt.f32.s32 v10;
	v10 =	vadd.f32 $5.000000000e-01, v13  }
0x38c: {  	v13 =	vld [tilespmem:s9+$0x40];
	v12 =	vadd.f32 $5.000000000e-01, v12  }
0x38d: {  	v8 =	vmul.f32 $8.192000000e+03, v8;
	v10 =	vtrunc.f32 v10;
	[tilespmem:v11+s12+$0x0] =	vst.idx.add.f32.msk $0xffff, v1  }
0x38e: {  	[tilespmem:v6+s12+$0x0] =	vst.idx.add.f32.msk $0xffff, v1;
	v6 =	vtrunc.f32 v12;
	v10 =	vcvt.f32.s32 v10  }
0x38f: {  	v8 =	vadd.f32 $5.000000000e-01, v8;
	v11 =	vld [tilespmem:s10+$0x20];
	v6 =	vcvt.f32.s32 v6;
	v12 =	vmul.f32 $8.192000000e+03, v14  }
0x390: {  	v14 =	vld [tilespmem:s24+$0x30]  }
0x391: {  	v13 =	vmul.f32 $8.192000000e+03, v13;
	v8 =	vtrunc.f32 v8;
	[tilespmem:v9+s12+$0x0] =	vst.idx.add.f32.msk $0xffff, v1;
	v9 =	vadd.f32 $5.000000000e-01, v12  }
0x392: {  	v8 =	vcvt.f32.s32 v8;
	v12 =	vld [tilespmem:s18+$0x20]  }
0x393: {  	s13 =	sadd.s32 $0x800, s21;
	s21 =	smov.u32 s28;
	s28 =	smov.u32 s7;
	v13 =	vadd.f32 $5.000000000e-01, v13;
	v9 =	vtrunc.f32 v9;
	[tilespmem:v7+s12+$0x0] =	vst.idx.add.f32.msk $0xffff, v1  }
0x394: {  	s7 =	sor.u32 s20, s13;
	s23 =	sor.u32 s22, s13;
	s20 =	smov.u32 s26;
	v7 =	vmul.f32 $8.192000000e+03, v11;
	[tilespmem:v10+s12+$0x0] =	vst.idx.add.f32.msk $0xffff, v1;
	v9 =	vcvt.f32.s32 v9  }
0x395: {  	s26 =	smov.u32 s1;
	s22 =	smov.u32 s29;
	s29 =	smov.u32 s3;
	v10 =	vtrunc.f32 v13;
	v11 =	vld [tilespmem:s23+$0x0];
	v13 =	vmul.f32 $8.192000000e+03, v14  }
0x396: {  	v10 =	vcvt.f32.s32 v10;
	v7 =	vadd.f32 $5.000000000e-01, v7;
	[tilespmem:v6+s12+$0x0] =	vst.idx.add.f32.msk $0xffff, v1  }
0x397: {  	v6 =	vmul.f32 $8.192000000e+03, v12;
	v14 =	vld [tilespmem:s11+$0x70];
	v13 =	vadd.f32 $5.000000000e-01, v13;
	s11 =	smov.u32 s18  }
0x398: {  	[tilespmem:v8+s12+$0x0] =	vst.idx.add.f32.msk $0xffff, v1;
	v7 =	vtrunc.f32 v7  }
0x399: {  	v15 =	vld [tilespmem:s16+$0x50];
	v6 =	vadd.f32 $5.000000000e-01, v6;
	v12 =	vcvt.f32.s32 v7;
	v7 =	vtrunc.f32 v13  }
.Ltmp11:
0x39a: {  	v13 =	vmul.f32 $8.192000000e+03, v11;
	v8 =	vcvt.f32.s32 v7;
	[tilespmem:v9+s12+$0x0] =	vst.idx.add.f32.msk $0xffff, v1;
	(pc) =	sbr.rel @p0 .LBB2_18-.Ltmp11, $4  }
0x39b: {  	v6 =	vtrunc.f32 v6;
	v7 =	vld [tilespmem:s30+$0x60]  }
0x39c: {  	[tilespmem:v10+s12+$0x0] =	vst.idx.add.f32.msk $0xffff, v1;
	v11 =	vcvt.f32.s32 v6;
	v6 =	vmul.f32 $8.192000000e+03, v14;
	v9 =	vadd.f32 $5.000000000e-01, v13  }
0x39d: {  	v13 =	vld [tilespmem:s9+$0x50]  }
0x39e: {  	v14 =	vmul.f32 $8.192000000e+03, v15;
	v10 =	vadd.f32 $5.000000000e-01, v6;
	v9 =	vtrunc.f32 v9;
	v6 =	vld [tilespmem:s31+$0x70];
	s31 =	smov.u32 s24;
	s24 =	smov.u32 s7  }
0x39f: {  	s3 =	smov.u32 s10  }
0x3a0: {  	s0 =	smov.u32 s11;
	s10 =	smov.u32 s16;
	s11 =	smov.u32 s9  }
.LBB2_20:
0x3a1: {  	_ = 	snop  }
0x3a2: {  	v14 =	vadd.f32 $5.000000000e-01, v14;
	v13 =	vmul.f32 $8.192000000e+03, v13;
	_ =	sdelay $0x1  }
0x3a3: {  	v14 =	vtrunc.f32 v14;
	v13 =	vadd.f32 $5.000000000e-01, v13  }
0x3a4: {  	v14 =	vcvt.f32.s32 v14  }
0x3a5: {  	v13 =	vtrunc.f32 v13  }
0x3a6: {  	v13 =	vcvt.f32.s32 v13;
	_ =	sdelay $0x3  }
0x3a7: {  	[tilespmem:v14+s12+$0x0] =	vst.idx.add.f32.msk $0xffff, v1  }
0x3a8: {  	v14 =	vld [tilespmem:s10+$0x60]  }
0x3a9: {  	[tilespmem:v13+s12+$0x0] =	vst.idx.add.f32.msk $0xffff, v1  }
0x3aa: {  	v13 =	vld [tilespmem:s11+$0x60];
	_ =	sdelay $0x2  }
0x3ab: {  	v14 =	vmul.f32 $8.192000000e+03, v14;
	_ =	sdelay $0x1  }
0x3ac: {  	v14 =	vadd.f32 $5.000000000e-01, v14;
	v13 =	vmul.f32 $8.192000000e+03, v13;
	_ =	sdelay $0x1  }
0x3ad: {  	v14 =	vtrunc.f32 v14;
	v13 =	vadd.f32 $5.000000000e-01, v13  }
0x3ae: {  	v14 =	vcvt.f32.s32 v14  }
0x3af: {  	v13 =	vtrunc.f32 v13  }
0x3b0: {  	v13 =	vcvt.f32.s32 v13;
	_ =	sdelay $0x3  }
0x3b1: {  	[tilespmem:v14+s12+$0x0] =	vst.idx.add.f32.msk $0xffff, v1  }
0x3b2: {  	v14 =	vld [tilespmem:s10+$0x70]  }
0x3b3: {  	[tilespmem:v13+s12+$0x0] =	vst.idx.add.f32.msk $0xffff, v1  }
0x3b4: {  	v13 =	vld [tilespmem:s11+$0x70];
	_ =	sdelay $0x2  }
0x3b5: {  	v14 =	vmul.f32 $8.192000000e+03, v14;
	_ =	sdelay $0x1  }
0x3b6: {  	v14 =	vadd.f32 $5.000000000e-01, v14;
	v13 =	vmul.f32 $8.192000000e+03, v13;
	_ =	sdelay $0x1  }
0x3b7: {  	v14 =	vtrunc.f32 v14;
	v13 =	vadd.f32 $5.000000000e-01, v13  }
0x3b8: {  	v14 =	vcvt.f32.s32 v14  }
0x3b9: {  	v13 =	vtrunc.f32 v13  }
0x3ba: {  	v13 =	vcvt.f32.s32 v13;
	_ =	sdelay $0x2  }
0x3bb: {  	s1 =	sadd.s32 $0x400, s28  }
0x3bc: {  	s7 =	sor.u32 s29, s1;
	[tilespmem:v14+s12+$0x0] =	vst.idx.add.f32.msk $0xffff, v1  }
0x3bd: {  	v14 =	vld [tilespmem:s7+$0x0]  }
0x3be: {  	s1 =	sor.u32 s26, s1;
	[tilespmem:v13+s12+$0x0] =	vst.idx.add.f32.msk $0xffff, v1  }
0x3bf: {  	v13 =	vld [tilespmem:s1+$0x0];
	_ =	sdelay $0x2  }
0x3c0: {  	v14 =	vmul.f32 $8.192000000e+03, v14;
	_ =	sdelay $0x1  }
0x3c1: {  	v14 =	vadd.f32 $5.000000000e-01, v14;
	v13 =	vmul.f32 $8.192000000e+03, v13;
	_ =	sdelay $0x1  }
0x3c2: {  	v14 =	vtrunc.f32 v14;
	v13 =	vadd.f32 $5.000000000e-01, v13  }
0x3c3: {  	v14 =	vcvt.f32.s32 v14  }
0x3c4: {  	v13 =	vtrunc.f32 v13  }
0x3c5: {  	v13 =	vcvt.f32.s32 v13;
	_ =	sdelay $0x3  }
0x3c6: {  	[tilespmem:v14+s12+$0x0] =	vst.idx.add.f32.msk $0xffff, v1  }
0x3c7: {  	v14 =	vld [tilespmem:s7+$0x10]  }
0x3c8: {  	[tilespmem:v13+s12+$0x0] =	vst.idx.add.f32.msk $0xffff, v1  }
0x3c9: {  	v13 =	vld [tilespmem:s1+$0x10];
	_ =	sdelay $0x2  }
0x3ca: {  	v14 =	vmul.f32 $8.192000000e+03, v14;
	_ =	sdelay $0x1  }
0x3cb: {  	v14 =	vadd.f32 $5.000000000e-01, v14;
	v13 =	vmul.f32 $8.192000000e+03, v13;
	_ =	sdelay $0x1  }
0x3cc: {  	v14 =	vtrunc.f32 v14;
	v13 =	vadd.f32 $5.000000000e-01, v13  }
0x3cd: {  	v14 =	vcvt.f32.s32 v14  }
0x3ce: {  	v13 =	vtrunc.f32 v13  }
0x3cf: {  	v13 =	vcvt.f32.s32 v13;
	_ =	sdelay $0x3  }
0x3d0: {  	[tilespmem:v14+s12+$0x0] =	vst.idx.add.f32.msk $0xffff, v1  }
0x3d1: {  	v14 =	vld [tilespmem:s7+$0x20]  }
0x3d2: {  	[tilespmem:v13+s12+$0x0] =	vst.idx.add.f32.msk $0xffff, v1  }
0x3d3: {  	v13 =	vld [tilespmem:s1+$0x20];
	_ =	sdelay $0x2  }
0x3d4: {  	v14 =	vmul.f32 $8.192000000e+03, v14;
	_ =	sdelay $0x1  }
0x3d5: {  	v14 =	vadd.f32 $5.000000000e-01, v14;
	v13 =	vmul.f32 $8.192000000e+03, v13;
	_ =	sdelay $0x1  }
0x3d6: {  	v14 =	vtrunc.f32 v14;
	v13 =	vadd.f32 $5.000000000e-01, v13  }
0x3d7: {  	[tilespmem:v12+s12+$0x0] =	vst.idx.add.f32.msk @p3 $0xffff, v1;
	v37 =	vcvt.f32.s32 v14  }
0x3d8: {  	v14 =	vld @p3 [tilespmem:s3+$0x30];
	v13 =	vtrunc.f32 v13  }
0x3d9: {  	[tilespmem:v11+s12+$0x0] =	vst.idx.add.f32.msk @p3 $0xffff, v1;
	v38 =	vcvt.f32.s32 v13  }
0x3da: {  	v13 =	vld @p3 [tilespmem:s0+$0x30];
	_ =	sdelay $0x2  }
0x3db: {  	v14 =	vmul.f32 @p3 $8.192000000e+03, v14;
	[tilespmem:v37+s12+$0x0] =	vst.idx.add.f32.msk $0xffff, v1  }
0x3dc: {  	v12 =	vld [tilespmem:s7+$0x30]  }
0x3dd: {  	v14 =	vadd.f32 @p3 $5.000000000e-01, v14;
	v13 =	vmul.f32 @p3 $8.192000000e+03, v13;
	[tilespmem:v38+s12+$0x0] =	vst.idx.add.f32.msk $0xffff, v1  }
0x3de: {  	v11 =	vld [tilespmem:s1+$0x30]  }
0x3df: {  	v14 =	vtrunc.f32 @p3 v14;
	v13 =	vadd.f32 @p3 $5.000000000e-01, v13  }
0x3e0: {  	v14 =	vcvt.f32.s32 @p3 v14  }
0x3e1: {  	v13 =	vtrunc.f32 @p3 v13;
	v12 =	vmul.f32 $8.192000000e+03, v12  }
0x3e2: {  	v13 =	vcvt.f32.s32 @p3 v13  }
0x3e3: {  	v12 =	vadd.f32 $5.000000000e-01, v12;
	v11 =	vmul.f32 $8.192000000e+03, v11;
	_ =	sdelay $0x1  }
0x3e4: {  	v12 =	vtrunc.f32 v12;
	v11 =	vadd.f32 $5.000000000e-01, v11  }
0x3e5: {  	[tilespmem:v14+s12+$0x0] =	vst.idx.add.f32.msk @p3 $0xffff, v1;
	v12 =	vcvt.f32.s32 v12  }
0x3e6: {  	v14 =	vld @p3 [tilespmem:s3+$0x40];
	v11 =	vtrunc.f32 v11  }
0x3e7: {  	[tilespmem:v13+s12+$0x0] =	vst.idx.add.f32.msk @p3 $0xffff, v1;
	v11 =	vcvt.f32.s32 v11  }
0x3e8: {  	v13 =	vld @p3 [tilespmem:s0+$0x40];
	_ =	sdelay $0x2  }
0x3e9: {  	v14 =	vmul.f32 @p3 $8.192000000e+03, v14;
	[tilespmem:v12+s12+$0x0] =	vst.idx.add.f32.msk $0xffff, v1  }
0x3ea: {  	v12 =	vld [tilespmem:s7+$0x40]  }
0x3eb: {  	v14 =	vadd.f32 @p3 $5.000000000e-01, v14;
	v13 =	vmul.f32 @p3 $8.192000000e+03, v13;
	[tilespmem:v11+s12+$0x0] =	vst.idx.add.f32.msk $0xffff, v1  }
0x3ec: {  	v11 =	vld [tilespmem:s1+$0x40]  }
0x3ed: {  	v14 =	vtrunc.f32 @p3 v14;
	v13 =	vadd.f32 @p3 $5.000000000e-01, v13  }
0x3ee: {  	v14 =	vcvt.f32.s32 @p3 v14  }
0x3ef: {  	v13 =	vtrunc.f32 @p3 v13;
	v12 =	vmul.f32 $8.192000000e+03, v12  }
0x3f0: {  	v13 =	vcvt.f32.s32 @p3 v13  }
0x3f1: {  	v12 =	vadd.f32 $5.000000000e-01, v12;
	v11 =	vmul.f32 $8.192000000e+03, v11;
	_ =	sdelay $0x1  }
0x3f2: {  	v12 =	vtrunc.f32 v12;
	v11 =	vadd.f32 $5.000000000e-01, v11  }
0x3f3: {  	[tilespmem:v14+s12+$0x0] =	vst.idx.add.f32.msk @p3 $0xffff, v1;
	v12 =	vcvt.f32.s32 v12  }
0x3f4: {  	v14 =	vld @p3 [tilespmem:s3+$0x50];
	v11 =	vtrunc.f32 v11  }
0x3f5: {  	[tilespmem:v13+s12+$0x0] =	vst.idx.add.f32.msk @p3 $0xffff, v1;
	v11 =	vcvt.f32.s32 v11  }
0x3f6: {  	v13 =	vld @p3 [tilespmem:s0+$0x50];
	_ =	sdelay $0x2  }
0x3f7: {  	v14 =	vmul.f32 @p3 $8.192000000e+03, v14;
	[tilespmem:v12+s12+$0x0] =	vst.idx.add.f32.msk $0xffff, v1  }
0x3f8: {  	v12 =	vld [tilespmem:s7+$0x50]  }
0x3f9: {  	v14 =	vadd.f32 @p3 $5.000000000e-01, v14;
	v13 =	vmul.f32 @p3 $8.192000000e+03, v13;
	[tilespmem:v11+s12+$0x0] =	vst.idx.add.f32.msk $0xffff, v1  }
0x3fa: {  	v11 =	vld [tilespmem:s1+$0x50]  }
0x3fb: {  	v14 =	vtrunc.f32 @p3 v14;
	v13 =	vadd.f32 @p3 $5.000000000e-01, v13  }
0x3fc: {  	v14 =	vcvt.f32.s32 @p3 v14  }
0x3fd: {  	v13 =	vtrunc.f32 @p3 v13;
	v12 =	vmul.f32 $8.192000000e+03, v12  }
0x3fe: {  	v13 =	vcvt.f32.s32 @p3 v13  }
0x3ff: {  	v12 =	vadd.f32 $5.000000000e-01, v12;
	v11 =	vmul.f32 $8.192000000e+03, v11;
	_ =	sdelay $0x1  }
0x400: {  	v12 =	vtrunc.f32 v12;
	v11 =	vadd.f32 $5.000000000e-01, v11  }
0x401: {  	[tilespmem:v14+s12+$0x0] =	vst.idx.add.f32.msk @p3 $0xffff, v1;
	v12 =	vcvt.f32.s32 v12  }
0x402: {  	v14 =	vld @p3 [tilespmem:s3+$0x60];
	v11 =	vtrunc.f32 v11  }
0x403: {  	[tilespmem:v13+s12+$0x0] =	vst.idx.add.f32.msk @p3 $0xffff, v1;
	v11 =	vcvt.f32.s32 v11  }
0x404: {  	v13 =	vld @p3 [tilespmem:s0+$0x60];
	_ =	sdelay $0x2  }
0x405: {  	v14 =	vmul.f32 @p3 $8.192000000e+03, v14;
	[tilespmem:v12+s12+$0x0] =	vst.idx.add.f32.msk $0xffff, v1  }
0x406: {  	v12 =	vld [tilespmem:s7+$0x60]  }
0x407: {  	v14 =	vadd.f32 @p3 $5.000000000e-01, v14;
	v13 =	vmul.f32 @p3 $8.192000000e+03, v13;
	[tilespmem:v11+s12+$0x0] =	vst.idx.add.f32.msk $0xffff, v1  }
0x408: {  	v11 =	vld [tilespmem:s1+$0x60]  }
0x409: {  	v14 =	vtrunc.f32 @p3 v14;
	v13 =	vadd.f32 @p3 $5.000000000e-01, v13  }
0x40a: {  	v14 =	vcvt.f32.s32 @p3 v14  }
0x40b: {  	v13 =	vtrunc.f32 @p3 v13;
	v12 =	vmul.f32 $8.192000000e+03, v12  }
0x40c: {  	v13 =	vcvt.f32.s32 @p3 v13  }
0x40d: {  	v12 =	vadd.f32 $5.000000000e-01, v12;
	v11 =	vmul.f32 $8.192000000e+03, v11;
	_ =	sdelay $0x1  }
0x40e: {  	v12 =	vtrunc.f32 v12;
	v11 =	vadd.f32 $5.000000000e-01, v11  }
0x40f: {  	[tilespmem:v14+s12+$0x0] =	vst.idx.add.f32.msk @p3 $0xffff, v1;
	v12 =	vcvt.f32.s32 v12  }
0x410: {  	v14 =	vld @p3 [tilespmem:s3+$0x70];
	v11 =	vtrunc.f32 v11  }
0x411: {  	[tilespmem:v13+s12+$0x0] =	vst.idx.add.f32.msk @p3 $0xffff, v1;
	v11 =	vcvt.f32.s32 v11  }
0x412: {  	v13 =	vld @p3 [tilespmem:s0+$0x70];
	_ =	sdelay $0x2  }
0x413: {  	v14 =	vmul.f32 @p3 $8.192000000e+03, v14;
	[tilespmem:v12+s12+$0x0] =	vst.idx.add.f32.msk $0xffff, v1  }
0x414: {  	v12 =	vld [tilespmem:s7+$0x70]  }
0x415: {  	v10 =	vtrunc.f32 @p4 v10;
	v14 =	vadd.f32 @p3 $5.000000000e-01, v14;
	v13 =	vmul.f32 @p3 $8.192000000e+03, v13;
	[tilespmem:v11+s12+$0x0] =	vst.idx.add.f32.msk $0xffff, v1  }
0x416: {  	v10 =	vcvt.f32.s32 @p4 v10;
	v11 =	vld [tilespmem:s1+$0x70]  }
0x417: {  	v14 =	vtrunc.f32 @p3 v14;
	v13 =	vadd.f32 @p3 $5.000000000e-01, v13  }
0x418: {  	v14 =	vcvt.f32.s32 @p3 v14  }
0x419: {  	v5 =	vpsel p3, v13, v5;
	v12 =	vmul.f32 $8.192000000e+03, v12  }
0x41a: {  	v5 =	vtrunc.f32 @p3 v5  }
0x41b: {  	v5 =	vcvt.f32.s32 @p3 v5;
	v12 =	vadd.f32 $5.000000000e-01, v12;
	v11 =	vmul.f32 $8.192000000e+03, v11  }
0x41c: {  	[tilespmem:v10+s12+$0x0] =	vst.idx.add.f32.msk @p4 $0xffff, v1  }
0x41d: {  	v10 =	vld @p4 [tilespmem:s24+$0x0];
	s0 =	sadd.s32 @p3 $0x800, s21;
	v12 =	vtrunc.f32 v12;
	v11 =	vadd.f32 $5.000000000e-01, v11  }
0x41e: {  	s3 =	sor.u32 @p3 s22, s0;
	[tilespmem:v14+s12+$0x0] =	vst.idx.add.f32.msk @p3 $0xffff, v1;
	v12 =	vcvt.f32.s32 v12  }
0x41f: {  	v13 =	vld @p3 [tilespmem:s3+$0x0];
	v11 =	vtrunc.f32 v11  }
0x420: {  	s0 =	sor.u32 @p3 s20, s0;
	v11 =	vcvt.f32.s32 v11  }
0x421: {  	s25 =	smov.u32 @p3 s0;
	[tilespmem:v5+s12+$0x0] =	vst.idx.add.f32.msk @p3 $0xffff, v1  }
0x422: {  	v5 =	vmul.f32 @p4 $8.192000000e+03, v10;
	v10 =	vld @p3 [tilespmem:s25+$0x0]  }
0x423: {  	s28 =	sadd.s32 $0x800, s28  }
0x424: {  	s29 =	sor.u32 s29, s28;
	v5 =	vadd.f32 @p4 $5.000000000e-01, v5;
	v13 =	vmul.f32 @p3 $8.192000000e+03, v13;
	[tilespmem:v12+s12+$0x0] =	vst.idx.add.f32.msk $0xffff, v1  }
0x425: {  	v9 =	vcvt.f32.s32 @p4 v9;
	v12 =	vld [tilespmem:s29+$0x0]  }
0x426: {  	s0 =	sor.u32 s26, s28;
	v5 =	vtrunc.f32 @p4 v5;
	v13 =	vadd.f32 @p3 $5.000000000e-01, v13;
	[tilespmem:v11+s12+$0x0] =	vst.idx.add.f32.msk $0xffff, v1  }
0x427: {  	v5 =	vcvt.f32.s32 @p4 v5;
	v10 =	vmul.f32 @p3 $8.192000000e+03, v10;
	v11 =	vld [tilespmem:s0+$0x0]  }
0x428: {  	v13 =	vtrunc.f32 @p3 v13  }
0x429: {  	v4 =	vpsel p3, v13, v4;
	v10 =	vadd.f32 @p3 $5.000000000e-01, v10  }
0x42a: {  	v4 =	vcvt.f32.s32 @p3 v4;
	v12 =	vmul.f32 $8.192000000e+03, v12  }
0x42b: {  	[tilespmem:v9+s12+$0x0] =	vst.idx.add.f32.msk @p4 $0xffff, v1;
	v9 =	vtrunc.f32 @p3 v10  }
0x42c: {  	v10 =	vld @p4 [tilespmem:s23+$0x10];
	v9 =	vcvt.f32.s32 @p3 v9;
	v12 =	vadd.f32 $5.000000000e-01, v12;
	v11 =	vmul.f32 $8.192000000e+03, v11  }
0x42d: {  	[tilespmem:v5+s12+$0x0] =	vst.idx.add.f32.msk @p4 $0xffff, v1  }
0x42e: {  	v5 =	vld @p4 [tilespmem:s24+$0x10];
	v12 =	vtrunc.f32 v12;
	v11 =	vadd.f32 $5.000000000e-01, v11  }
0x42f: {  	v12 =	vcvt.f32.s32 v12  }
0x430: {  	s2 =	smov.u32 @p3 s3;
	[tilespmem:v4+s12+$0x0] =	vst.idx.add.f32.msk @p3 $0xffff, v1;
	v39 =	vtrunc.f32 v11  }
0x431: {  	v10 =	vmul.f32 @p4 $8.192000000e+03, v10;
	v11 =	vld @p3 [tilespmem:s2+$0x10];
	v4 =	vcvt.f32.s32 v39  }
0x432: {  	[tilespmem:v9+s12+$0x0] =	vst.idx.add.f32.msk @p3 $0xffff, v1  }
0x433: {  	v9 =	vadd.f32 @p4 $5.000000000e-01, v10;
	v5 =	vmul.f32 @p4 $8.192000000e+03, v5;
	v10 =	vld @p3 [tilespmem:s25+$0x10];
	_ =	sdelay $0x1  }
0x434: {  	v9 =	vtrunc.f32 @p4 v9;
	v5 =	vadd.f32 @p4 $5.000000000e-01, v5;
	[tilespmem:v12+s12+$0x0] =	vst.idx.add.f32.msk $0xffff, v1  }
0x435: {  	v9 =	vcvt.f32.s32 @p4 v9;
	v11 =	vmul.f32 @p3 $8.192000000e+03, v11;
	v12 =	vld [tilespmem:s29+$0x10]  }
0x436: {  	v5 =	vtrunc.f32 @p4 v5;
	[tilespmem:v4+s12+$0x0] =	vst.idx.add.f32.msk $0xffff, v1  }
0x437: {  	v4 =	vcvt.f32.s32 @p4 v5;
	v5 =	vadd.f32 @p3 $5.000000000e-01, v11;
	v10 =	vmul.f32 @p3 $8.192000000e+03, v10;
	v40 =	vld [tilespmem:s0+$0x10];
	_ =	sdelay $0x1  }
0x438: {  	v5 =	vtrunc.f32 @p3 v5;
	v10 =	vadd.f32 @p3 $5.000000000e-01, v10  }
0x439: {  	v5 =	vcvt.f32.s32 @p3 v5;
	v12 =	vmul.f32 $8.192000000e+03, v12  }
0x43a: {  	s3 =	smov.u32 @p4 s23;
	[tilespmem:v9+s12+$0x0] =	vst.idx.add.f32.msk @p4 $0xffff, v1;
	v9 =	vtrunc.f32 @p3 v10  }
0x43b: {  	v10 =	vld @p4 [tilespmem:s3+$0x20];
	v9 =	vcvt.f32.s32 @p3 v9;
	v12 =	vadd.f32 $5.000000000e-01, v12;
	v11 =	vmul.f32 $8.192000000e+03, v40  }
0x43c: {  	[tilespmem:v4+s12+$0x0] =	vst.idx.add.f32.msk @p4 $0xffff, v1  }
0x43d: {  	v4 =	vld @p4 [tilespmem:s24+$0x20];
	v12 =	vtrunc.f32 v12;
	v11 =	vadd.f32 $5.000000000e-01, v11  }
0x43e: {  	v12 =	vcvt.f32.s32 v12  }
0x43f: {  	[tilespmem:v5+s12+$0x0] =	vst.idx.add.f32.msk @p3 $0xffff, v1;
	v41 =	vtrunc.f32 v11  }
0x440: {  	v10 =	vmul.f32 @p4 $8.192000000e+03, v10;
	v11 =	vld @p3 [tilespmem:s2+$0x20];
	v5 =	vcvt.f32.s32 v41  }
0x441: {  	[tilespmem:v9+s12+$0x0] =	vst.idx.add.f32.msk @p3 $0xffff, v1  }
0x442: {  	v9 =	vadd.f32 @p4 $5.000000000e-01, v10;
	v4 =	vmul.f32 @p4 $8.192000000e+03, v4;
	v10 =	vld @p3 [tilespmem:s25+$0x20];
	_ =	sdelay $0x1  }
0x443: {  	v9 =	vtrunc.f32 @p4 v9;
	v4 =	vadd.f32 @p4 $5.000000000e-01, v4;
	[tilespmem:v12+s12+$0x0] =	vst.idx.add.f32.msk $0xffff, v1  }
0x444: {  	v9 =	vcvt.f32.s32 @p4 v9;
	v11 =	vmul.f32 @p3 $8.192000000e+03, v11;
	v12 =	vld [tilespmem:s29+$0x20]  }
0x445: {  	v4 =	vtrunc.f32 @p4 v4;
	[tilespmem:v5+s12+$0x0] =	vst.idx.add.f32.msk $0xffff, v1  }
0x446: {  	v4 =	vcvt.f32.s32 @p4 v4;
	v5 =	vadd.f32 @p3 $5.000000000e-01, v11;
	v10 =	vmul.f32 @p3 $8.192000000e+03, v10;
	v42 =	vld [tilespmem:s0+$0x20];
	_ =	sdelay $0x1  }
0x447: {  	v5 =	vtrunc.f32 @p3 v5;
	v10 =	vadd.f32 @p3 $5.000000000e-01, v10  }
0x448: {  	v5 =	vcvt.f32.s32 @p3 v5;
	v12 =	vmul.f32 $8.192000000e+03, v12  }
0x449: {  	[tilespmem:v9+s12+$0x0] =	vst.idx.add.f32.msk @p4 $0xffff, v1;
	v9 =	vtrunc.f32 @p3 v10  }
0x44a: {  	v10 =	vld @p4 [tilespmem:s3+$0x30];
	v9 =	vcvt.f32.s32 @p3 v9;
	v12 =	vadd.f32 $5.000000000e-01, v12;
	v11 =	vmul.f32 $8.192000000e+03, v42  }
0x44b: {  	[tilespmem:v4+s12+$0x0] =	vst.idx.add.f32.msk @p4 $0xffff, v1  }
0x44c: {  	v4 =	vld @p4 [tilespmem:s24+$0x30];
	v12 =	vtrunc.f32 v12;
	v11 =	vadd.f32 $5.000000000e-01, v11  }
0x44d: {  	v12 =	vcvt.f32.s32 v12  }
0x44e: {  	[tilespmem:v5+s12+$0x0] =	vst.idx.add.f32.msk @p3 $0xffff, v1;
	v43 =	vtrunc.f32 v11  }
0x44f: {  	v11 =	vld @p3 [tilespmem:s2+$0x30];
	v5 =	vcvt.f32.s32 v43  }
0x450: {  	v10 =	vmul.f32 @p4 $8.192000000e+03, v10;
	[tilespmem:v9+s12+$0x0] =	vst.idx.add.f32.msk @p3 $0xffff, v1  }
0x451: {  	v4 =	vmul.f32 @p4 $8.192000000e+03, v4;
	v9 =	vld @p3 [tilespmem:s25+$0x30]  }
0x452: {  	v10 =	vadd.f32 @p4 $5.000000000e-01, v10  }
0x453: {  	v4 =	vadd.f32 @p4 $5.000000000e-01, v4;
	[tilespmem:v12+s12+$0x0] =	vst.idx.add.f32.msk $0xffff, v1  }
0x454: {  	v10 =	vtrunc.f32 @p4 v10;
	v11 =	vmul.f32 @p3 $8.192000000e+03, v11;
	v12 =	vld [tilespmem:s29+$0x30]  }
0x455: {  	v10 =	vcvt.f32.s32 @p4 v10;
	v4 =	vtrunc.f32 @p4 v4;
	[tilespmem:v5+s12+$0x0] =	vst.idx.add.f32.msk $0xffff, v1  }
0x456: {  	v4 =	vcvt.f32.s32 @p4 v4;
	v5 =	vadd.f32 @p3 $5.000000000e-01, v11;
	v9 =	vmul.f32 @p3 $8.192000000e+03, v9;
	v44 =	vld [tilespmem:s0+$0x30];
	_ =	sdelay $0x1  }
0x457: {  	v3 =	vpsel p4, v4, v3;
	v4 =	vtrunc.f32 @p3 v5;
	v5 =	vadd.f32 @p3 $5.000000000e-01, v9  }
0x458: {  	[tilespmem:v8+s12+$0x0] =	vst.idx.add.f32.msk @p5 $0xffff, v1;
	v4 =	vcvt.f32.s32 @p3 v4;
	v45 =	vmul.f32 $8.192000000e+03, v12  }
0x459: {  	v9 =	vld @p5 [tilespmem:s31+$0x40];
	v5 =	vtrunc.f32 @p3 v5  }
0x45a: {  	[tilespmem:v10+s12+$0x0] =	vst.idx.add.f32.msk @p4 $0xffff, v1;
	v5 =	vcvt.f32.s32 @p3 v5;
	v8 =	vadd.f32 $5.000000000e-01, v45;
	v46 =	vmul.f32 $8.192000000e+03, v44  }
0x45b: {  	s7 =	smov.u32 @p4 s24;
	v11 =	vld @p4 [tilespmem:s3+$0x40]  }
0x45c: {  	s4 =	smov.u32 @p4 s7;
	[tilespmem:v3+s12+$0x0] =	vst.idx.add.f32.msk @p4 $0xffff, v1;
	v3 =	vpsel p3, v5, v0;
	v47 =	vtrunc.f32 v8;
	v48 =	vadd.f32 $5.000000000e-01, v46  }
0x45d: {  	v10 =	vld @p4 [tilespmem:s4+$0x40];
	v5 =	vcvt.f32.s32 v47  }
0x45e: {  	v9 =	vmul.f32 @p5 $8.192000000e+03, v9;
	[tilespmem:v4+s12+$0x0] =	vst.idx.add.f32.msk @p3 $0xffff, v1;
	v49 =	vtrunc.f32 v48  }
0x45f: {  	v8 =	vld @p3 [tilespmem:s2+$0x40];
	v4 =	vcvt.f32.s32 v49  }
0x460: {  	s7 =	smov.u32 @p3 s25;
	v9 =	vadd.f32 @p5 $5.000000000e-01, v9;
	v11 =	vmul.f32 @p4 $8.192000000e+03, v11  }
0x461: {  	s7 =	smov.u32 @p3 s7;
	[tilespmem:v3+s12+$0x0] =	vst.idx.add.f32.msk @p3 $0xffff, v1  }
0x462: {  	v3 =	vtrunc.f32 @p5 v9;
	v9 =	vadd.f32 @p4 $5.000000000e-01, v11;
	v10 =	vmul.f32 @p4 $8.192000000e+03, v10;
	v11 =	vld @p3 [tilespmem:s7+$0x40]  }
0x463: {  	v3 =	vcvt.f32.s32 @p5 v3;
	[tilespmem:v5+s12+$0x0] =	vst.idx.add.f32.msk $0xffff, v1  }
0x464: {  	v5 =	vtrunc.f32 @p4 v9;
	v9 =	vadd.f32 @p4 $5.000000000e-01, v10;
	v8 =	vmul.f32 @p3 $8.192000000e+03, v8;
	v50 =	vld [tilespmem:s29+$0x40]  }
0x465: {  	v5 =	vcvt.f32.s32 @p4 v5;
	[tilespmem:v4+s12+$0x0] =	vst.idx.add.f32.msk $0xffff, v1  }
0x466: {  	v4 =	vtrunc.f32 @p4 v9;
	v8 =	vadd.f32 @p3 $5.000000000e-01, v8;
	v51 =	vld [tilespmem:s0+$0x40]  }
0x467: {  	v4 =	vcvt.f32.s32 @p4 v4;
	v11 =	vmul.f32 @p3 $8.192000000e+03, v11  }
0x468: {  	v8 =	vtrunc.f32 @p3 v8  }
0x469: {  	[tilespmem:v3+s12+$0x0] =	vst.idx.add.f32.msk @p5 $0xffff, v1;
	v3 =	vcvt.f32.s32 @p3 v8;
	v8 =	vadd.f32 @p3 $5.000000000e-01, v11;
	v10 =	vmul.f32 $8.192000000e+03, v50  }
0x46a: {  	v11 =	vld @p5 [tilespmem:s31+$0x50]  }
0x46b: {  	[tilespmem:v5+s12+$0x0] =	vst.idx.add.f32.msk @p4 $0xffff, v1;
	v5 =	vtrunc.f32 @p3 v8;
	v52 =	vadd.f32 $5.000000000e-01, v10;
	v9 =	vmul.f32 $8.192000000e+03, v51  }
0x46c: {  	v10 =	vld @p4 [tilespmem:s3+$0x50];
	v5 =	vcvt.f32.s32 @p3 v5  }
0x46d: {  	[tilespmem:v4+s12+$0x0] =	vst.idx.add.f32.msk @p4 $0xffff, v1;
	v53 =	vtrunc.f32 v52;
	v54 =	vadd.f32 $5.000000000e-01, v9  }
0x46e: {  	v9 =	vld @p4 [tilespmem:s4+$0x50];
	v4 =	vcvt.f32.s32 v53  }
0x46f: {  	v11 =	vmul.f32 @p5 $8.192000000e+03, v11;
	[tilespmem:v3+s12+$0x0] =	vst.idx.add.f32.msk @p3 $0xffff, v1;
	v3 =	vtrunc.f32 v54  }
0x470: {  	v8 =	vld @p3 [tilespmem:s2+$0x50];
	v3 =	vcvt.f32.s32 v3  }
0x471: {  	v11 =	vadd.f32 @p5 $5.000000000e-01, v11;
	v10 =	vmul.f32 @p4 $8.192000000e+03, v10  }
0x472: {  	[tilespmem:v5+s12+$0x0] =	vst.idx.add.f32.msk @p3 $0xffff, v1  }
0x473: {  	v5 =	vtrunc.f32 @p5 v11;
	v10 =	vadd.f32 @p4 $5.000000000e-01, v10;
	v9 =	vmul.f32 @p4 $8.192000000e+03, v9;
	v11 =	vld @p3 [tilespmem:s7+$0x50]  }
0x474: {  	v5 =	vcvt.f32.s32 @p5 v5;
	[tilespmem:v4+s12+$0x0] =	vst.idx.add.f32.msk $0xffff, v1  }
0x475: {  	v4 =	vtrunc.f32 @p4 v10;
	v9 =	vadd.f32 @p4 $5.000000000e-01, v9;
	v8 =	vmul.f32 @p3 $8.192000000e+03, v8;
	v55 =	vld [tilespmem:s29+$0x50]  }
0x476: {  	v4 =	vcvt.f32.s32 @p4 v4;
	[tilespmem:v3+s12+$0x0] =	vst.idx.add.f32.msk $0xffff, v1  }
0x477: {  	v3 =	vtrunc.f32 @p4 v9;
	v8 =	vadd.f32 @p3 $5.000000000e-01, v8;
	v56 =	vld [tilespmem:s0+$0x50]  }
0x478: {  	v3 =	vcvt.f32.s32 @p4 v3;
	v11 =	vmul.f32 @p3 $8.192000000e+03, v11  }
0x479: {  	v8 =	vtrunc.f32 @p3 v8  }
0x47a: {  	[tilespmem:v5+s12+$0x0] =	vst.idx.add.f32.msk @p5 $0xffff, v1;
	v5 =	vcvt.f32.s32 @p3 v8;
	v8 =	vadd.f32 @p3 $5.000000000e-01, v11;
	v10 =	vmul.f32 $8.192000000e+03, v55  }
0x47b: {  	v11 =	vld @p5 [tilespmem:s31+$0x60]  }
0x47c: {  	[tilespmem:v4+s12+$0x0] =	vst.idx.add.f32.msk @p4 $0xffff, v1;
	v4 =	vtrunc.f32 @p3 v8;
	v57 =	vadd.f32 $5.000000000e-01, v10;
	v9 =	vmul.f32 $8.192000000e+03, v56  }
0x47d: {  	v10 =	vld @p4 [tilespmem:s3+$0x60];
	v4 =	vcvt.f32.s32 @p3 v4  }
0x47e: {  	[tilespmem:v3+s12+$0x0] =	vst.idx.add.f32.msk @p4 $0xffff, v1;
	v3 =	vtrunc.f32 v57;
	v58 =	vadd.f32 $5.000000000e-01, v9  }
0x47f: {  	v7 =	vmul.f32 @p5 $8.192000000e+03, v7;
	v9 =	vld @p4 [tilespmem:s4+$0x60];
	v3 =	vcvt.f32.s32 v3  }
0x480: {  	[tilespmem:v5+s12+$0x0] =	vst.idx.add.f32.msk @p3 $0xffff, v1;
	v59 =	vtrunc.f32 v58  }
0x481: {  	v7 =	vadd.f32 @p5 $5.000000000e-01, v7;
	v8 =	vmul.f32 @p5 $8.192000000e+03, v11;
	v11 =	vld @p3 [tilespmem:s2+$0x60];
	v5 =	vcvt.f32.s32 v59  }
0x482: {  	v2 =	vpsel p4, v10, v2  }
0x483: {  	v7 =	vtrunc.f32 @p5 v7;
	v8 =	vadd.f32 @p5 $5.000000000e-01, v8;
	v2 =	vmul.f32 @p4 $8.192000000e+03, v2;
	[tilespmem:v4+s12+$0x0] =	vst.idx.add.f32.msk @p3 $0xffff, v1  }
0x484: {  	v4 =	vcvt.f32.s32 @p5 v7;
	v7 =	vld @p3 [tilespmem:s7+$0x60]  }
0x485: {  	v8 =	vtrunc.f32 @p5 v8;
	v2 =	vadd.f32 @p4 $5.000000000e-01, v2;
	v9 =	vmul.f32 @p4 $8.192000000e+03, v9;
	[tilespmem:v3+s12+$0x0] =	vst.idx.add.f32.msk $0xffff, v1  }
0x486: {  	v3 =	vcvt.f32.s32 @p5 v8;
	v8 =	vpsel p3, v11, v0;
	v60 =	vld [tilespmem:s29+$0x60]  }
0x487: {  	v2 =	vtrunc.f32 @p4 v2;
	v9 =	vadd.f32 @p4 $5.000000000e-01, v9;
	v8 =	vmul.f32 @p3 $8.192000000e+03, v8;
	[tilespmem:v5+s12+$0x0] =	vst.idx.add.f32.msk $0xffff, v1  }
0x488: {  	v2 =	vcvt.f32.s32 @p4 v2;
	v5 =	vld [tilespmem:s0+$0x60]  }
0x489: {  	v9 =	vtrunc.f32 @p4 v9;
	v8 =	vadd.f32 @p3 $5.000000000e-01, v8;
	v7 =	vmul.f32 @p3 $8.192000000e+03, v7  }
0x48a: {  	[tilespmem:v4+s12+$0x0] =	vst.idx.add.f32.msk @p5 $0xffff, v1;
	v4 =	vcvt.f32.s32 @p4 v9  }
0x48b: {  	v9 =	vld @p5 [tilespmem:s30+$0x70];
	v8 =	vtrunc.f32 @p3 v8;
	v7 =	vadd.f32 @p3 $5.000000000e-01, v7;
	v10 =	vmul.f32 $8.192000000e+03, v60  }
0x48c: {  	[tilespmem:v3+s12+$0x0] =	vst.idx.add.f32.msk @p5 $0xffff, v1;
	v3 =	vcvt.f32.s32 @p3 v8  }
0x48d: {  	v8 =	vld @p5 [tilespmem:s31+$0x70];
	v7 =	vtrunc.f32 @p3 v7;
	v10 =	vadd.f32 $5.000000000e-01, v10;
	v5 =	vmul.f32 $8.192000000e+03, v5  }
0x48e: {  	s5 =	smov.u32 @p4 s3;
	[tilespmem:v2+s12+$0x0] =	vst.idx.add.f32.msk @p4 $0xffff, v1;
	v2 =	vcvt.f32.s32 @p3 v7  }
0x48f: {  	v7 =	vld @p4 [tilespmem:s5+$0x70];
	v10 =	vtrunc.f32 v10;
	v5 =	vadd.f32 $5.000000000e-01, v5  }
0x490: {  	[tilespmem:v4+s12+$0x0] =	vst.idx.add.f32.msk @p4 $0xffff, v1;
	v61 =	vcvt.f32.s32 v10  }
0x491: {  	v10 =	vld @p4 [tilespmem:s4+$0x70];
	v5 =	vtrunc.f32 v5  }
0x492: {  	s2 =	smov.u32 @p3 s2;
	[tilespmem:v3+s12+$0x0] =	vst.idx.add.f32.msk @p3 $0xffff, v1;
	v3 =	vcvt.f32.s32 v5  }
0x493: {  	v9 =	vmul.f32 @p5 $8.192000000e+03, v9;
	v5 =	vmul.f32 @p6 $8.192000000e+03, v6;
	v6 =	vld @p3 [tilespmem:s2+$0x70]  }
0x494: {  	v8 =	vpsel p5, v8, v0;
	[tilespmem:v2+s12+$0x0] =	vst.idx.add.f32.msk @p3 $0xffff, v1  }
0x495: {  	v9 =	vadd.f32 @p5 $5.000000000e-01, v9;
	v2 =	vadd.f32 @p6 $5.000000000e-01, v5;
	v5 =	vmul.f32 @p5 $8.192000000e+03, v8;
	v8 =	vld @p3 [tilespmem:s7+$0x70]  }
0x496: {  	v10 =	vpsel p4, v10, v0;
	[tilespmem:v61+s12+$0x0] =	vst.idx.add.f32.msk $0xffff, v1  }
0x497: {  	v9 =	vtrunc.f32 @p5 v9;
	v10 =	vmul.f32 @p4 $8.192000000e+03, v10;
	v62 =	vld [tilespmem:s29+$0x70]  }
0x498: {  	v2 =	vtrunc.f32 @p6 v2;
	v4 =	vadd.f32 @p5 $5.000000000e-01, v5;
	v5 =	vmul.f32 @p4 $8.192000000e+03, v7;
	[tilespmem:v3+s12+$0x0] =	vst.idx.add.f32.msk $0xffff, v1  }
0x499: {  	v2 =	vcvt.f32.s32 @p6 v2;
	v6 =	vmul.f32 @p3 $8.192000000e+03, v6;
	v63 =	vld [tilespmem:s0+$0x70]  }
0x49a: {  	v10 =	vadd.f32 @p4 $5.000000000e-01, v10;
	v3 =	vcvt.f32.s32 @p5 v9;
	v4 =	vtrunc.f32 @p5 v4  }
0x49b: {  	v5 =	vadd.f32 @p4 $5.000000000e-01, v5;
	v4 =	vcvt.f32.s32 @p5 v4;
	v8 =	vpsel p3, v8, v0  }
0x49c: {  	v10 =	vtrunc.f32 @p4 v10;
	v8 =	vmul.f32 @p3 $8.192000000e+03, v8  }
0x49d: {  	v6 =	vadd.f32 @p3 $5.000000000e-01, v6;
	v5 =	vtrunc.f32 @p4 v5;
	v7 =	vmul.f32 $8.192000000e+03, v62  }
0x49e: {  	v10 =	vcvt.f32.s32 @p4 v10;
	v8 =	vadd.f32 @p3 $5.000000000e-01, v8;
	v9 =	vmul.f32 $8.192000000e+03, v63  }
0x49f: {  	v5 =	vcvt.f32.s32 @p4 v5;
	v6 =	vtrunc.f32 @p3 v6;
	v7 =	vadd.f32 $5.000000000e-01, v7  }
0x4a0: {  	v6 =	vcvt.f32.s32 @p3 v6;
	[tilespmem:v3+s12+$0x0] =	vst.idx.add.f32.msk @p5 $0xffff, v1;
	v3 =	vtrunc.f32 @p3 v8;
	v9 =	vadd.f32 $5.000000000e-01, v9  }
0x4a1: {  	[tilespmem:v2+s12+$0x0] =	vst.idx.add.f32.msk @p6 $0xffff, v1;
	v7 =	vtrunc.f32 v7;
	v2 =	vcvt.f32.s32 @p3 v3  }
0x4a2: {  	v7 =	vcvt.f32.s32 v7;
	v3 =	vtrunc.f32 v9  }
0x4a3: {  	[tilespmem:v4+s12+$0x0] =	vst.idx.add.f32.msk @p5 $0xffff, v1;
	v3 =	vcvt.f32.s32 v3  }
0x4a4: {  	[tilespmem:v10+s12+$0x0] =	vst.idx.add.f32.msk @p4 $0xffff, v1  }
0x4a5: {  	[tilespmem:v5+s12+$0x0] =	vst.idx.add.f32.msk @p4 $0xffff, v1  }
0x4a6: {  	[tilespmem:v6+s12+$0x0] =	vst.idx.add.f32.msk @p3 $0xffff, v1  }
0x4a7: {  	[tilespmem:v2+s12+$0x0] =	vst.idx.add.f32.msk @p3 $0xffff, v1  }
0x4a8: {  	[tilespmem:v7+s12+$0x0] =	vst.idx.add.f32.msk $0xffff, v1  }
0x4a9: {  	[tilespmem:v3+s12+$0x0] =	vst.idx.add.f32.msk $0xffff, v1  }
.LBB2_21:
.Ltmp12:
0x4aa: {  	(pc) =	sbr.rel @p2 .LBB2_35-.Ltmp12, $1  }
0x4ab: {  	_ =	sdelay $0x3  }
0x4ac: {  	s0 =	sadd.s32 $0x0, s14  }
0x4ad: {  	s1 =	sadd.s32 $0x1, s0  }
0x4ae: {  	s1 =	sshrl.u32 s1, $0x3  }
0x4af: {  	s1 =	smul.u32 $0x3000, s1  }
0x4b0: {  	s2 =	sadd.s32 $0x80, s17;
	s0 =	sshrl.u32 s0, $0x3  }
0x4b1: {  	s2 =	sand.u32 $0x380, s2;
	s0 =	smul.u32 $0x3000, s0;
	s1 =	sshra.s32 s1, $0x2  }
0x4b2: {  	s21 =	sor.u32 s2, s1  }
0x4b3: {  	s31 =	sand.u32 $0x380, s17;
	s0 =	sshra.s32 s0, $0x2;
	v2 =	vld [tilespmem:s21+$0x0]  }
0x4b4: {  	s20 =	sor.u32 s31, s0  }
0x4b5: {  	v3 =	vld [tilespmem:s20+$0x0];
	_ =	sdelay $0x2  }
0x4b6: {  	v2 =	vmul.f32 $8.192000000e+03, v2;
	_ =	sdelay $0x1  }
0x4b7: {  	v3 =	vmul.f32 $8.192000000e+03, v3;
	v2 =	vadd.f32 $5.000000000e-01, v2;
	_ =	sdelay $0x1  }
0x4b8: {  	v3 =	vadd.f32 $5.000000000e-01, v3;
	v2 =	vtrunc.f32 v2  }
0x4b9: {  	v2 =	vcvt.f32.s32 v2  }
0x4ba: {  	v3 =	vtrunc.f32 v3  }
0x4bb: {  	v3 =	vcvt.f32.s32 v3;
	v2 =	vadd.s32 $0x2080, v2;
	_ =	sdelay $0x1  }
0x4bc: {  	v3 =	vadd.s32 $0x2080, v3;
	_ =	sdelay $0x2  }
0x4bd: {  	[tilespmem:v2+s12+$0x0] =	vst.idx.add.f32.msk $0xffff, v1  }
0x4be: {  	v2 =	vld [tilespmem:s21+$0x10]  }
0x4bf: {  	[tilespmem:v3+s12+$0x0] =	vst.idx.add.f32.msk $0xffff, v1  }
0x4c0: {  	v3 =	vld [tilespmem:s20+$0x10];
	_ =	sdelay $0x2  }
0x4c1: {  	v2 =	vmul.f32 $8.192000000e+03, v2;
	_ =	sdelay $0x1  }
0x4c2: {  	v3 =	vmul.f32 $8.192000000e+03, v3;
	v2 =	vadd.f32 $5.000000000e-01, v2;
	_ =	sdelay $0x1  }
0x4c3: {  	v3 =	vadd.f32 $5.000000000e-01, v3;
	v2 =	vtrunc.f32 v2  }
0x4c4: {  	v2 =	vcvt.f32.s32 v2  }
0x4c5: {  	v3 =	vtrunc.f32 v3  }
0x4c6: {  	v3 =	vcvt.f32.s32 v3;
	v2 =	vadd.s32 $0x2080, v2;
	_ =	sdelay $0x1  }
0x4c7: {  	v3 =	vadd.s32 $0x2080, v3;
	_ =	sdelay $0x2  }
0x4c8: {  	[tilespmem:v2+s12+$0x0] =	vst.idx.add.f32.msk $0xffff, v1  }
0x4c9: {  	v2 =	vld [tilespmem:s21+$0x20]  }
0x4ca: {  	[tilespmem:v3+s12+$0x0] =	vst.idx.add.f32.msk $0xffff, v1  }
0x4cb: {  	v3 =	vld [tilespmem:s20+$0x20];
	_ =	sdelay $0x2  }
0x4cc: {  	v2 =	vmul.f32 $8.192000000e+03, v2;
	_ =	sdelay $0x1  }
0x4cd: {  	v3 =	vmul.f32 $8.192000000e+03, v3;
	v2 =	vadd.f32 $5.000000000e-01, v2;
	_ =	sdelay $0x1  }
0x4ce: {  	v3 =	vadd.f32 $5.000000000e-01, v3;
	v2 =	vtrunc.f32 v2  }
0x4cf: {  	v2 =	vcvt.f32.s32 v2  }
0x4d0: {  	v3 =	vtrunc.f32 v3  }
0x4d1: {  	v3 =	vcvt.f32.s32 v3;
	v2 =	vadd.s32 $0x2080, v2;
	_ =	sdelay $0x1  }
0x4d2: {  	v3 =	vadd.s32 $0x2080, v3;
	_ =	sdelay $0x2  }
0x4d3: {  	[tilespmem:v2+s12+$0x0] =	vst.idx.add.f32.msk $0xffff, v1  }
0x4d4: {  	v2 =	vld [tilespmem:s21+$0x30]  }
0x4d5: {  	[tilespmem:v3+s12+$0x0] =	vst.idx.add.f32.msk $0xffff, v1  }
0x4d6: {  	v3 =	vld [tilespmem:s20+$0x30];
	_ =	sdelay $0x2  }
0x4d7: {  	v2 =	vmul.f32 $8.192000000e+03, v2;
	_ =	sdelay $0x1  }
0x4d8: {  	v3 =	vmul.f32 $8.192000000e+03, v3;
	v2 =	vadd.f32 $5.000000000e-01, v2;
	_ =	sdelay $0x1  }
0x4d9: {  	v3 =	vadd.f32 $5.000000000e-01, v3;
	v2 =	vtrunc.f32 v2  }
0x4da: {  	v2 =	vcvt.f32.s32 v2  }
0x4db: {  	v3 =	vtrunc.f32 v3  }
0x4dc: {  	v3 =	vcvt.f32.s32 v3;
	v2 =	vadd.s32 $0x2080, v2;
	_ =	sdelay $0x1  }
0x4dd: {  	v3 =	vadd.s32 $0x2080, v3;
	_ =	sdelay $0x2  }
0x4de: {  	[tilespmem:v2+s12+$0x0] =	vst.idx.add.f32.msk $0xffff, v1  }
0x4df: {  	v2 =	vld [tilespmem:s21+$0x40]  }
0x4e0: {  	[tilespmem:v3+s12+$0x0] =	vst.idx.add.f32.msk $0xffff, v1  }
0x4e1: {  	v3 =	vld [tilespmem:s20+$0x40];
	_ =	sdelay $0x2  }
0x4e2: {  	v2 =	vmul.f32 $8.192000000e+03, v2;
	_ =	sdelay $0x1  }
0x4e3: {  	p0 =	sgt.s32 s8, $0x2;
	v3 =	vmul.f32 $8.192000000e+03, v3;
	v2 =	vadd.f32 $5.000000000e-01, v2  }
.Ltmp13:
0x4e4: {  	_ = 	snop;
	(pc) =	sbr.rel @!p0 .LBB2_23-.Ltmp13, $4  }
0x4e5: {  	v3 =	vadd.f32 $5.000000000e-01, v3;
	v2 =	vtrunc.f32 v2  }
0x4e6: {  	v2 =	vcvt.f32.s32 v2  }
0x4e7: {  	p4 =	por $0x0, $0x0;
	v3 =	vtrunc.f32 v3  }
0x4e8: {  	p5 =	por $0x0, $0x0;
	p6 =	por $0x0, $0x0;
	p3 =	por $0x0, $0x0;
	v11 =	vcvt.f32.s32 v3;
	v12 =	vadd.s32 $0x2080, v2  }
0x4e9: {  	_ =	sdelay $0x2  }
0x4ea: {  	s1 =	sadd.s32 $0x2, s14  }
0x4eb: {  	[tilespmem:v12+s12+$0x0] =	vst.idx.add.f32.msk $0xffff, v1;
	s0 =	sadd.s32 $0x1, s1  }
0x4ec: {  	v2 =	vld [tilespmem:s21+$0x50];
	s0 =	sshrl.u32 s0, $0x3  }
0x4ed: {  	s2 =	smul.u32 $0x3000, s0;
	s0 =	sadd.s32 $0x100, s17  }
0x4ee: {  	s1 =	sshrl.u32 s1, $0x3;
	s3 =	sadd.s32 $0x80, s0  }
0x4ef: {  	v3 =	vadd.s32 $0x2080, v11;
	s1 =	smul.u32 $0x3000, s1;
	s3 =	sand.u32 $0x380, s3;
	s2 =	sshra.s32 s2, $0x2  }
0x4f0: {  	s2 =	sor.u32 s3, s2  }
0x4f1: {  	s1 =	sshra.s32 s1, $0x2;
	s31 =	sand.u32 $0x380, s0;
	v2 =	vmul.f32 $8.192000000e+03, v2;
	v4 =	vld [tilespmem:s2+$0x0]  }
0x4f2: {  	s22 =	sor.u32 s31, s1  }
0x4f3: {  	v5 =	vld [tilespmem:s22+$0x0];
	v2 =	vadd.f32 $5.000000000e-01, v2  }
0x4f4: {  	[tilespmem:v3+s12+$0x0] =	vst.idx.add.f32.msk $0xffff, v1  }
0x4f5: {  	v3 =	vld [tilespmem:s20+$0x50];
	v2 =	vtrunc.f32 v2  }
0x4f6: {  	v2 =	vcvt.f32.s32 v2;
	v4 =	vmul.f32 $8.192000000e+03, v4;
	_ =	sdelay $0x1  }
0x4f7: {  	v5 =	vmul.f32 $8.192000000e+03, v5;
	v2 =	vadd.s32 $0x2080, v2;
	v4 =	vadd.f32 $5.000000000e-01, v4;
	_ =	sdelay $0x1  }
0x4f8: {  	v3 =	vmul.f32 $8.192000000e+03, v3;
	v5 =	vadd.f32 $5.000000000e-01, v5;
	v4 =	vtrunc.f32 v4  }
0x4f9: {  	v4 =	vcvt.f32.s32 v4  }
0x4fa: {  	v3 =	vadd.f32 $5.000000000e-01, v3;
	v5 =	vtrunc.f32 v5  }
0x4fb: {  	v5 =	vcvt.f32.s32 v5;
	[tilespmem:v2+s12+$0x0] =	vst.idx.add.f32.msk $0xffff, v1;
	v4 =	vadd.s32 $0x2080, v4  }
0x4fc: {  	v2 =	vtrunc.f32 v3;
	v3 =	vld [tilespmem:s21+$0x60]  }
0x4fd: {  	v5 =	vadd.s32 $0x2080, v5;
	v2 =	vcvt.f32.s32 v2;
	_ =	sdelay $0x1  }
0x4fe: {  	v2 =	vadd.s32 $0x2080, v2  }
0x4ff: {  	[tilespmem:v4+s12+$0x0] =	vst.idx.add.f32.msk $0xffff, v1  }
0x500: {  	v3 =	vmul.f32 $8.192000000e+03, v3;
	v4 =	vld [tilespmem:s2+$0x10]  }
0x501: {  	[tilespmem:v5+s12+$0x0] =	vst.idx.add.f32.msk $0xffff, v1  }
0x502: {  	v5 =	vld [tilespmem:s22+$0x10];
	v3 =	vadd.f32 $5.000000000e-01, v3  }
0x503: {  	[tilespmem:v2+s12+$0x0] =	vst.idx.add.f32.msk $0xffff, v1  }
0x504: {  	v2 =	vtrunc.f32 v3;
	v3 =	vld [tilespmem:s20+$0x60]  }
0x505: {  	v2 =	vcvt.f32.s32 v2;
	v4 =	vmul.f32 $8.192000000e+03, v4;
	_ =	sdelay $0x1  }
0x506: {  	v5 =	vmul.f32 $8.192000000e+03, v5;
	v2 =	vadd.s32 $0x2080, v2;
	v4 =	vadd.f32 $5.000000000e-01, v4;
	_ =	sdelay $0x1  }
0x507: {  	v5 =	vadd.f32 $5.000000000e-01, v5;
	v3 =	vmul.f32 $8.192000000e+03, v3;
	v4 =	vtrunc.f32 v4  }
0x508: {  	v4 =	vcvt.f32.s32 v4  }
0x509: {  	v5 =	vtrunc.f32 v5;
	v3 =	vadd.f32 $5.000000000e-01, v3  }
0x50a: {  	[tilespmem:v2+s12+$0x0] =	vst.idx.add.f32.msk $0xffff, v1;
	v2 =	vcvt.f32.s32 v5;
	v4 =	vadd.s32 $0x2080, v4  }
0x50b: {  	v58 =	vld [tilespmem:s21+$0x70];
	v3 =	vtrunc.f32 v3  }
0x50c: {  	v2 =	vadd.s32 $0x2080, v2;
	v3 =	vcvt.f32.s32 v3;
	_ =	sdelay $0x1  }
0x50d: {  	v3 =	vadd.s32 $0x2080, v3  }
0x50e: {  	[tilespmem:v4+s12+$0x0] =	vst.idx.add.f32.msk $0xffff, v1  }
0x50f: {  	v5 =	vmul.f32 $8.192000000e+03, v58;
	v4 =	vld [tilespmem:s2+$0x20]  }
0x510: {  	[tilespmem:v2+s12+$0x0] =	vst.idx.add.f32.msk $0xffff, v1  }
0x511: {  	v2 =	vadd.f32 $5.000000000e-01, v5;
	v59 =	vld [tilespmem:s22+$0x20]  }
0x512: {  	[tilespmem:v3+s12+$0x0] =	vst.idx.add.f32.msk $0xffff, v1  }
0x513: {  	v2 =	vtrunc.f32 v2;
	v3 =	vld [tilespmem:s20+$0x70]  }
0x514: {  	v2 =	vcvt.f32.s32 v2;
	v4 =	vmul.f32 $8.192000000e+03, v4;
	_ =	sdelay $0x1  }
0x515: {  	v2 =	vadd.s32 $0x2080, v2;
	v5 =	vmul.f32 $8.192000000e+03, v59;
	v4 =	vadd.f32 $5.000000000e-01, v4;
	_ =	sdelay $0x1  }
0x516: {  	v5 =	vadd.f32 $5.000000000e-01, v5;
	v3 =	vmul.f32 $8.192000000e+03, v3;
	v4 =	vtrunc.f32 v4  }
0x517: {  	v4 =	vcvt.f32.s32 v4  }
0x518: {  	v5 =	vtrunc.f32 v5;
	v3 =	vadd.f32 $5.000000000e-01, v3  }
0x519: {  	[tilespmem:v2+s12+$0x0] =	vst.idx.add.f32.msk $0xffff, v1;
	v2 =	vcvt.f32.s32 v5;
	v4 =	vadd.s32 $0x2080, v4  }
0x51a: {  	v60 =	vld [tilespmem:s21+$0x400];
	v3 =	vtrunc.f32 v3  }
0x51b: {  	v2 =	vadd.s32 $0x2080, v2;
	v3 =	vcvt.f32.s32 v3;
	_ =	sdelay $0x1  }
0x51c: {  	v3 =	vadd.s32 $0x2080, v3  }
0x51d: {  	[tilespmem:v4+s12+$0x0] =	vst.idx.add.f32.msk $0xffff, v1  }
0x51e: {  	v5 =	vmul.f32 $8.192000000e+03, v60;
	v4 =	vld [tilespmem:s2+$0x30]  }
0x51f: {  	[tilespmem:v2+s12+$0x0] =	vst.idx.add.f32.msk $0xffff, v1  }
0x520: {  	v2 =	vadd.f32 $5.000000000e-01, v5;
	v61 =	vld [tilespmem:s22+$0x30]  }
0x521: {  	[tilespmem:v3+s12+$0x0] =	vst.idx.add.f32.msk $0xffff, v1  }
0x522: {  	v2 =	vtrunc.f32 v2;
	v3 =	vld [tilespmem:s20+$0x400]  }
0x523: {  	v2 =	vcvt.f32.s32 v2;
	v4 =	vmul.f32 $8.192000000e+03, v4;
	_ =	sdelay $0x1  }
0x524: {  	v2 =	vadd.s32 $0x2080, v2;
	v5 =	vmul.f32 $8.192000000e+03, v61;
	v4 =	vadd.f32 $5.000000000e-01, v4;
	_ =	sdelay $0x1  }
0x525: {  	v5 =	vadd.f32 $5.000000000e-01, v5;
	v3 =	vmul.f32 $8.192000000e+03, v3;
	v4 =	vtrunc.f32 v4  }
0x526: {  	v4 =	vcvt.f32.s32 v4  }
0x527: {  	v5 =	vtrunc.f32 v5;
	v3 =	vadd.f32 $5.000000000e-01, v3  }
0x528: {  	[tilespmem:v2+s12+$0x0] =	vst.idx.add.f32.msk $0xffff, v1;
	v2 =	vcvt.f32.s32 v5;
	v4 =	vadd.s32 $0x2080, v4  }
0x529: {  	v62 =	vld [tilespmem:s21+$0x410];
	v3 =	vtrunc.f32 v3  }
0x52a: {  	v2 =	vadd.s32 $0x2080, v2;
	v3 =	vcvt.f32.s32 v3;
	_ =	sdelay $0x1  }
0x52b: {  	v3 =	vadd.s32 $0x2080, v3  }
0x52c: {  	[tilespmem:v4+s12+$0x0] =	vst.idx.add.f32.msk $0xffff, v1  }
0x52d: {  	v5 =	vmul.f32 $8.192000000e+03, v62;
	v4 =	vld [tilespmem:s2+$0x40]  }
0x52e: {  	[tilespmem:v2+s12+$0x0] =	vst.idx.add.f32.msk $0xffff, v1  }
0x52f: {  	v2 =	vadd.f32 $5.000000000e-01, v5;
	v63 =	vld [tilespmem:s22+$0x40]  }
0x530: {  	[tilespmem:v3+s12+$0x0] =	vst.idx.add.f32.msk $0xffff, v1  }
0x531: {  	v2 =	vtrunc.f32 v2;
	v3 =	vld [tilespmem:s20+$0x410]  }
0x532: {  	v2 =	vcvt.f32.s32 v2  }
0x533: {  	v4 =	vmul.f32 $8.192000000e+03, v4  }
0x534: {  	v2 =	vadd.s32 $0x2080, v2  }
0x535: {  	p0 =	sgt.s32 s8, $0x4;
	v5 =	vmul.f32 $8.192000000e+03, v63;
	v4 =	vadd.f32 $5.000000000e-01, v4  }
.Ltmp14:
0x536: {  	v3 =	vmul.f32 $8.192000000e+03, v3;
	(pc) =	sbr.rel @!p0 .LBB2_25-.Ltmp14, $4  }
0x537: {  	v5 =	vadd.f32 $5.000000000e-01, v5;
	v4 =	vtrunc.f32 v4  }
0x538: {  	v4 =	vcvt.f32.s32 v4;
	v3 =	vadd.f32 $5.000000000e-01, v3  }
0x539: {  	v5 =	vtrunc.f32 v5;
	[tilespmem:v2+s12+$0x0] =	vst.idx.add.f32.msk $0xffff, v1  }
0x53a: {  	p4 =	por $0x1, $0x1;
	v11 =	vcvt.f32.s32 v5;
	v12 =	vadd.s32 $0x2080, v4;
	v10 =	vld [tilespmem:s21+$0x420];
	v9 =	vtrunc.f32 v3  }
0x53b: {  	_ =	sdelay $0x3  }
0x53c: {  	s1 =	sadd.s32 $0x4, s14;
	v2 =	vmul.f32 $8.192000000e+03, v10  }
0x53d: {  	[tilespmem:v12+s12+$0x0] =	vst.idx.add.f32.msk $0xffff, v1;
	s3 =	sadd.s32 $0x1, s1  }
0x53e: {  	v3 =	vld [tilespmem:s2+$0x50];
	s3 =	sshrl.u32 s3, $0x3;
	v2 =	vadd.f32 $5.000000000e-01, v2  }
0x53f: {  	s0 =	sadd.s32 $0x100, s0;
	s3 =	smul.u32 $0x3000, s3  }
0x540: {  	s1 =	sshrl.u32 s1, $0x3;
	s4 =	sadd.s32 $0x80, s0;
	v2 =	vtrunc.f32 v2  }
0x541: {  	v4 =	vadd.s32 $0x2080, v11;
	s1 =	smul.u32 $0x3000, s1;
	s4 =	sand.u32 $0x380, s4;
	s3 =	sshra.s32 s3, $0x2;
	v2 =	vcvt.f32.s32 v2  }
0x542: {  	s25 =	sor.u32 s4, s3  }
0x543: {  	v5 =	vcvt.f32.s32 v9;
	s31 =	sand.u32 $0x380, s0;
	s1 =	sshra.s32 s1, $0x2;
	v3 =	vmul.f32 $8.192000000e+03, v3;
	v6 =	vld [tilespmem:s25+$0x0];
	v2 =	vadd.s32 $0x2080, v2  }
0x544: {  	s24 =	sor.u32 s31, s1  }
0x545: {  	v5 =	vadd.s32 $0x2080, v5;
	v7 =	vld [tilespmem:s24+$0x0];
	v3 =	vadd.f32 $5.000000000e-01, v3  }
0x546: {  	[tilespmem:v4+s12+$0x0] =	vst.idx.add.f32.msk $0xffff, v1  }
0x547: {  	v4 =	vld [tilespmem:s22+$0x50];
	v3 =	vtrunc.f32 v3  }
0x548: {  	v3 =	vcvt.f32.s32 v3;
	v6 =	vmul.f32 $8.192000000e+03, v6;
	[tilespmem:v2+s12+$0x0] =	vst.idx.add.f32.msk $0xffff, v1  }
0x549: {  	v2 =	vld [tilespmem:s21+$0x430]  }
0x54a: {  	[tilespmem:v5+s12+$0x0] =	vst.idx.add.f32.msk $0xffff, v1;
	v5 =	vmul.f32 $8.192000000e+03, v7;
	v3 =	vadd.s32 $0x2080, v3;
	v6 =	vadd.f32 $5.000000000e-01, v6  }
0x54b: {  	v7 =	vld [tilespmem:s20+$0x420]  }
0x54c: {  	v4 =	vmul.f32 $8.192000000e+03, v4;
	v5 =	vadd.f32 $5.000000000e-01, v5;
	v6 =	vtrunc.f32 v6  }
0x54d: {  	v6 =	vcvt.f32.s32 v6  }
0x54e: {  	v4 =	vadd.f32 $5.000000000e-01, v4;
	v5 =	vtrunc.f32 v5;
	v2 =	vmul.f32 $8.192000000e+03, v2  }
0x54f: {  	v5 =	vcvt.f32.s32 v5;
	[tilespmem:v3+s12+$0x0] =	vst.idx.add.f32.msk $0xffff, v1;
	v6 =	vadd.s32 $0x2080, v6  }
0x550: {  	v3 =	vtrunc.f32 v4;
	v4 =	vmul.f32 $8.192000000e+03, v7;
	v7 =	vld [tilespmem:s2+$0x60];
	v2 =	vadd.f32 $5.000000000e-01, v2  }
0x551: {  	v5 =	vadd.s32 $0x2080, v5;
	v3 =	vcvt.f32.s32 v3  }
0x552: {  	v4 =	vadd.f32 $5.000000000e-01, v4;
	v2 =	vtrunc.f32 v2  }
0x553: {  	v3 =	vadd.s32 $0x2080, v3;
	v2 =	vcvt.f32.s32 v2  }
0x554: {  	v4 =	vtrunc.f32 v4;
	[tilespmem:v6+s12+$0x0] =	vst.idx.add.f32.msk $0xffff, v1  }
0x555: {  	v4 =	vcvt.f32.s32 v4;
	v7 =	vmul.f32 $8.192000000e+03, v7;
	v6 =	vld [tilespmem:s25+$0x10];
	v2 =	vadd.s32 $0x2080, v2  }
0x556: {  	[tilespmem:v5+s12+$0x0] =	vst.idx.add.f32.msk $0xffff, v1  }
0x557: {  	v4 =	vadd.s32 $0x2080, v4;
	v5 =	vadd.f32 $5.000000000e-01, v7;
	v7 =	vld [tilespmem:s24+$0x10]  }
0x558: {  	[tilespmem:v3+s12+$0x0] =	vst.idx.add.f32.msk $0xffff, v1  }
0x559: {  	v3 =	vtrunc.f32 v5;
	v5 =	vld [tilespmem:s22+$0x60]  }
0x55a: {  	v3 =	vcvt.f32.s32 v3;
	v6 =	vmul.f32 $8.192000000e+03, v6;
	[tilespmem:v2+s12+$0x0] =	vst.idx.add.f32.msk $0xffff, v1  }
0x55b: {  	v2 =	vld [tilespmem:s21+$0x440]  }
0x55c: {  	[tilespmem:v4+s12+$0x0] =	vst.idx.add.f32.msk $0xffff, v1;
	v3 =	vadd.s32 $0x2080, v3;
	v4 =	vadd.f32 $5.000000000e-01, v6;
	v6 =	vmul.f32 $8.192000000e+03, v7  }
0x55d: {  	v7 =	vld [tilespmem:s20+$0x430]  }
0x55e: {  	v5 =	vmul.f32 $8.192000000e+03, v5;
	v4 =	vtrunc.f32 v4;
	v6 =	vadd.f32 $5.000000000e-01, v6  }
0x55f: {  	v4 =	vcvt.f32.s32 v4  }
0x560: {  	v5 =	vadd.f32 $5.000000000e-01, v5;
	v6 =	vtrunc.f32 v6;
	v2 =	vmul.f32 $8.192000000e+03, v2  }
0x561: {  	[tilespmem:v3+s12+$0x0] =	vst.idx.add.f32.msk $0xffff, v1;
	v4 =	vadd.s32 $0x2080, v4;
	v3 =	vcvt.f32.s32 v6  }
0x562: {  	v6 =	vld [tilespmem:s2+$0x70];
	v5 =	vtrunc.f32 v5;
	v7 =	vmul.f32 $8.192000000e+03, v7;
	v2 =	vadd.f32 $5.000000000e-01, v2  }
0x563: {  	v5 =	vcvt.f32.s32 v5;
	v3 =	vadd.s32 $0x2080, v3  }
0x564: {  	v7 =	vadd.f32 $5.000000000e-01, v7;
	v2 =	vtrunc.f32 v2  }
0x565: {  	v5 =	vadd.s32 $0x2080, v5;
	v2 =	vcvt.f32.s32 v2  }
0x566: {  	[tilespmem:v4+s12+$0x0] =	vst.idx.add.f32.msk $0xffff, v1;
	v4 =	vtrunc.f32 v7  }
0x567: {  	v6 =	vmul.f32 $8.192000000e+03, v6;
	v7 =	vld [tilespmem:s25+$0x20];
	v4 =	vcvt.f32.s32 v4;
	v2 =	vadd.s32 $0x2080, v2  }
0x568: {  	[tilespmem:v3+s12+$0x0] =	vst.idx.add.f32.msk $0xffff, v1  }
0x569: {  	v3 =	vadd.f32 $5.000000000e-01, v6;
	v6 =	vld [tilespmem:s24+$0x20];
	v4 =	vadd.s32 $0x2080, v4  }
0x56a: {  	[tilespmem:v5+s12+$0x0] =	vst.idx.add.f32.msk $0xffff, v1  }
0x56b: {  	v3 =	vtrunc.f32 v3;
	v5 =	vld [tilespmem:s22+$0x70]  }
0x56c: {  	v3 =	vcvt.f32.s32 v3;
	v7 =	vmul.f32 $8.192000000e+03, v7;
	[tilespmem:v2+s12+$0x0] =	vst.idx.add.f32.msk $0xffff, v1  }
0x56d: {  	v2 =	vld [tilespmem:s21+$0x450]  }
0x56e: {  	v3 =	vadd.s32 $0x2080, v3;
	v7 =	vadd.f32 $5.000000000e-01, v7;
	v6 =	vmul.f32 $8.192000000e+03, v6;
	[tilespmem:v4+s12+$0x0] =	vst.idx.add.f32.msk $0xffff, v1  }
0x56f: {  	v4 =	vld [tilespmem:s20+$0x440]  }
0x570: {  	v5 =	vmul.f32 $8.192000000e+03, v5;
	v7 =	vtrunc.f32 v7;
	v6 =	vadd.f32 $5.000000000e-01, v6  }
0x571: {  	v7 =	vcvt.f32.s32 v7  }
0x572: {  	v5 =	vadd.f32 $5.000000000e-01, v5;
	v6 =	vtrunc.f32 v6;
	v2 =	vmul.f32 $8.192000000e+03, v2  }
0x573: {  	[tilespmem:v3+s12+$0x0] =	vst.idx.add.f32.msk $0xffff, v1;
	v7 =	vadd.s32 $0x2080, v7;
	v3 =	vcvt.f32.s32 v6  }
0x574: {  	v6 =	vld [tilespmem:s2+$0x400];
	v5 =	vtrunc.f32 v5;
	v4 =	vmul.f32 $8.192000000e+03, v4;
	v2 =	vadd.f32 $5.000000000e-01, v2  }
0x575: {  	v5 =	vcvt.f32.s32 v5;
	v3 =	vadd.s32 $0x2080, v3  }
0x576: {  	v4 =	vadd.f32 $5.000000000e-01, v4;
	v2 =	vtrunc.f32 v2  }
0x577: {  	v5 =	vadd.s32 $0x2080, v5;
	v2 =	vcvt.f32.s32 v2  }
0x578: {  	[tilespmem:v7+s12+$0x0] =	vst.idx.add.f32.msk $0xffff, v1;
	v4 =	vtrunc.f32 v4  }
0x579: {  	v6 =	vmul.f32 $8.192000000e+03, v6;
	v7 =	vld [tilespmem:s25+$0x30];
	v4 =	vcvt.f32.s32 v4;
	v2 =	vadd.s32 $0x2080, v2  }
0x57a: {  	[tilespmem:v3+s12+$0x0] =	vst.idx.add.f32.msk $0xffff, v1  }
0x57b: {  	v3 =	vadd.f32 $5.000000000e-01, v6;
	v6 =	vld [tilespmem:s24+$0x30];
	v4 =	vadd.s32 $0x2080, v4  }
0x57c: {  	[tilespmem:v5+s12+$0x0] =	vst.idx.add.f32.msk $0xffff, v1  }
0x57d: {  	v3 =	vtrunc.f32 v3;
	v5 =	vld [tilespmem:s22+$0x400]  }
0x57e: {  	v3 =	vcvt.f32.s32 v3;
	v7 =	vmul.f32 $8.192000000e+03, v7;
	[tilespmem:v2+s12+$0x0] =	vst.idx.add.f32.msk $0xffff, v1  }
0x57f: {  	v2 =	vld [tilespmem:s21+$0x460]  }
0x580: {  	v3 =	vadd.s32 $0x2080, v3;
	v7 =	vadd.f32 $5.000000000e-01, v7;
	v6 =	vmul.f32 $8.192000000e+03, v6;
	[tilespmem:v4+s12+$0x0] =	vst.idx.add.f32.msk $0xffff, v1  }
0x581: {  	v4 =	vld [tilespmem:s20+$0x450]  }
0x582: {  	v5 =	vmul.f32 $8.192000000e+03, v5;
	v7 =	vtrunc.f32 v7;
	v6 =	vadd.f32 $5.000000000e-01, v6  }
0x583: {  	v7 =	vcvt.f32.s32 v7  }
0x584: {  	v5 =	vadd.f32 $5.000000000e-01, v5;
	v6 =	vtrunc.f32 v6;
	v2 =	vmul.f32 $8.192000000e+03, v2  }
0x585: {  	[tilespmem:v3+s12+$0x0] =	vst.idx.add.f32.msk $0xffff, v1;
	v7 =	vadd.s32 $0x2080, v7;
	v3 =	vcvt.f32.s32 v6  }
0x586: {  	v6 =	vld [tilespmem:s2+$0x410];
	v5 =	vtrunc.f32 v5;
	v4 =	vmul.f32 $8.192000000e+03, v4;
	v2 =	vadd.f32 $5.000000000e-01, v2  }
0x587: {  	v5 =	vcvt.f32.s32 v5;
	v3 =	vadd.s32 $0x2080, v3  }
0x588: {  	v4 =	vadd.f32 $5.000000000e-01, v4;
	v2 =	vtrunc.f32 v2  }
0x589: {  	v5 =	vadd.s32 $0x2080, v5;
	v2 =	vcvt.f32.s32 v2  }
0x58a: {  	[tilespmem:v7+s12+$0x0] =	vst.idx.add.f32.msk $0xffff, v1;
	v4 =	vtrunc.f32 v4  }
0x58b: {  	v6 =	vmul.f32 $8.192000000e+03, v6;
	v7 =	vld [tilespmem:s25+$0x40];
	v4 =	vcvt.f32.s32 v4;
	v2 =	vadd.s32 $0x2080, v2  }
0x58c: {  	[tilespmem:v3+s12+$0x0] =	vst.idx.add.f32.msk $0xffff, v1  }
0x58d: {  	v3 =	vadd.f32 $5.000000000e-01, v6;
	v6 =	vld [tilespmem:s24+$0x40];
	v4 =	vadd.s32 $0x2080, v4  }
0x58e: {  	[tilespmem:v5+s12+$0x0] =	vst.idx.add.f32.msk $0xffff, v1  }
0x58f: {  	v3 =	vtrunc.f32 v3;
	v5 =	vld [tilespmem:s22+$0x410]  }
0x590: {  	v3 =	vcvt.f32.s32 v3;
	v7 =	vmul.f32 $8.192000000e+03, v7;
	[tilespmem:v2+s12+$0x0] =	vst.idx.add.f32.msk $0xffff, v1  }
0x591: {  	v2 =	vld [tilespmem:s21+$0x470]  }
0x592: {  	v3 =	vadd.s32 $0x2080, v3;
	v7 =	vadd.f32 $5.000000000e-01, v7;
	v6 =	vmul.f32 $8.192000000e+03, v6;
	[tilespmem:v4+s12+$0x0] =	vst.idx.add.f32.msk $0xffff, v1  }
0x593: {  	p0 =	sgt.s32 s8, $0x6;
	v4 =	vld [tilespmem:s20+$0x460]  }
.Ltmp15:
0x594: {  	v5 =	vmul.f32 $8.192000000e+03, v5;
	v7 =	vtrunc.f32 v7;
	v6 =	vadd.f32 $5.000000000e-01, v6;
	(pc) =	sbr.rel @!p0 .LBB2_27-.Ltmp15, $4  }
0x595: {  	v7 =	vcvt.f32.s32 v7  }
0x596: {  	v5 =	vadd.f32 $5.000000000e-01, v5;
	v6 =	vtrunc.f32 v6;
	v2 =	vmul.f32 $8.192000000e+03, v2  }
0x597: {  	[tilespmem:v3+s12+$0x0] =	vst.idx.add.f32.msk $0xffff, v1;
	v12 =	vadd.s32 $0x2080, v7;
	v11 =	vcvt.f32.s32 v6  }
0x598: {  	p5 =	por $0x1, $0x1;
	v10 =	vld [tilespmem:s2+$0x420];
	v9 =	vtrunc.f32 v5;
	v8 =	vmul.f32 $8.192000000e+03, v4;
	v7 =	vadd.f32 $5.000000000e-01, v2  }
0x599: {  	_ =	sdelay $0x1  }
0x59a: {  	s1 =	sadd.s32 $0x6, s14;
	v2 =	vtrunc.f32 v7  }
0x59b: {  	s3 =	sadd.s32 $0x1, s1;
	v2 =	vcvt.f32.s32 v2  }
0x59c: {  	[tilespmem:v12+s12+$0x0] =	vst.idx.add.f32.msk $0xffff, v1;
	s3 =	sshrl.u32 s3, $0x3;
	v3 =	vmul.f32 $8.192000000e+03, v10  }
0x59d: {  	s0 =	sadd.s32 $0x100, s0;
	v4 =	vld [tilespmem:s25+$0x50];
	s3 =	smul.u32 $0x3000, s3;
	v2 =	vadd.s32 $0x2080, v2  }
0x59e: {  	s4 =	sadd.s32 $0x80, s0;
	v3 =	vadd.f32 $5.000000000e-01, v3  }
0x59f: {  	s4 =	sand.u32 $0x380, s4;
	s3 =	sshra.s32 s3, $0x2  }
0x5a0: {  	s1 =	sshrl.u32 s1, $0x3;
	s31 =	sor.u32 s4, s3;
	v3 =	vtrunc.f32 v3  }
0x5a1: {  	v5 =	vadd.s32 $0x2080, v11;
	s1 =	smul.u32 $0x3000, s1;
	v6 =	vld [tilespmem:s31+$0x0];
	v3 =	vcvt.f32.s32 v3  }
0x5a2: {  	v4 =	vmul.f32 $8.192000000e+03, v4;
	[tilespmem:v2+s12+$0x0] =	vst.idx.add.f32.msk $0xffff, v1  }
0x5a3: {  	s30 =	sand.u32 $0x380, s0;
	s1 =	sshra.s32 s1, $0x2;
	v2 =	vcvt.f32.s32 v9;
	v7 =	vld [tilespmem:s21+$0x800];
	v3 =	vadd.s32 $0x2080, v3  }
0x5a4: {  	s29 =	sor.u32 s30, s1;
	v4 =	vadd.f32 $5.000000000e-01, v4  }
0x5a5: {  	v9 =	vld [tilespmem:s29+$0x0];
	v2 =	vadd.s32 $0x2080, v2  }
0x5a6: {  	v8 =	vadd.f32 $5.000000000e-01, v8;
	[tilespmem:v5+s12+$0x0] =	vst.idx.add.f32.msk $0xffff, v1;
	v4 =	vtrunc.f32 v4;
	v5 =	vmul.f32 $8.192000000e+03, v6  }
0x5a7: {  	v4 =	vcvt.f32.s32 v4;
	v6 =	vld [tilespmem:s24+$0x50]  }
0x5a8: {  	v8 =	vtrunc.f32 v8;
	v5 =	vadd.f32 $5.000000000e-01, v5;
	[tilespmem:v3+s12+$0x0] =	vst.idx.add.f32.msk $0xffff, v1;
	v3 =	vmul.f32 $8.192000000e+03, v7  }
0x5a9: {  	v4 =	vadd.s32 $0x2080, v4;
	v7 =	vcvt.f32.s32 v8;
	v8 =	vld [tilespmem:s2+$0x430]  }
0x5aa: {  	[tilespmem:v2+s12+$0x0] =	vst.idx.add.f32.msk $0xffff, v1;
	v2 =	vmul.f32 $8.192000000e+03, v9;
	v5 =	vtrunc.f32 v5;
	v3 =	vadd.f32 $5.000000000e-01, v3  }
0x5ab: {  	v9 =	vld [tilespmem:s22+$0x420];
	v5 =	vcvt.f32.s32 v5;
	v7 =	vadd.s32 $0x2080, v7  }
0x5ac: {  	v6 =	vmul.f32 $8.192000000e+03, v6;
	v2 =	vadd.f32 $5.000000000e-01, v2;
	v3 =	vtrunc.f32 v3  }
0x5ad: {  	v5 =	vadd.s32 $0x2080, v5;
	v3 =	vcvt.f32.s32 v3  }
0x5ae: {  	[tilespmem:v4+s12+$0x0] =	vst.idx.add.f32.msk $0xffff, v1;
	v6 =	vadd.f32 $5.000000000e-01, v6;
	v2 =	vtrunc.f32 v2;
	v4 =	vmul.f32 $8.192000000e+03, v8  }
0x5af: {  	v2 =	vcvt.f32.s32 v2;
	v8 =	vld [tilespmem:s25+$0x60];
	v3 =	vadd.s32 $0x2080, v3  }
0x5b0: {  	v6 =	vtrunc.f32 v6;
	[tilespmem:v7+s12+$0x0] =	vst.idx.add.f32.msk $0xffff, v1;
	v7 =	vmul.f32 $8.192000000e+03, v9;
	v4 =	vadd.f32 $5.000000000e-01, v4  }
0x5b1: {  	v6 =	vcvt.f32.s32 v6;
	v2 =	vadd.s32 $0x2080, v2;
	v9 =	vld [tilespmem:s20+$0x470]  }
0x5b2: {  	[tilespmem:v5+s12+$0x0] =	vst.idx.add.f32.msk $0xffff, v1;
	v7 =	vadd.f32 $5.000000000e-01, v7;
	v4 =	vtrunc.f32 v4  }
0x5b3: {  	v5 =	vadd.s32 $0x2080, v6;
	v6 =	vld [tilespmem:s31+$0x10];
	v4 =	vcvt.f32.s32 v4  }
0x5b4: {  	v7 =	vtrunc.f32 v7;
	v8 =	vmul.f32 $8.192000000e+03, v8;
	[tilespmem:v3+s12+$0x0] =	vst.idx.add.f32.msk $0xffff, v1  }
0x5b5: {  	v3 =	vcvt.f32.s32 v7;
	v4 =	vadd.s32 $0x2080, v4;
	v7 =	vld [tilespmem:s21+$0x810]  }
0x5b6: {  	[tilespmem:v2+s12+$0x0] =	vst.idx.add.f32.msk $0xffff, v1;
	v9 =	vmul.f32 $8.192000000e+03, v9;
	v2 =	vadd.f32 $5.000000000e-01, v8  }
0x5b7: {  	v8 =	vld [tilespmem:s29+$0x10];
	v3 =	vadd.s32 $0x2080, v3  }
0x5b8: {  	[tilespmem:v5+s12+$0x0] =	vst.idx.add.f32.msk $0xffff, v1;
	v5 =	vmul.f32 $8.192000000e+03, v6;
	v9 =	vadd.f32 $5.000000000e-01, v9;
	v2 =	vtrunc.f32 v2  }
0x5b9: {  	v6 =	vld [tilespmem:s24+$0x60];
	v2 =	vcvt.f32.s32 v2  }
0x5ba: {  	v5 =	vadd.f32 $5.000000000e-01, v5;
	v9 =	vtrunc.f32 v9;
	[tilespmem:v4+s12+$0x0] =	vst.idx.add.f32.msk $0xffff, v1;
	v4 =	vmul.f32 $8.192000000e+03, v7  }
0x5bb: {  	v7 =	vcvt.f32.s32 v9;
	v2 =	vadd.s32 $0x2080, v2;
	v9 =	vld [tilespmem:s2+$0x440]  }
0x5bc: {  	v5 =	vtrunc.f32 v5;
	[tilespmem:v3+s12+$0x0] =	vst.idx.add.f32.msk $0xffff, v1;
	v3 =	vmul.f32 $8.192000000e+03, v8;
	v4 =	vadd.f32 $5.000000000e-01, v4  }
0x5bd: {  	v5 =	vcvt.f32.s32 v5;
	v7 =	vadd.s32 $0x2080, v7;
	v8 =	vld [tilespmem:s22+$0x430]  }
0x5be: {  	v6 =	vmul.f32 $8.192000000e+03, v6;
	v3 =	vadd.f32 $5.000000000e-01, v3;
	v4 =	vtrunc.f32 v4  }
0x5bf: {  	v5 =	vadd.s32 $0x2080, v5;
	v4 =	vcvt.f32.s32 v4  }
0x5c0: {  	v6 =	vadd.f32 $5.000000000e-01, v6;
	[tilespmem:v2+s12+$0x0] =	vst.idx.add.f32.msk $0xffff, v1;
	v2 =	vtrunc.f32 v3;
	v3 =	vmul.f32 $8.192000000e+03, v9  }
0x5c1: {  	v9 =	vld [tilespmem:s25+$0x70];
	v2 =	vcvt.f32.s32 v2;
	v4 =	vadd.s32 $0x2080, v4  }
0x5c2: {  	v6 =	vtrunc.f32 v6;
	[tilespmem:v7+s12+$0x0] =	vst.idx.add.f32.msk $0xffff, v1;
	v7 =	vmul.f32 $8.192000000e+03, v8;
	v3 =	vadd.f32 $5.000000000e-01, v3  }
0x5c3: {  	v6 =	vcvt.f32.s32 v6;
	v8 =	vld [tilespmem:s20+$0x800];
	v2 =	vadd.s32 $0x2080, v2  }
0x5c4: {  	[tilespmem:v5+s12+$0x0] =	vst.idx.add.f32.msk $0xffff, v1;
	v5 =	vadd.f32 $5.000000000e-01, v7;
	v3 =	vtrunc.f32 v3  }
0x5c5: {  	v6 =	vadd.s32 $0x2080, v6;
	v7 =	vld [tilespmem:s31+$0x20];
	v3 =	vcvt.f32.s32 v3  }
0x5c6: {  	v9 =	vmul.f32 $8.192000000e+03, v9;
	v5 =	vtrunc.f32 v5;
	[tilespmem:v4+s12+$0x0] =	vst.idx.add.f32.msk $0xffff, v1  }
0x5c7: {  	v4 =	vcvt.f32.s32 v5;
	v3 =	vadd.s32 $0x2080, v3;
	v5 =	vld [tilespmem:s21+$0x820]  }
0x5c8: {  	v8 =	vmul.f32 $8.192000000e+03, v8;
	v9 =	vadd.f32 $5.000000000e-01, v9;
	[tilespmem:v2+s12+$0x0] =	vst.idx.add.f32.msk $0xffff, v1  }
0x5c9: {  	v2 =	vld [tilespmem:s29+$0x20];
	v4 =	vadd.s32 $0x2080, v4  }
0x5ca: {  	[tilespmem:v6+s12+$0x0] =	vst.idx.add.f32.msk $0xffff, v1;
	v7 =	vmul.f32 $8.192000000e+03, v7;
	v8 =	vadd.f32 $5.000000000e-01, v8;
	v9 =	vtrunc.f32 v9  }
0x5cb: {  	v6 =	vcvt.f32.s32 v9;
	v9 =	vld [tilespmem:s24+$0x70]  }
0x5cc: {  	v7 =	vadd.f32 $5.000000000e-01, v7;
	v8 =	vtrunc.f32 v8;
	[tilespmem:v3+s12+$0x0] =	vst.idx.add.f32.msk $0xffff, v1;
	v3 =	vmul.f32 $8.192000000e+03, v5  }
0x5cd: {  	v5 =	vcvt.f32.s32 v8;
	v6 =	vadd.s32 $0x2080, v6;
	v8 =	vld [tilespmem:s2+$0x450]  }
0x5ce: {  	v7 =	vtrunc.f32 v7;
	v2 =	vmul.f32 $8.192000000e+03, v2;
	[tilespmem:v4+s12+$0x0] =	vst.idx.add.f32.msk $0xffff, v1;
	v3 =	vadd.f32 $5.000000000e-01, v3  }
0x5cf: {  	v4 =	vadd.s32 $0x2080, v5;
	v5 =	vcvt.f32.s32 v7;
	v7 =	vld [tilespmem:s22+$0x440]  }
0x5d0: {  	v2 =	vadd.f32 $5.000000000e-01, v2;
	v9 =	vmul.f32 $8.192000000e+03, v9;
	v3 =	vtrunc.f32 v3  }
0x5d1: {  	v5 =	vadd.s32 $0x2080, v5;
	v3 =	vcvt.f32.s32 v3  }
0x5d2: {  	[tilespmem:v6+s12+$0x0] =	vst.idx.add.f32.msk $0xffff, v1;
	v2 =	vtrunc.f32 v2;
	v6 =	vadd.f32 $5.000000000e-01, v9;
	v8 =	vmul.f32 $8.192000000e+03, v8  }
0x5d3: {  	v2 =	vcvt.f32.s32 v2;
	v9 =	vld [tilespmem:s25+$0x400];
	v3 =	vadd.s32 $0x2080, v3  }
0x5d4: {  	v6 =	vtrunc.f32 v6;
	v7 =	vmul.f32 $8.192000000e+03, v7;
	[tilespmem:v4+s12+$0x0] =	vst.idx.add.f32.msk $0xffff, v1;
	v8 =	vadd.f32 $5.000000000e-01, v8  }
0x5d5: {  	v2 =	vadd.s32 $0x2080, v2;
	v4 =	vcvt.f32.s32 v6;
	v6 =	vld [tilespmem:s20+$0x810]  }
0x5d6: {  	[tilespmem:v5+s12+$0x0] =	vst.idx.add.f32.msk $0xffff, v1;
	v5 =	vadd.f32 $5.000000000e-01, v7;
	v7 =	vtrunc.f32 v8  }
0x5d7: {  	v8 =	vld [tilespmem:s31+$0x30];
	v4 =	vadd.s32 $0x2080, v4;
	v7 =	vcvt.f32.s32 v7  }
0x5d8: {  	v9 =	vmul.f32 $8.192000000e+03, v9;
	v5 =	vtrunc.f32 v5;
	[tilespmem:v3+s12+$0x0] =	vst.idx.add.f32.msk $0xffff, v1  }
0x5d9: {  	v3 =	vcvt.f32.s32 v5;
	v5 =	vadd.s32 $0x2080, v7;
	v7 =	vld [tilespmem:s21+$0x830]  }
0x5da: {  	[tilespmem:v2+s12+$0x0] =	vst.idx.add.f32.msk $0xffff, v1;
	v2 =	vadd.f32 $5.000000000e-01, v9;
	v6 =	vmul.f32 $8.192000000e+03, v6  }
0x5db: {  	v9 =	vld [tilespmem:s29+$0x30];
	v3 =	vadd.s32 $0x2080, v3  }
0x5dc: {  	v8 =	vmul.f32 $8.192000000e+03, v8;
	[tilespmem:v4+s12+$0x0] =	vst.idx.add.f32.msk $0xffff, v1;
	v2 =	vtrunc.f32 v2;
	v4 =	vadd.f32 $5.000000000e-01, v6  }
0x5dd: {  	v6 =	vld [tilespmem:s24+$0x400];
	v2 =	vcvt.f32.s32 v2  }
0x5de: {  	v8 =	vadd.f32 $5.000000000e-01, v8;
	v4 =	vtrunc.f32 v4;
	[tilespmem:v5+s12+$0x0] =	vst.idx.add.f32.msk $0xffff, v1;
	v5 =	vmul.f32 $8.192000000e+03, v7  }
0x5df: {  	v2 =	vadd.s32 $0x2080, v2;
	v4 =	vcvt.f32.s32 v4;
	v7 =	vld [tilespmem:s2+$0x460]  }
0x5e0: {  	v9 =	vmul.f32 $8.192000000e+03, v9;
	v8 =	vtrunc.f32 v8;
	[tilespmem:v3+s12+$0x0] =	vst.idx.add.f32.msk $0xffff, v1;
	v3 =	vadd.f32 $5.000000000e-01, v5  }
0x5e1: {  	v5 =	vcvt.f32.s32 v8;
	v8 =	vld [tilespmem:s22+$0x450];
	v4 =	vadd.s32 $0x2080, v4  }
0x5e2: {  	v9 =	vadd.f32 $5.000000000e-01, v9;
	v6 =	vmul.f32 $8.192000000e+03, v6;
	v3 =	vtrunc.f32 v3  }
0x5e3: {  	v5 =	vadd.s32 $0x2080, v5;
	v3 =	vcvt.f32.s32 v3  }
0x5e4: {  	v9 =	vtrunc.f32 v9;
	v6 =	vadd.f32 $5.000000000e-01, v6;
	[tilespmem:v2+s12+$0x0] =	vst.idx.add.f32.msk $0xffff, v1;
	v2 =	vmul.f32 $8.192000000e+03, v7  }
0x5e5: {  	v7 =	vcvt.f32.s32 v9;
	v9 =	vld [tilespmem:s25+$0x410];
	v3 =	vadd.s32 $0x2080, v3  }
0x5e6: {  	v6 =	vtrunc.f32 v6;
	v8 =	vmul.f32 $8.192000000e+03, v8;
	[tilespmem:v4+s12+$0x0] =	vst.idx.add.f32.msk $0xffff, v1;
	v2 =	vadd.f32 $5.000000000e-01, v2  }
0x5e7: {  	v4 =	vadd.s32 $0x2080, v7;
	v6 =	vcvt.f32.s32 v6;
	v7 =	vld [tilespmem:s20+$0x820]  }
0x5e8: {  	[tilespmem:v5+s12+$0x0] =	vst.idx.add.f32.msk $0xffff, v1;
	v5 =	vadd.f32 $5.000000000e-01, v8;
	v2 =	vtrunc.f32 v2  }
0x5e9: {  	v8 =	vld [tilespmem:s31+$0x40];
	v6 =	vadd.s32 $0x2080, v6;
	v2 =	vcvt.f32.s32 v2  }
0x5ea: {  	v9 =	vmul.f32 $8.192000000e+03, v9;
	v5 =	vtrunc.f32 v5;
	[tilespmem:v3+s12+$0x0] =	vst.idx.add.f32.msk $0xffff, v1  }
0x5eb: {  	v3 =	vcvt.f32.s32 v5;
	v2 =	vadd.s32 $0x2080, v2;
	v5 =	vld [tilespmem:s21+$0x840]  }
0x5ec: {  	[tilespmem:v4+s12+$0x0] =	vst.idx.add.f32.msk $0xffff, v1;
	v4 =	vadd.f32 $5.000000000e-01, v9;
	v7 =	vmul.f32 $8.192000000e+03, v7  }
0x5ed: {  	v9 =	vld [tilespmem:s29+$0x40];
	v3 =	vadd.s32 $0x2080, v3  }
0x5ee: {  	[tilespmem:v6+s12+$0x0] =	vst.idx.add.f32.msk $0xffff, v1;
	v4 =	vtrunc.f32 v4;
	v6 =	vadd.f32 $5.000000000e-01, v7  }
0x5ef: {  	v7 =	vmul.f32 $8.192000000e+03, v8;
	v8 =	vld [tilespmem:s24+$0x410];
	v4 =	vcvt.f32.s32 v4  }
0x5f0: {  	[tilespmem:v2+s12+$0x0] =	vst.idx.add.f32.msk $0xffff, v1;
	v2 =	vtrunc.f32 v6;
	v5 =	vmul.f32 $8.192000000e+03, v5  }
0x5f1: {  	v6 =	vadd.f32 $5.000000000e-01, v7;
	v4 =	vadd.s32 $0x2080, v4;
	v7 =	vld [tilespmem:s2+$0x470];
	v2 =	vcvt.f32.s32 v2  }
0x5f2: {  	v9 =	vmul.f32 $8.192000000e+03, v9;
	[tilespmem:v3+s12+$0x0] =	vst.idx.add.f32.msk $0xffff, v1;
	v3 =	vadd.f32 $5.000000000e-01, v5  }
0x5f3: {  	p0 =	sgt.s32 s8, $0x8;
	v5 =	vtrunc.f32 v6;
	v6 =	vld [tilespmem:s22+$0x460];
	v13 =	vadd.s32 $0x2080, v2  }
.Ltmp16:
0x5f4: {  	v2 =	vadd.f32 $5.000000000e-01, v9;
	v8 =	vmul.f32 $8.192000000e+03, v8;
	v3 =	vtrunc.f32 v3;
	(pc) =	sbr.rel @!p0 .LBB2_29-.Ltmp16, $4  }
0x5f5: {  	v5 =	vcvt.f32.s32 v5;
	v3 =	vcvt.f32.s32 v3  }
0x5f6: {  	v2 =	vtrunc.f32 v2;
	v8 =	vadd.f32 $5.000000000e-01, v8;
	[tilespmem:v4+s12+$0x0] =	vst.idx.add.f32.msk $0xffff, v1;
	v7 =	vmul.f32 $8.192000000e+03, v7  }
0x5f7: {  	v12 =	vadd.s32 $0x2080, v5;
	v11 =	vcvt.f32.s32 v2;
	v10 =	vld [tilespmem:s25+$0x420];
	v2 =	vadd.s32 $0x2080, v3  }
0x5f8: {  	p6 =	por $0x1, $0x1;
	v9 =	vtrunc.f32 v8;
	v4 =	vmul.f32 $8.192000000e+03, v6;
	v3 =	vadd.f32 $5.000000000e-01, v7;
	[tilespmem:v13+s12+$0x0] =	vst.idx.add.f32.msk $0xffff, v1  }
0x5f9: {  	_ =	sdelay $0x2  }
0x5fa: {  	s1 =	sadd.s32 $0x8, s14;
	v5 =	vadd.s32 $0x2080, v11;
	v6 =	vld [tilespmem:s20+$0x830]  }
0x5fb: {  	[tilespmem:v12+s12+$0x0] =	vst.idx.add.f32.msk $0xffff, v1;
	s3 =	sadd.s32 $0x1, s1;
	v7 =	vtrunc.f32 v3  }
0x5fc: {  	v8 =	vld [tilespmem:s31+$0x50];
	s3 =	sshrl.u32 s3, $0x3;
	v7 =	vcvt.f32.s32 v7  }
0x5fd: {  	s0 =	sadd.s32 $0x100, s0;
	[tilespmem:v2+s12+$0x0] =	vst.idx.add.f32.msk $0xffff, v1;
	s1 =	sshrl.u32 s1, $0x3;
	v11 =	vadd.f32 $5.000000000e-01, v4;
	s3 =	smul.u32 $0x3000, s3;
	v10 =	vmul.f32 $8.192000000e+03, v10  }
0x5fe: {  	v9 =	vcvt.f32.s32 v9;
	s4 =	sadd.s32 $0x80, s0;
	v12 =	vld [tilespmem:s21+$0x850];
	s1 =	smul.u32 $0x3000, s1;
	v7 =	vadd.s32 $0x2080, v7  }
0x5ff: {  	s4 =	sand.u32 $0x380, s4;
	v11 =	vtrunc.f32 v11;
	s3 =	sshra.s32 s3, $0x2;
	[tilespmem:v5+s12+$0x0] =	vst.idx.add.f32.msk $0xffff, v1;
	v5 =	vadd.f32 $5.000000000e-01, v10;
	v6 =	vmul.f32 $8.192000000e+03, v6  }
0x600: {  	s5 =	sand.u32 $0x380, s0;
	v9 =	vadd.s32 $0x2080, v9;
	s1 =	sshra.s32 s1, $0x2;
	v10 =	vcvt.f32.s32 v11;
	s28 =	sor.u32 s4, s3;
	v11 =	vld [tilespmem:s29+$0x50]  }
0x601: {  	s26 =	sor.u32 s5, s1;
	v8 =	vmul.f32 $8.192000000e+03, v8;
	v13 =	vld [tilespmem:s28+$0x0];
	v5 =	vtrunc.f32 v5;
	v6 =	vadd.f32 $5.000000000e-01, v6  }
0x602: {  	v14 =	vld [tilespmem:s26+$0x0];
	v10 =	vadd.s32 $0x2080, v10;
	v5 =	vcvt.f32.s32 v5  }
0x603: {  	v8 =	vadd.f32 $5.000000000e-01, v8;
	[tilespmem:v7+s12+$0x0] =	vst.idx.add.f32.msk $0xffff, v1;
	v6 =	vtrunc.f32 v6;
	v7 =	vmul.f32 $8.192000000e+03, v12  }
0x604: {  	v5 =	vadd.s32 $0x2080, v5;
	v12 =	vld [tilespmem:s2+$0x800];
	v6 =	vcvt.f32.s32 v6  }
0x605: {  	[tilespmem:v9+s12+$0x0] =	vst.idx.add.f32.msk $0xffff, v1;
	v8 =	vtrunc.f32 v8;
	v11 =	vmul.f32 $8.192000000e+03, v11;
	v7 =	vadd.f32 $5.000000000e-01, v7  }
0x606: {  	v8 =	vcvt.f32.s32 v8;
	v9 =	vmul.f32 $8.192000000e+03, v13;
	v13 =	vld [tilespmem:s24+$0x420];
	v6 =	vadd.s32 $0x2080, v6  }
0x607: {  	v14 =	vmul.f32 $8.192000000e+03, v14;
	[tilespmem:v10+s12+$0x0] =	vst.idx.add.f32.msk $0xffff, v1;
	v11 =	vadd.f32 $5.000000000e-01, v11;
	v7 =	vtrunc.f32 v7  }
0x608: {  	v8 =	vadd.s32 $0x2080, v8;
	v10 =	vld [tilespmem:s22+$0x470];
	v9 =	vadd.f32 $5.000000000e-01, v9;
	v7 =	vcvt.f32.s32 v7  }
0x609: {  	v14 =	vadd.f32 $5.000000000e-01, v14;
	v11 =	vtrunc.f32 v11;
	[tilespmem:v5+s12+$0x0] =	vst.idx.add.f32.msk $0xffff, v1;
	v5 =	vmul.f32 $8.192000000e+03, v12  }
0x60a: {  	v9 =	vtrunc.f32 v9;
	v11 =	vcvt.f32.s32 v11;
	v12 =	vld [tilespmem:s25+$0x430];
	v7 =	vadd.s32 $0x2080, v7  }
0x60b: {  	v14 =	vtrunc.f32 v14;
	v9 =	vcvt.f32.s32 v9;
	[tilespmem:v6+s12+$0x0] =	vst.idx.add.f32.msk $0xffff, v1  }
0x60c: {  	v5 =	vadd.f32 $5.000000000e-01, v5;
	v6 =	vcvt.f32.s32 v14;
	v11 =	vadd.s32 $0x2080, v11;
	v14 =	vld [tilespmem:s20+$0x840]  }
0x60d: {  	[tilespmem:v8+s12+$0x0] =	vst.idx.add.f32.msk $0xffff, v1;
	v9 =	vadd.s32 $0x2080, v9  }
0x60e: {  	v5 =	vtrunc.f32 v5;
	v8 =	vld [tilespmem:s31+$0x60];
	v6 =	vadd.s32 $0x2080, v6  }
0x60f: {  	v13 =	vmul.f32 $8.192000000e+03, v13;
	v5 =	vcvt.f32.s32 v5;
	[tilespmem:v7+s12+$0x0] =	vst.idx.add.f32.msk $0xffff, v1  }
0x610: {  	v12 =	vmul.f32 $8.192000000e+03, v12;
	v7 =	vld [tilespmem:s21+$0x860]  }
0x611: {  	v13 =	vadd.f32 $5.000000000e-01, v13;
	v5 =	vadd.s32 $0x2080, v5;
	[tilespmem:v11+s12+$0x0] =	vst.idx.add.f32.msk $0xffff, v1  }
0x612: {  	v10 =	vmul.f32 $8.192000000e+03, v10;
	v11 =	vadd.f32 $5.000000000e-01, v12;
	[tilespmem:v9+s12+$0x0] =	vst.idx.add.f32.msk $0xffff, v1  }
0x613: {  	v13 =	vtrunc.f32 v13;
	[tilespmem:v6+s12+$0x0] =	vst.idx.add.f32.msk $0xffff, v1  }
0x614: {  	v12 =	vcvt.f32.s32 v13;
	v9 =	vadd.f32 $5.000000000e-01, v10;
	v10 =	vld [tilespmem:s28+$0x10];
	v11 =	vtrunc.f32 v11  }
0x615: {  	v8 =	vmul.f32 $8.192000000e+03, v8;
	v13 =	vld [tilespmem:s26+$0x10];
	v6 =	vcvt.f32.s32 v11  }
0x616: {  	v12 =	vadd.s32 $0x2080, v12;
	v9 =	vtrunc.f32 v9;
	[tilespmem:v5+s12+$0x0] =	vst.idx.add.f32.msk $0xffff, v1;
	v5 =	vmul.f32 $8.192000000e+03, v7  }
0x617: {  	v8 =	vadd.f32 $5.000000000e-01, v8;
	v7 =	vcvt.f32.s32 v9;
	v6 =	vadd.s32 $0x2080, v6;
	v9 =	vld [tilespmem:s2+$0x810]  }
0x618: {  	v11 =	vmul.f32 $8.192000000e+03, v14;
	v5 =	vadd.f32 $5.000000000e-01, v5  }
0x619: {  	v14 =	vld [tilespmem:s29+$0x60];
	v8 =	vtrunc.f32 v8;
	v7 =	vadd.s32 $0x2080, v7;
	v10 =	vmul.f32 $8.192000000e+03, v10  }
0x61a: {  	v8 =	vcvt.f32.s32 v8;
	v5 =	vtrunc.f32 v5  }
0x61b: {  	v11 =	vadd.f32 $5.000000000e-01, v11;
	[tilespmem:v12+s12+$0x0] =	vst.idx.add.f32.msk $0xffff, v1;
	v10 =	vadd.f32 $5.000000000e-01, v10;
	v5 =	vcvt.f32.s32 v5  }
0x61c: {  	v13 =	vmul.f32 $8.192000000e+03, v13;
	v8 =	vadd.s32 $0x2080, v8;
	[tilespmem:v6+s12+$0x0] =	vst.idx.add.f32.msk $0xffff, v1;
	v6 =	vmul.f32 $8.192000000e+03, v9  }
0x61d: {  	v9 =	vtrunc.f32 v11;
	v10 =	vtrunc.f32 v10;
	v11 =	vld [tilespmem:s25+$0x440];
	v5 =	vadd.s32 $0x2080, v5  }
0x61e: {  	[tilespmem:v7+s12+$0x0] =	vst.idx.add.f32.msk $0xffff, v1;
	v7 =	vcvt.f32.s32 v9;
	v9 =	vmul.f32 $8.192000000e+03, v14;
	v6 =	vadd.f32 $5.000000000e-01, v6  }
0x61f: {  	v12 =	vld [tilespmem:s24+$0x430];
	v13 =	vadd.f32 $5.000000000e-01, v13;
	v10 =	vcvt.f32.s32 v10  }
0x620: {  	v14 =	vld [tilespmem:s22+$0x800];
	v7 =	vadd.s32 $0x2080, v7;
	v9 =	vadd.f32 $5.000000000e-01, v9;
	v6 =	vtrunc.f32 v6  }
0x621: {  	[tilespmem:v8+s12+$0x0] =	vst.idx.add.f32.msk $0xffff, v1;
	v10 =	vadd.s32 $0x2080, v10;
	v6 =	vcvt.f32.s32 v6  }
0x622: {  	v13 =	vtrunc.f32 v13;
	v8 =	vld [tilespmem:s31+$0x70];
	v9 =	vtrunc.f32 v9  }
0x623: {  	v11 =	vmul.f32 $8.192000000e+03, v11;
	[tilespmem:v5+s12+$0x0] =	vst.idx.add.f32.msk $0xffff, v1;
	v5 =	vcvt.f32.s32 v13;
	v6 =	vadd.s32 $0x2080, v6  }
0x624: {  	v12 =	vmul.f32 $8.192000000e+03, v12;
	v9 =	vcvt.f32.s32 v9;
	v13 =	vld [tilespmem:s21+$0x870]  }
0x625: {  	v11 =	vadd.f32 $5.000000000e-01, v11;
	v5 =	vadd.s32 $0x2080, v5;
	[tilespmem:v7+s12+$0x0] =	vst.idx.add.f32.msk $0xffff, v1  }
0x626: {  	v7 =	vadd.s32 $0x2080, v9;
	[tilespmem:v10+s12+$0x0] =	vst.idx.add.f32.msk $0xffff, v1;
	v10 =	vadd.f32 $5.000000000e-01, v12;
	v12 =	vmul.f32 $8.192000000e+03, v14  }
0x627: {  	v8 =	vmul.f32 $8.192000000e+03, v8;
	v14 =	vld [tilespmem:s28+$0x20];
	v11 =	vtrunc.f32 v11  }
0x628: {  	v9 =	vcvt.f32.s32 v11;
	[tilespmem:v6+s12+$0x0] =	vst.idx.add.f32.msk $0xffff, v1  }
0x629: {  	v10 =	vtrunc.f32 v10;
	v8 =	vadd.f32 $5.000000000e-01, v8;
	v6 =	vmul.f32 $8.192000000e+03, v13;
	v11 =	vld [tilespmem:s2+$0x820]  }
0x62a: {  	v10 =	vcvt.f32.s32 v10;
	v9 =	vadd.s32 $0x2080, v9;
	[tilespmem:v5+s12+$0x0] =	vst.idx.add.f32.msk $0xffff, v1  }
0x62b: {  	v8 =	vtrunc.f32 v8;
	[tilespmem:v7+s12+$0x0] =	vst.idx.add.f32.msk $0xffff, v1;
	v5 =	vadd.f32 $5.000000000e-01, v6  }
0x62c: {  	v12 =	vadd.f32 $5.000000000e-01, v12;
	v6 =	vld [tilespmem:s26+$0x20];
	v10 =	vadd.s32 $0x2080, v10;
	v7 =	vcvt.f32.s32 v8  }
0x62d: {  	v13 =	vmul.f32 $8.192000000e+03, v14;
	v5 =	vtrunc.f32 v5  }
0x62e: {  	v8 =	vtrunc.f32 v12;
	v12 =	vld [tilespmem:s29+$0x70];
	v5 =	vcvt.f32.s32 v5  }
0x62f: {  	v7 =	vadd.s32 $0x2080, v7;
	v13 =	vadd.f32 $5.000000000e-01, v13;
	[tilespmem:v9+s12+$0x0] =	vst.idx.add.f32.msk $0xffff, v1;
	v9 =	vmul.f32 $8.192000000e+03, v11  }
0x630: {  	v8 =	vcvt.f32.s32 v8;
	v11 =	vld [tilespmem:s25+$0x450];
	v5 =	vadd.s32 $0x2080, v5  }
0x631: {  	v6 =	vmul.f32 $8.192000000e+03, v6;
	v13 =	vtrunc.f32 v13;
	[tilespmem:v10+s12+$0x0] =	vst.idx.add.f32.msk $0xffff, v1;
	v9 =	vadd.f32 $5.000000000e-01, v9  }
0x632: {  	v8 =	vadd.s32 $0x2080, v8;
	v10 =	vcvt.f32.s32 v13;
	v13 =	vld [tilespmem:s24+$0x440]  }
0x633: {  	v14 =	vld [tilespmem:s20+$0x850];
	v12 =	vmul.f32 $8.192000000e+03, v12;
	v6 =	vadd.f32 $5.000000000e-01, v6;
	v9 =	vtrunc.f32 v9  }
0x634: {  	[tilespmem:v7+s12+$0x0] =	vst.idx.add.f32.msk $0xffff, v1;
	v10 =	vadd.s32 $0x2080, v10;
	v7 =	vcvt.f32.s32 v9  }
0x635: {  	v6 =	vtrunc.f32 v6;
	v9 =	vadd.f32 $5.000000000e-01, v12;
	v11 =	vmul.f32 $8.192000000e+03, v11;
	[tilespmem:v5+s12+$0x0] =	vst.idx.add.f32.msk $0xffff, v1  }
0x636: {  	v5 =	vcvt.f32.s32 v6;
	v6 =	vld [tilespmem:s31+$0x400];
	v7 =	vadd.s32 $0x2080, v7  }
0x637: {  	[tilespmem:v8+s12+$0x0] =	vst.idx.add.f32.msk $0xffff, v1;
	v9 =	vtrunc.f32 v9;
	v12 =	vmul.f32 $8.192000000e+03, v13;
	v11 =	vadd.f32 $5.000000000e-01, v11  }
0x638: {  	v5 =	vadd.s32 $0x2080, v5;
	v8 =	vcvt.f32.s32 v9;
	v9 =	vld [tilespmem:s22+$0x810]  }
0x639: {  	v13 =	vmul.f32 $8.192000000e+03, v14;
	[tilespmem:v10+s12+$0x0] =	vst.idx.add.f32.msk $0xffff, v1;
	v10 =	vadd.f32 $5.000000000e-01, v12;
	v11 =	vtrunc.f32 v11  }
0x63a: {  	v12 =	vld [tilespmem:s28+$0x30];
	v8 =	vadd.s32 $0x2080, v8;
	v11 =	vcvt.f32.s32 v11  }
0x63b: {  	v13 =	vadd.f32 $5.000000000e-01, v13;
	v6 =	vmul.f32 $8.192000000e+03, v6;
	v10 =	vtrunc.f32 v10;
	[tilespmem:v7+s12+$0x0] =	vst.idx.add.f32.msk $0xffff, v1  }
0x63c: {  	v7 =	vcvt.f32.s32 v10;
	v10 =	vadd.s32 $0x2080, v11;
	v11 =	vld [tilespmem:s2+$0x830]  }
0x63d: {  	v13 =	vtrunc.f32 v13;
	[tilespmem:v5+s12+$0x0] =	vst.idx.add.f32.msk $0xffff, v1;
	v5 =	vadd.f32 $5.000000000e-01, v6;
	v6 =	vmul.f32 $8.192000000e+03, v9  }
0x63e: {  	v9 =	vcvt.f32.s32 v13;
	v13 =	vld [tilespmem:s26+$0x30];
	v7 =	vadd.s32 $0x2080, v7  }
0x63f: {  	v12 =	vmul.f32 $8.192000000e+03, v12;
	[tilespmem:v8+s12+$0x0] =	vst.idx.add.f32.msk $0xffff, v1;
	v5 =	vtrunc.f32 v5;
	v6 =	vadd.f32 $5.000000000e-01, v6  }
0x640: {  	v8 =	vadd.s32 $0x2080, v9;
	v9 =	vld [tilespmem:s29+$0x400];
	v5 =	vcvt.f32.s32 v5  }
0x641: {  	v12 =	vadd.f32 $5.000000000e-01, v12;
	v6 =	vtrunc.f32 v6;
	[tilespmem:v10+s12+$0x0] =	vst.idx.add.f32.msk $0xffff, v1;
	v10 =	vmul.f32 $8.192000000e+03, v11  }
0x642: {  	v5 =	vadd.s32 $0x2080, v5;
	v6 =	vcvt.f32.s32 v6;
	v11 =	vld [tilespmem:s25+$0x460]  }
0x643: {  	v13 =	vmul.f32 $8.192000000e+03, v13;
	v12 =	vtrunc.f32 v12;
	[tilespmem:v7+s12+$0x0] =	vst.idx.add.f32.msk $0xffff, v1;
	v7 =	vadd.f32 $5.000000000e-01, v10  }
0x644: {  	v10 =	vcvt.f32.s32 v12;
	v12 =	vld [tilespmem:s24+$0x450];
	v6 =	vadd.s32 $0x2080, v6  }
0x645: {  	[tilespmem:v8+s12+$0x0] =	vst.idx.add.f32.msk $0xffff, v1;
	v13 =	vadd.f32 $5.000000000e-01, v13;
	v9 =	vmul.f32 $8.192000000e+03, v9;
	v7 =	vtrunc.f32 v7  }
0x646: {  	v8 =	vadd.s32 $0x2080, v10;
	v10 =	vld [tilespmem:s20+$0x860];
	v7 =	vcvt.f32.s32 v7  }
0x647: {  	v13 =	vtrunc.f32 v13;
	v9 =	vadd.f32 $5.000000000e-01, v9;
	[tilespmem:v5+s12+$0x0] =	vst.idx.add.f32.msk $0xffff, v1;
	v5 =	vmul.f32 $8.192000000e+03, v11  }
0x648: {  	v11 =	vcvt.f32.s32 v13;
	v13 =	vld [tilespmem:s31+$0x410];
	v7 =	vadd.s32 $0x2080, v7  }
0x649: {  	v9 =	vtrunc.f32 v9;
	v12 =	vmul.f32 $8.192000000e+03, v12;
	[tilespmem:v6+s12+$0x0] =	vst.idx.add.f32.msk $0xffff, v1;
	v5 =	vadd.f32 $5.000000000e-01, v5  }
0x64a: {  	v6 =	vadd.s32 $0x2080, v11;
	v9 =	vcvt.f32.s32 v9;
	v11 =	vld [tilespmem:s22+$0x820]  }
0x64b: {  	[tilespmem:v8+s12+$0x0] =	vst.idx.add.f32.msk $0xffff, v1;
	v8 =	vadd.f32 $5.000000000e-01, v12;
	v10 =	vmul.f32 $8.192000000e+03, v10;
	v5 =	vtrunc.f32 v5  }
0x64c: {  	v12 =	vld [tilespmem:s28+$0x40];
	v9 =	vadd.s32 $0x2080, v9;
	v5 =	vcvt.f32.s32 v5  }
0x64d: {  	v13 =	vmul.f32 $8.192000000e+03, v13;
	v8 =	vtrunc.f32 v8;
	[tilespmem:v7+s12+$0x0] =	vst.idx.add.f32.msk $0xffff, v1;
	v7 =	vadd.f32 $5.000000000e-01, v10  }
0x64e: {  	v8 =	vcvt.f32.s32 v8;
	v5 =	vadd.s32 $0x2080, v5;
	v10 =	vld [tilespmem:s2+$0x840]  }
0x64f: {  	[tilespmem:v6+s12+$0x0] =	vst.idx.add.f32.msk $0xffff, v1;
	v6 =	vadd.f32 $5.000000000e-01, v13;
	v7 =	vtrunc.f32 v7  }
0x650: {  	v11 =	vmul.f32 $8.192000000e+03, v11;
	v13 =	vld [tilespmem:s26+$0x40];
	v8 =	vadd.s32 $0x2080, v8;
	v7 =	vcvt.f32.s32 v7  }
0x651: {  	[tilespmem:v9+s12+$0x0] =	vst.idx.add.f32.msk $0xffff, v1;
	v6 =	vtrunc.f32 v6  }
0x652: {  	v9 =	vadd.f32 $5.000000000e-01, v11;
	v11 =	vmul.f32 $8.192000000e+03, v12;
	v12 =	vld [tilespmem:s29+$0x410];
	v7 =	vadd.s32 $0x2080, v7  }
0x653: {  	v6 =	vcvt.f32.s32 v6;
	[tilespmem:v5+s12+$0x0] =	vst.idx.add.f32.msk $0xffff, v1  }
0x654: {  	v5 =	vtrunc.f32 v9;
	v9 =	vmul.f32 $8.192000000e+03, v10;
	v10 =	vadd.f32 $5.000000000e-01, v11;
	v11 =	vld [tilespmem:s25+$0x470]  }
0x655: {  	v6 =	vadd.s32 $0x2080, v6;
	v5 =	vcvt.f32.s32 v5;
	[tilespmem:v8+s12+$0x0] =	vst.idx.add.f32.msk $0xffff, v1  }
0x656: {  	v13 =	vmul.f32 $8.192000000e+03, v13;
	v8 =	vadd.f32 $5.000000000e-01, v9;
	v9 =	vtrunc.f32 v10;
	v14 =	vld [tilespmem:s24+$0x460]  }
0x657: {  	p0 =	sgt.s32 s8, $0xA;
	v15 =	vadd.s32 $0x2080, v5;
	v12 =	vmul.f32 $8.192000000e+03, v12;
	[tilespmem:v7+s12+$0x0] =	vst.idx.add.f32.msk $0xffff, v1;
	v7 =	vcvt.f32.s32 v9  }
.Ltmp17:
0x658: {  	v10 =	vadd.f32 $5.000000000e-01, v13;
	v5 =	vtrunc.f32 v8;
	(pc) =	sbr.rel @!p0 .LBB2_31-.Ltmp17, $4  }
0x659: {  	v8 =	vcvt.f32.s32 v5;
	v5 =	vld [tilespmem:s20+$0x870];
	v13 =	vadd.f32 $5.000000000e-01, v12;
	v12 =	vadd.s32 $0x2080, v7  }
0x65a: {  	v9 =	vtrunc.f32 v10;
	[tilespmem:v6+s12+$0x0] =	vst.idx.add.f32.msk $0xffff, v1;
	v16 =	vmul.f32 $8.192000000e+03, v11  }
0x65b: {  	p3 =	por $0x1, $0x1;
	v11 =	vcvt.f32.s32 v9;
	v10 =	vld [tilespmem:s31+$0x420];
	v6 =	vadd.s32 $0x2080, v8  }
0x65c: {  	s30 =	smov.u32 s22;
	s23 =	smov.u32 s2;
	s1 =	simm.s32 $0xA;
	v9 =	vtrunc.f32 v13;
	v8 =	vmul.f32 $8.192000000e+03, v14;
	v7 =	vadd.f32 $5.000000000e-01, v16;
	[tilespmem:v15+s12+$0x0] =	vst.idx.add.f32.msk $0xffff, v1  }
.LBB2_32:
0x65d: {  	s3 =	sadd.s32 s1, s14;
	v11 =	vadd.s32 $0x2080, v11;
	v9 =	vcvt.f32.s32 v9;
	v13 =	vld [tilespmem:s30+$0x830]  }
0x65e: {  	s4 =	sshrl.u32 s3, $0x3;
	s3 =	sadd.s32 $0x1, s3;
	[tilespmem:v12+s12+$0x0] =	vst.idx.add.f32.msk $0xffff, v1;
	v8 =	vadd.f32 $5.000000000e-01, v8;
	v7 =	vtrunc.f32 v7;
	v5 =	vmul.f32 $8.192000000e+03, v5  }
0x65f: {  	s4 =	smul.u32 $0x3000, s4;
	s3 =	sshrl.u32 s3, $0x3;
	v12 =	vld [tilespmem:s28+$0x50];
	v9 =	vadd.s32 $0x2080, v9;
	v7 =	vcvt.f32.s32 v7  }
0x660: {  	s1 =	sadd.s32 $0x2, s1;
	s0 =	sadd.s32 $0x100, s0;
	s3 =	smul.u32 $0x3000, s3;
	v10 =	vmul.f32 $8.192000000e+03, v10;
	v8 =	vtrunc.f32 v8;
	[tilespmem:v6+s12+$0x0] =	vst.idx.add.f32.msk $0xffff, v1;
	v5 =	vadd.f32 $5.000000000e-01, v5  }
0x661: {  	s5 =	sadd.s32 $0x80, s0;
	p0 =	slt.s32 s1, s8;
	s4 =	sshra.s32 s4, $0x2;
	v6 =	vcvt.f32.s32 v8;
	v7 =	vadd.s32 $0x2080, v7;
	v8 =	vld [tilespmem:s23+$0x850]  }
0x662: {  	s7 =	sand.u32 $0x380, s0;
	s5 =	sand.u32 $0x380, s5;
	s9 =	sshra.s32 s3, $0x2;
	[tilespmem:v11+s12+$0x0] =	vst.idx.add.f32.msk $0xffff, v1;
	v10 =	vadd.f32 $5.000000000e-01, v10;
	v11 =	vmul.f32 $8.192000000e+03, v13;
	v5 =	vtrunc.f32 v5  }
0x663: {  	s3 =	sor.u32 s7, s4;
	s4 =	sor.u32 s5, s9;
	v13 =	vld [tilespmem:s26+$0x50];
	v6 =	vadd.s32 $0x2080, v6;
	v5 =	vcvt.f32.s32 v5  }
0x664: {  	v14 =	vld [tilespmem:s4+$0x0];
	v12 =	vmul.f32 $8.192000000e+03, v12;
	v10 =	vtrunc.f32 v10;
	v11 =	vadd.f32 $5.000000000e-01, v11  }
0x665: {  	v15 =	vld [tilespmem:s3+$0x0];
	v10 =	vcvt.f32.s32 v10;
	v5 =	vadd.s32 $0x2080, v5  }
0x666: {  	v12 =	vadd.f32 $5.000000000e-01, v12;
	[tilespmem:v7+s12+$0x0] =	vst.idx.add.f32.msk $0xffff, v1;
	v7 =	vtrunc.f32 v11;
	v8 =	vmul.f32 $8.192000000e+03, v8  }
0x667: {  	v10 =	vadd.s32 $0x2080, v10;
	v11 =	vld [tilespmem:s25+$0x800];
	v7 =	vcvt.f32.s32 v7  }
0x668: {  	v13 =	vmul.f32 $8.192000000e+03, v13;
	v12 =	vtrunc.f32 v12;
	[tilespmem:v9+s12+$0x0] =	vst.idx.add.f32.msk $0xffff, v1;
	v8 =	vadd.f32 $5.000000000e-01, v8  }
0x669: {  	v9 =	vmul.f32 $8.192000000e+03, v14;
	v12 =	vcvt.f32.s32 v12;
	v14 =	vld [tilespmem:s29+$0x420];
	v7 =	vadd.s32 $0x2080, v7  }
0x66a: {  	v15 =	vmul.f32 $8.192000000e+03, v15;
	v13 =	vadd.f32 $5.000000000e-01, v13;
	[tilespmem:v6+s12+$0x0] =	vst.idx.add.f32.msk $0xffff, v1;
	v6 =	vtrunc.f32 v8  }
0x66b: {  	v8 =	vadd.f32 $5.000000000e-01, v9;
	v9 =	vadd.s32 $0x2080, v12;
	v12 =	vld [tilespmem:s24+$0x470];
	v6 =	vcvt.f32.s32 v6  }
0x66c: {  	v15 =	vadd.f32 $5.000000000e-01, v15;
	v13 =	vtrunc.f32 v13;
	[tilespmem:v10+s12+$0x0] =	vst.idx.add.f32.msk $0xffff, v1;
	v10 =	vmul.f32 $8.192000000e+03, v11  }
0x66d: {  	v8 =	vtrunc.f32 v8;
	v11 =	vcvt.f32.s32 v13;
	v13 =	vld [tilespmem:s31+$0x430];
	v6 =	vadd.s32 $0x2080, v6  }
0x66e: {  	v15 =	vtrunc.f32 v15;
	v8 =	vcvt.f32.s32 v8;
	v10 =	vadd.f32 $5.000000000e-01, v10;
	[tilespmem:v7+s12+$0x0] =	vst.idx.add.f32.msk $0xffff, v1  }
0x66f: {  	v14 =	vmul.f32 $8.192000000e+03, v14;
	v7 =	vcvt.f32.s32 v15;
	v11 =	vadd.s32 $0x2080, v11;
	v15 =	vld [tilespmem:s30+$0x840]  }
0x670: {  	v8 =	vadd.s32 $0x2080, v8;
	[tilespmem:v9+s12+$0x0] =	vst.idx.add.f32.msk $0xffff, v1;
	v9 =	vmul.f32 $8.192000000e+03, v12;
	v10 =	vtrunc.f32 v10  }
0x671: {  	v14 =	vadd.f32 $5.000000000e-01, v14;
	v7 =	vadd.s32 $0x2080, v7;
	v12 =	vld [tilespmem:s28+$0x60];
	v10 =	vcvt.f32.s32 v10  }
0x672: {  	v13 =	vmul.f32 $8.192000000e+03, v13;
	v9 =	vadd.f32 $5.000000000e-01, v9;
	[tilespmem:v6+s12+$0x0] =	vst.idx.add.f32.msk $0xffff, v1  }
0x673: {  	v6 =	vtrunc.f32 v14;
	v10 =	vadd.s32 $0x2080, v10;
	v14 =	vld [tilespmem:s23+$0x860]  }
0x674: {  	v6 =	vcvt.f32.s32 v6;
	[tilespmem:v11+s12+$0x0] =	vst.idx.add.f32.msk $0xffff, v1;
	v11 =	vadd.f32 $5.000000000e-01, v13;
	v9 =	vtrunc.f32 v9  }
0x675: {  	[tilespmem:v8+s12+$0x0] =	vst.idx.add.f32.msk $0xffff, v1;
	v8 =	vcvt.f32.s32 v9;
	v9 =	vmul.f32 $8.192000000e+03, v15  }
0x676: {  	v6 =	vadd.s32 $0x2080, v6;
	v13 =	vld [tilespmem:s4+$0x10];
	v12 =	vmul.f32 $8.192000000e+03, v12;
	v11 =	vtrunc.f32 v11  }
0x677: {  	[tilespmem:v7+s12+$0x0] =	vst.idx.add.f32.msk $0xffff, v1;
	v7 =	vcvt.f32.s32 v11;
	v8 =	vadd.s32 $0x2080, v8;
	v9 =	vadd.f32 $5.000000000e-01, v9  }
0x678: {  	v11 =	vadd.f32 $5.000000000e-01, v12;
	[tilespmem:v10+s12+$0x0] =	vst.idx.add.f32.msk $0xffff, v1;
	v10 =	vmul.f32 $8.192000000e+03, v14  }
0x679: {  	v7 =	vadd.s32 $0x2080, v7;
	v12 =	vld [tilespmem:s25+$0x810];
	v9 =	vtrunc.f32 v9  }
0x67a: {  	v14 =	vld [tilespmem:s3+$0x10];
	v11 =	vtrunc.f32 v11;
	v9 =	vcvt.f32.s32 v9;
	v10 =	vadd.f32 $5.000000000e-01, v10  }
0x67b: {  	v13 =	vmul.f32 $8.192000000e+03, v13;
	v15 =	vld [tilespmem:s26+$0x60];
	v11 =	vcvt.f32.s32 v11  }
0x67c: {  	[tilespmem:v6+s12+$0x0] =	vst.idx.add.f32.msk $0xffff, v1;
	v6 =	vadd.s32 $0x2080, v9;
	v9 =	vtrunc.f32 v10  }
0x67d: {  	v10 =	vadd.f32 $5.000000000e-01, v13;
	v11 =	vadd.s32 $0x2080, v11;
	v13 =	vld [tilespmem:s29+$0x430];
	v9 =	vcvt.f32.s32 v9  }
0x67e: {  	[tilespmem:v7+s12+$0x0] =	vst.idx.add.f32.msk $0xffff, v1;
	v7 =	vmul.f32 $8.192000000e+03, v12  }
0x67f: {  	v12 =	vmul.f32 $8.192000000e+03, v14;
	v10 =	vtrunc.f32 v10;
	v14 =	vld [tilespmem:s31+$0x440];
	v9 =	vadd.s32 $0x2080, v9  }
0x680: {  	v10 =	vcvt.f32.s32 v10;
	v15 =	vmul.f32 $8.192000000e+03, v15;
	[tilespmem:v8+s12+$0x0] =	vst.idx.add.f32.msk $0xffff, v1;
	v7 =	vadd.f32 $5.000000000e-01, v7  }
0x681: {  	v8 =	vadd.f32 $5.000000000e-01, v12;
	v12 =	vld [tilespmem:s24+$0x800]  }
0x682: {  	v10 =	vadd.s32 $0x2080, v10;
	v15 =	vadd.f32 $5.000000000e-01, v15;
	[tilespmem:v11+s12+$0x0] =	vst.idx.add.f32.msk $0xffff, v1;
	v7 =	vtrunc.f32 v7  }
0x683: {  	v8 =	vtrunc.f32 v8;
	v11 =	vld [tilespmem:s28+$0x70];
	v7 =	vcvt.f32.s32 v7  }
0x684: {  	v8 =	vcvt.f32.s32 v8;
	v14 =	vmul.f32 $8.192000000e+03, v14;
	[tilespmem:v9+s12+$0x0] =	vst.idx.add.f32.msk $0xffff, v1  }
0x685: {  	v13 =	vmul.f32 $8.192000000e+03, v13;
	v9 =	vtrunc.f32 v15;
	v7 =	vadd.s32 $0x2080, v7;
	v15 =	vld [tilespmem:s23+$0x870];
	s23 =	smov.u32 s25;
	s25 =	smov.u32 s31;
	s31 =	smov.u32 s28  }
0x686: {  	v9 =	vcvt.f32.s32 v9;
	s28 =	smov.u32 s4;
	v8 =	vadd.s32 $0x2080, v8;
	v14 =	vadd.f32 $5.000000000e-01, v14;
	[tilespmem:v6+s12+$0x0] =	vst.idx.add.f32.msk $0xffff, v1  }
0x687: {  	v6 =	vadd.f32 $5.000000000e-01, v13;
	[tilespmem:v10+s12+$0x0] =	vst.idx.add.f32.msk $0xffff, v1;
	v10 =	vmul.f32 $8.192000000e+03, v12  }
0x688: {  	v9 =	vadd.s32 $0x2080, v9;
	v12 =	vld [tilespmem:s28+$0x20];
	v13 =	vtrunc.f32 v14  }
0x689: {  	v11 =	vmul.f32 $8.192000000e+03, v11;
	v13 =	vcvt.f32.s32 v13;
	v10 =	vadd.f32 $5.000000000e-01, v10;
	v14 =	vld [tilespmem:s30+$0x850]  }
0x68a: {  	v6 =	vtrunc.f32 v6;
	[tilespmem:v7+s12+$0x0] =	vst.idx.add.f32.msk $0xffff, v1;
	v7 =	vmul.f32 $8.192000000e+03, v15  }
0x68b: {  	v6 =	vcvt.f32.s32 v6;
	v11 =	vadd.f32 $5.000000000e-01, v11;
	v13 =	vadd.s32 $0x2080, v13;
	v15 =	vld [tilespmem:s23+$0x820]  }
0x68c: {  	[tilespmem:v8+s12+$0x0] =	vst.idx.add.f32.msk $0xffff, v1;
	v8 =	vtrunc.f32 v10;
	v7 =	vadd.f32 $5.000000000e-01, v7  }
0x68d: {  	v6 =	vadd.s32 $0x2080, v6;
	v11 =	vtrunc.f32 v11;
	v10 =	vld [tilespmem:s3+$0x20];
	v12 =	vmul.f32 $8.192000000e+03, v12  }
0x68e: {  	[tilespmem:v9+s12+$0x0] =	vst.idx.add.f32.msk $0xffff, v1;
	v9 =	vcvt.f32.s32 v11;
	v7 =	vtrunc.f32 v7  }
0x68f: {  	v8 =	vcvt.f32.s32 v8;
	v11 =	vld [tilespmem:s26+$0x70];
	v7 =	vcvt.f32.s32 v7  }
0x690: {  	v12 =	vadd.f32 $5.000000000e-01, v12;
	v9 =	vadd.s32 $0x2080, v9;
	[tilespmem:v13+s12+$0x0] =	vst.idx.add.f32.msk $0xffff, v1;
	v13 =	vmul.f32 $8.192000000e+03, v15  }
0x691: {  	v14 =	vmul.f32 $8.192000000e+03, v14;
	v8 =	vadd.s32 $0x2080, v8;
	v15 =	vld [tilespmem:s25+$0x450];
	v7 =	vadd.s32 $0x2080, v7  }
0x692: {  	v12 =	vtrunc.f32 v12;
	v10 =	vmul.f32 $8.192000000e+03, v10;
	[tilespmem:v6+s12+$0x0] =	vst.idx.add.f32.msk $0xffff, v1;
	v6 =	vadd.f32 $5.000000000e-01, v13  }
0x693: {  	v14 =	vadd.f32 $5.000000000e-01, v14;
	v12 =	vcvt.f32.s32 v12;
	v13 =	vld [tilespmem:s29+$0x440]  }
0x694: {  	v10 =	vadd.f32 $5.000000000e-01, v10;
	v11 =	vmul.f32 $8.192000000e+03, v11;
	v6 =	vtrunc.f32 v6;
	[tilespmem:v5+s12+$0x0] =	vst.idx.add.f32.msk $0xffff, v1  }
0x695: {  	v5 =	vadd.s32 $0x2080, v12;
	[tilespmem:v9+s12+$0x0] =	vst.idx.add.f32.msk $0xffff, v1;
	v6 =	vcvt.f32.s32 v6;
	v9 =	vtrunc.f32 v14  }
0x696: {  	v10 =	vtrunc.f32 v10;
	v11 =	vadd.f32 $5.000000000e-01, v11;
	v12 =	vmul.f32 $8.192000000e+03, v15;
	[tilespmem:v7+s12+$0x0] =	vst.idx.add.f32.msk $0xffff, v1  }
0x697: {  	v9 =	vcvt.f32.s32 v9;
	v7 =	vcvt.f32.s32 v10;
	v10 =	vld [tilespmem:s31+$0x400];
	v6 =	vadd.s32 $0x2080, v6  }
0x698: {  	v11 =	vtrunc.f32 v11;
	v13 =	vmul.f32 $8.192000000e+03, v13;
	v12 =	vadd.f32 $5.000000000e-01, v12;
	[tilespmem:v8+s12+$0x0] =	vst.idx.add.f32.msk $0xffff, v1  }
0x699: {  	v9 =	vadd.s32 $0x2080, v9;
	v7 =	vadd.s32 $0x2080, v7;
	v8 =	vcvt.f32.s32 v11;
	v11 =	vld [tilespmem:s24+$0x810]  }
0x69a: {  	[tilespmem:v5+s12+$0x0] =	vst.idx.add.f32.msk $0xffff, v1;
	v5 =	vadd.f32 $5.000000000e-01, v13;
	v12 =	vtrunc.f32 v12  }
0x69b: {  	v13 =	vld [tilespmem:s28+$0x30];
	v8 =	vadd.s32 $0x2080, v8;
	v12 =	vcvt.f32.s32 v12  }
0x69c: {  	v10 =	vmul.f32 $8.192000000e+03, v10;
	v5 =	vtrunc.f32 v5;
	[tilespmem:v6+s12+$0x0] =	vst.idx.add.f32.msk $0xffff, v1  }
0x69d: {  	v5 =	vcvt.f32.s32 v5;
	v6 =	vadd.s32 $0x2080, v12;
	v12 =	vld [tilespmem:s23+$0x830]  }
0x69e: {  	[tilespmem:v7+s12+$0x0] =	vst.idx.add.f32.msk $0xffff, v1;
	v7 =	vadd.f32 $5.000000000e-01, v10;
	v10 =	vmul.f32 $8.192000000e+03, v11  }
0x69f: {  	v11 =	vld [tilespmem:s3+$0x30];
	v5 =	vadd.s32 $0x2080, v5  }
0x6a0: {  	v13 =	vmul.f32 $8.192000000e+03, v13;
	[tilespmem:v8+s12+$0x0] =	vst.idx.add.f32.msk $0xffff, v1;
	v7 =	vtrunc.f32 v7;
	v8 =	vadd.f32 $5.000000000e-01, v10  }
0x6a1: {  	v10 =	vld [tilespmem:s26+$0x400];
	v7 =	vcvt.f32.s32 v7  }
0x6a2: {  	v13 =	vadd.f32 $5.000000000e-01, v13;
	[tilespmem:v6+s12+$0x0] =	vst.idx.add.f32.msk $0xffff, v1;
	v6 =	vtrunc.f32 v8;
	v8 =	vmul.f32 $8.192000000e+03, v12  }
0x6a3: {  	v7 =	vadd.s32 $0x2080, v7;
	v12 =	vld [tilespmem:s25+$0x460];
	v6 =	vcvt.f32.s32 v6  }
0x6a4: {  	v11 =	vmul.f32 $8.192000000e+03, v11;
	v13 =	vtrunc.f32 v13;
	[tilespmem:v5+s12+$0x0] =	vst.idx.add.f32.msk $0xffff, v1;
	v5 =	vadd.f32 $5.000000000e-01, v8  }
0x6a5: {  	v8 =	vcvt.f32.s32 v13;
	v13 =	vld [tilespmem:s29+$0x450];
	v6 =	vadd.s32 $0x2080, v6  }
0x6a6: {  	v11 =	vadd.f32 $5.000000000e-01, v11;
	v10 =	vmul.f32 $8.192000000e+03, v10;
	v5 =	vtrunc.f32 v5;
	[tilespmem:v9+s12+$0x0] =	vst.idx.add.f32.msk $0xffff, v1  }
0x6a7: {  	v8 =	vadd.s32 $0x2080, v8;
	v5 =	vcvt.f32.s32 v5;
	v9 =	vld [tilespmem:s30+$0x860]  }
0x6a8: {  	v11 =	vtrunc.f32 v11;
	v10 =	vadd.f32 $5.000000000e-01, v10;
	[tilespmem:v7+s12+$0x0] =	vst.idx.add.f32.msk $0xffff, v1;
	v7 =	vmul.f32 $8.192000000e+03, v12  }
0x6a9: {  	v11 =	vcvt.f32.s32 v11;
	v12 =	vld [tilespmem:s31+$0x410];
	v5 =	vadd.s32 $0x2080, v5  }
0x6aa: {  	v10 =	vtrunc.f32 v10;
	v13 =	vmul.f32 $8.192000000e+03, v13;
	v7 =	vadd.f32 $5.000000000e-01, v7;
	[tilespmem:v6+s12+$0x0] =	vst.idx.add.f32.msk $0xffff, v1  }
0x6ab: {  	v6 =	vadd.s32 $0x2080, v11;
	v10 =	vcvt.f32.s32 v10;
	v11 =	vld [tilespmem:s24+$0x820]  }
0x6ac: {  	[tilespmem:v8+s12+$0x0] =	vst.idx.add.f32.msk $0xffff, v1;
	v8 =	vadd.f32 $5.000000000e-01, v13;
	v7 =	vtrunc.f32 v7;
	v9 =	vmul.f32 $8.192000000e+03, v9  }
0x6ad: {  	v13 =	vld [tilespmem:s28+$0x40];
	v10 =	vadd.s32 $0x2080, v10;
	v7 =	vcvt.f32.s32 v7  }
0x6ae: {  	v12 =	vmul.f32 $8.192000000e+03, v12;
	v8 =	vtrunc.f32 v8;
	[tilespmem:v5+s12+$0x0] =	vst.idx.add.f32.msk $0xffff, v1;
	v5 =	vadd.f32 $5.000000000e-01, v9  }
0x6af: {  	v8 =	vcvt.f32.s32 v8;
	v7 =	vadd.s32 $0x2080, v7;
	v9 =	vld [tilespmem:s23+$0x840]  }
0x6b0: {  	[tilespmem:v6+s12+$0x0] =	vst.idx.add.f32.msk $0xffff, v1;
	v6 =	vadd.f32 $5.000000000e-01, v12;
	v11 =	vmul.f32 $8.192000000e+03, v11;
	v5 =	vtrunc.f32 v5  }
0x6b1: {  	v12 =	vld [tilespmem:s3+$0x40];
	v8 =	vadd.s32 $0x2080, v8;
	v5 =	vcvt.f32.s32 v5  }
0x6b2: {  	v13 =	vmul.f32 $8.192000000e+03, v13;
	[tilespmem:v10+s12+$0x0] =	vst.idx.add.f32.msk $0xffff, v1;
	v6 =	vtrunc.f32 v6;
	v10 =	vadd.f32 $5.000000000e-01, v11  }
0x6b3: {  	v11 =	vld [tilespmem:s26+$0x410];
	v6 =	vcvt.f32.s32 v6;
	v5 =	vadd.s32 $0x2080, v5  }
0x6b4: {  	v13 =	vadd.f32 $5.000000000e-01, v13;
	[tilespmem:v7+s12+$0x0] =	vst.idx.add.f32.msk $0xffff, v1;
	v7 =	vtrunc.f32 v10;
	v9 =	vmul.f32 $8.192000000e+03, v9  }
0x6b5: {  	v6 =	vadd.s32 $0x2080, v6;
	v10 =	vld [tilespmem:s25+$0x470];
	v7 =	vcvt.f32.s32 v7  }
0x6b6: {  	v12 =	vmul.f32 $8.192000000e+03, v12;
	v13 =	vtrunc.f32 v13;
	[tilespmem:v8+s12+$0x0] =	vst.idx.add.f32.msk $0xffff, v1;
	v8 =	vadd.f32 $5.000000000e-01, v9  }
0x6b7: {  	v9 =	vcvt.f32.s32 v13;
	v13 =	vld [tilespmem:s29+$0x460];
	v14 =	vadd.s32 $0x2080, v7  }
.Ltmp18:
0x6b8: {  	v7 =	vadd.f32 $5.000000000e-01, v12;
	v11 =	vmul.f32 $8.192000000e+03, v11;
	v8 =	vtrunc.f32 v8;
	[tilespmem:v5+s12+$0x0] =	vst.idx.add.f32.msk $0xffff, v1;
	(pc) =	sbr.rel @p0 .LBB2_32-.Ltmp18, $4  }
0x6b9: {  	v12 =	vadd.s32 $0x2080, v9;
	v8 =	vcvt.f32.s32 v8;
	v5 =	vld [tilespmem:s30+$0x870];
	s30 =	smov.u32 s24;
	s24 =	smov.u32 s29;
	s29 =	smov.u32 s26  }
0x6ba: {  	s26 =	smov.u32 s3;
	v7 =	vtrunc.f32 v7;
	v9 =	vadd.f32 $5.000000000e-01, v11;
	[tilespmem:v6+s12+$0x0] =	vst.idx.add.f32.msk $0xffff, v1;
	v15 =	vmul.f32 $8.192000000e+03, v10  }
0x6bb: {  	v11 =	vcvt.f32.s32 v7;
	v10 =	vld [tilespmem:s31+$0x420];
	v6 =	vadd.s32 $0x2080, v8  }
0x6bc: {  	v9 =	vtrunc.f32 v9;
	v8 =	vmul.f32 $8.192000000e+03, v13;
	v7 =	vadd.f32 $5.000000000e-01, v15;
	[tilespmem:v14+s12+$0x0] =	vst.idx.add.f32.msk $0xffff, v1  }
.Ltmp19:
0x6bd: {  	(pc) =	sbr.rel .LBB2_34-.Ltmp19, $2  }
0x6be: {  	_ =	sdelay $0x2  }
0x6bf: {  	s0 =	smov.u32 s25;
	s25 =	smov.u32 s31  }
.LBB2_9:
.Ltmp20:
0x6c0: {  	(pc) =	sbr.rel .LBB2_20-.Ltmp20, $3  }
0x6c1: {  	_ =	sdelay $0x1  }
0x6c2: {  	s28 =	smov.u32 s21;
	s26 =	smov.u32 s20  }
0x6c3: {  	s29 =	smov.u32 s22;
	s10 =	smov.u32 s4;
	s11 =	smov.u32 s1  }
.LBB2_11:
.Ltmp21:
0x6c4: {  	(pc) =	sbr.rel .LBB2_20-.Ltmp21, $2  }
0x6c5: {  	_ =	sdelay $0x2  }
0x6c6: {  	s28 =	smov.u32 s15;
	s26 =	smov.u32 s9;
	s29 =	smov.u32 s2  }
.LBB2_25:
.Ltmp22:
0x6c7: {  	(pc) =	sbr.rel .LBB2_34-.Ltmp22, $3  }
0x6c8: {  	_ =	sdelay $0x1  }
0x6c9: {  	s28 =	smov.u32 s2  }
0x6ca: {  	s26 =	smov.u32 s22;
	s29 =	smov.u32 s20;
	s25 =	smov.u32 s21  }
.LBB2_13:
.Ltmp23:
0x6cb: {  	(pc) =	sbr.rel .LBB2_20-.Ltmp23, $4  }
0x6cc: {  	s23 =	smov.u32 s5;
	s24 =	smov.u32 s4;
	s3 =	smov.u32 s25  }
0x6cd: {  	s0 =	smov.u32 s16;
	s10 =	smov.u32 s28;
	s11 =	smov.u32 s26  }
0x6ce: {  	s28 =	smov.u32 s7;
	s26 =	smov.u32 s1;
	s29 =	smov.u32 s18  }
0x6cf: {  	s21 =	smov.u32 s15;
	s20 =	smov.u32 s9;
	s22 =	smov.u32 s2  }
.LBB2_27:
.Ltmp24:
0x6d0: {  	(pc) =	sbr.rel .LBB2_34-.Ltmp24, $3  }
0x6d1: {  	_ =	sdelay $0x1  }
0x6d2: {  	s28 =	smov.u32 s25;
	s26 =	smov.u32 s24;
	s0 =	smov.u32 s21  }
0x6d3: {  	s29 =	smov.u32 s22;
	s24 =	smov.u32 s20;
	s25 =	smov.u32 s2  }
.LBB2_15:
.Ltmp25:
0x6d4: {  	(pc) =	sbr.rel .LBB2_20-.Ltmp25, $4  }
0x6d5: {  	s28 =	smov.u32 s21  }
0x6d6: {  	s26 =	smov.u32 s20;
	s29 =	smov.u32 s22;
	s23 =	smov.u32 s2  }
0x6d7: {  	s30 =	smov.u32 s5;
	s24 =	smov.u32 s25;
	s31 =	smov.u32 s4  }
0x6d8: {  	v9 =	vmovc v4;
	v8 =	vmov v3;
	s21 =	smov.u32 s7;
	s20 =	smov.u32 s1;
	s22 =	smov.u32 s18;
	v10 =	vmov v5;
	v7 =	vmov v2  }
.LBB2_29:
.Ltmp26:
0x6d9: {  	(pc) =	sbr.rel .LBB2_34-.Ltmp26, $4  }
0x6da: {  	_ = 	snop  }
0x6db: {  	s26 =	smov.u32 s29  }
0x6dc: {  	s29 =	smov.u32 s24;
	s30 =	smov.u32 s20;
	s28 =	smov.u32 s31  }
0x6dd: {  	v6 =	vmov v2;
	s23 =	smov.u32 s21;
	s0 =	smov.u32 s2;
	s24 =	smov.u32 s22;
	v8 =	vmov v4;
	v7 =	vmov v3  }
.LBB2_17:
.Ltmp27:
0x6de: {  	(pc) =	sbr.rel .LBB2_20-.Ltmp27, $3  }
0x6df: {  	_ =	sdelay $0x1  }
0x6e0: {  	s3 =	smov.u32 s10;
	s0 =	smov.u32 s11;
	s10 =	smov.u32 s16  }
0x6e1: {  	s30 =	smov.u32 s2;
	s11 =	smov.u32 s9;
	s31 =	smov.u32 s25  }
.LBB2_31:
.Ltmp28:
0x6e2: {  	(pc) =	sbr.rel .LBB2_34-.Ltmp28, $3  }
0x6e3: {  	_ =	sdelay $0x1  }
0x6e4: {  	s0 =	smov.u32 s25  }
0x6e5: {  	s30 =	smov.u32 s22;
	s23 =	smov.u32 s2;
	s25 =	smov.u32 s31  }
.LBB2_36:
0x6e6: {  	_ =	sfence.sel $0x180000  }
0x6e7: {  	[bflag:$0x0] =	sbarrier.arrive $0xFFFF  }
0x6e8: {  	_ =	strace $0x90000047  }
0x6e9: {  	s0 =	stileid.u32;
	[bflag:$0x2] =	sbarrier.arrive $0xFFFF  }
0x6ea: {  	p0 =	sne.s32 s0, $0x0;
	s0 =	rddreg [dreg:$0x3]  }
0x6eb: {  	s0 =	sadd.s32 @!p0 $0x100000, s0  }
0x6ec: {  	[sflag:s0] =	ssyncadd.tile.s32 @!p0 $0x1;
	_ =	shalt  }
.Lfunc_end2:
_tile_overlayer_lowered:
.L_overlay_start_2:
0x6ed: {  	(tag) =	ssettag $0x2  }
0x6ee: {  	s0 =	rddreg [dreg:$0x0];
	s2 =	stileid.u32  }
0x6ef: {  	s1 =	rddreg [dreg:$0x1];
	p0 =	sne.s32 s2, $0x0  }
0x6f0: {  	s3 =	rddreg [dreg:$0x2];
	[bflag:$0x3] =	sbarrier.arrive $0xFFFF;
	s2 =	simm.s32 @!p0 $0x1C02  }
0x6f1: {  	[timem:s3], [sflag:s2] =	dma.local @!p0 [hbm:s0], s1  }
0x6f2: {  	s0 =	simm.s32 @!p0 $0x2  }
0x6f3: {  	_ =	swait.ge @!p0 [sflag:s0], s1  }
0x6f4: {  	s1 =	ssub.s32 @!p0 $0x0, s1;
	[sflag:s0] =	ssyncset.done @!p0 $0x0  }
0x6f5: {  	[sflag:s0] =	ssyncadd.s32 @!p0 s1  }
0x6f6: {  	[bflag:$0x3] =	sbarrier.arrive $0xFFFF  }
0x6f7: {  	_ =	shalt  }

</sc_bundles>
